<compile_context>
chip_gen: v7x
topology: tpu7x:2x2x1
jax: 0.10.2.dev20260603
libtpu: 0.0.44.dev20260713+nightly
codegen_flags: <defaults>
</compile_context>

<pallas_src>
import functools

import jax
import jax.numpy as jnp
from jax import lax
from jax.experimental import pallas as pl
from jax.experimental.pallas import tpu as pltpu
from jax.experimental.pallas import tpu_sc as plsc

N = 10000
NPAD = 10240
D = 128
NS = 16
SHARE = 8
MIDS = D // SHARE
EPS = 1e-5
TBL = 384

NH = 5000
NPAD_H = 5120

NW = 32
ROWS = NH * NS
ROWS_PAD = 81920
RPW = ROWS_PAD // NW
CHUNK = 128
NCHUNK = RPW // CHUNK

_HI = jax.lax.Precision.HIGHEST


def _k1_body(feat_ref, point_ref, wq_ref, bq_ref, wk_ref, bk_ref, wv_ref,
             bv_ref, wp1_ref, table_ref, fq_ref, tq_ref):
    f = feat_ref[...]
    p = point_ref[...]
    fq_ref[...] = jnp.dot(f, wq_ref[...], precision=_HI) + bq_ref[...]
    table_ref[:, 0:D] = jnp.dot(f, wk_ref[...], precision=_HI) + bk_ref[...]
    table_ref[:, D:2 * D] = jnp.dot(f, wv_ref[...], precision=_HI) + bv_ref[...]
    t = jnp.dot(p, wp1_ref[...], precision=_HI)
    table_ref[:, 2 * D:TBL] = jnp.concatenate(
        [t, jnp.zeros((t.shape[0], TBL - 2 * D - 3), jnp.float32)], axis=1)
    tq_ref[...] = jnp.concatenate(
        [t, jnp.zeros((t.shape[0], NS - 3), jnp.float32)], axis=1)


def _project(feat, point, Wq, bq, Wk, bk, Wv, bv, Wp1):
    B = 400
    grid = N // B
    return pl.pallas_call(
        _k1_body,
        grid=(grid,),
        in_specs=[
            pl.BlockSpec((B, D), lambda i: (i, 0)),
            pl.BlockSpec((B, 3), lambda i: (i, 0)),
            pl.BlockSpec((D, D), lambda i: (0, 0)),
            pl.BlockSpec((D,), lambda i: (0,)),
            pl.BlockSpec((D, D), lambda i: (0, 0)),
            pl.BlockSpec((D,), lambda i: (0,)),
            pl.BlockSpec((D, D), lambda i: (0, 0)),
            pl.BlockSpec((D,), lambda i: (0,)),
            pl.BlockSpec((3, 3), lambda i: (0, 0)),
        ],
        out_specs=[
            pl.BlockSpec((B, TBL), lambda i: (i, 0)),
            pl.BlockSpec((B, D), lambda i: (i, 0)),
            pl.BlockSpec((B, NS), lambda i: (i, 0)),
        ],
        out_shape=[
            jax.ShapeDtypeStruct((N, TBL), jnp.float32),
            jax.ShapeDtypeStruct((N, D), jnp.float32),
            jax.ShapeDtypeStruct((N, NS), jnp.float32),
        ],
    )(feat, point, Wq, bq, Wk, bk, Wv, bv, Wp1)


def _k2_body(q_ref, kt_ref, idx_ref):
    q = q_ref[...]
    kt = kt_ref[...]
    qk = jnp.dot((-2.0 * q).astype(jnp.bfloat16), kt.astype(jnp.bfloat16),
                 preferred_element_type=jnp.float32)
    sqq = jnp.sum(q * q, axis=1, keepdims=True)
    sqk = jnp.sum(kt * kt, axis=0, keepdims=True)
    vals = (sqq + sqk) + qk
    bq = q.shape[0]

    W = 256
    G = NPAD // W
    BIGF = jnp.float32(3e38)
    BIGI = jnp.int32(2**30)
    m1 = jnp.full((bq, W), BIGF, jnp.float32)
    m2 = jnp.full((bq, W), BIGF, jnp.float32)
    m3 = jnp.full((bq, W), BIGF, jnp.float32)
    zi = jnp.zeros((bq, W), jnp.int32)
    a1, a2, a3 = zi, zi, zi
    for g in range(G):
        x = vals[:, g * W:(g + 1) * W]
        gi = jnp.int32(g)
        lt1 = x < m1
        lt2 = x < m2
        lt3 = x < m3
        a3 = jnp.where(lt2, a2, jnp.where(lt3, gi, a3))
        m3 = jnp.where(lt2, m2, jnp.where(lt3, x, m3))
        a2 = jnp.where(lt1, a1, jnp.where(lt2, gi, a2))
        m2 = jnp.where(lt1, m1, jnp.where(lt2, x, m2))
        a1 = jnp.where(lt1, gi, a1)
        m1 = jnp.where(lt1, x, m1)

    lane = lax.broadcasted_iota(jnp.int32, (bq, W), 1)
    cols = []
    for _ in range(NS):
        m = jnp.min(m1, axis=1, keepdims=True)
        cand = jnp.where(m1 == m, a1 * W + lane, BIGI)
        col = jnp.min(cand, axis=1, keepdims=True)
        cols.append(col)
        sel = lane == (col & (W - 1))
        m1 = jnp.where(sel, m2, m1)
        a1 = jnp.where(sel, a2, a1)
        m2 = jnp.where(sel, m3, m2)
        a2 = jnp.where(sel, a3, a2)
        m3 = jnp.where(sel, BIGF, m3)
    idx_ref[...] = jnp.concatenate(cols, axis=1)


def _knn(pts_pad_q, pts_t):
    BQ = 512
    nq = pts_pad_q.shape[0]
    grid = nq // BQ
    return pl.pallas_call(
        _k2_body,
        grid=(grid,),
        in_specs=[
            pl.BlockSpec((BQ, 8), lambda i: (i, 0)),
            pl.BlockSpec((8, NPAD), lambda i: (0, 0)),
        ],
        out_specs=pl.BlockSpec((BQ, NS), lambda i: (i, 0)),
        out_shape=jax.ShapeDtypeStruct((nq, NS), jnp.int32),
    )(pts_pad_q, pts_t)


def _sc_gather(table, idx_flat):
    mesh = plsc.VectorSubcoreMesh(core_axis_name="c", subcore_axis_name="s")

    @functools.partial(
        pl.kernel,
        mesh=mesh,
        out_type=jax.ShapeDtypeStruct((ROWS_PAD, TBL), jnp.float32),
        scratch_types=[
            pltpu.VMEM((RPW,), jnp.int32),
            pltpu.VMEM((CHUNK, TBL), jnp.float32),
            pltpu.VMEM((CHUNK, TBL), jnp.float32),
            pltpu.SemaphoreType.DMA,
            pltpu.SemaphoreType.DMA,
            pltpu.SemaphoreType.DMA,
            pltpu.SemaphoreType.DMA,
        ],
    )
    def gather_kernel(table_hbm, idx_hbm, out_hbm, idx_v, buf0, buf1,
                      sg0, sg1, ss0, ss1):
        wid = lax.axis_index("s") * 2 + lax.axis_index("c")
        base = wid * RPW
        pltpu.sync_copy(idx_hbm.at[pl.ds(base, RPW)], idx_v)

        def pair(i, carry):
            c0 = 2 * i
            c1 = 2 * i + 1
            o0 = base + c0 * CHUNK
            o1 = base + c1 * CHUNK

            @pl.when(i > 0)
            def _():
                pltpu.make_async_copy(
                    buf0, out_hbm.at[pl.ds(o0, CHUNK)], ss0).wait()

            g0 = pltpu.async_copy(
                table_hbm.at[idx_v.at[pl.ds(c0 * CHUNK, CHUNK)]], buf0, sg0)

            @pl.when(i > 0)
            def _():
                pltpu.make_async_copy(
                    buf1, out_hbm.at[pl.ds(o1, CHUNK)], ss1).wait()

            g1 = pltpu.async_copy(
                table_hbm.at[idx_v.at[pl.ds(c1 * CHUNK, CHUNK)]], buf1, sg1)
            g0.wait()
            pltpu.async_copy(buf0, out_hbm.at[pl.ds(o0, CHUNK)], ss0)
            g1.wait()
            pltpu.async_copy(buf1, out_hbm.at[pl.ds(o1, CHUNK)], ss1)
            return carry

        lax.fori_loop(0, NCHUNK // 2, pair, 0)
        pltpu.make_async_copy(buf0, out_hbm.at[pl.ds(base, CHUNK)], ss0).wait()
        pltpu.make_async_copy(buf1, out_hbm.at[pl.ds(base, CHUNK)], ss1).wait()

    return gather_kernel(table, idx_flat)


def _k4_body(g_ref, q_ref, tq_ref, bp1_ref, gp_ref, bpp_ref, wp2_ref,
             bp2_ref, gw1_ref, bw1_ref, ww1t_ref, bww1_ref, gw2_ref,
             bw2_ref, ww2b_ref, bww2_ref, ones_ref, out_ref):
    B = q_ref.shape[0]
    BL = B * NS
    inv = jnp.float32(1.0 / jnp.sqrt(1.0 + EPS))

    g = g_ref[...]
    kg = g[:, 0:D]
    vg = g[:, D:2 * D]
    tn = g[:, 2 * D:2 * D + NS]

    ti = tq_ref[...]
    pr = tn.reshape(B, NS, NS) - ti[:, None, :]
    pr = pr + bp1_ref[...]
    pr = jax.nn.relu(pr * inv * gp_ref[...] + bpp_ref[...])
    point_r = jnp.dot(pr.reshape(BL, NS), wp2_ref[...],
                      precision=_HI) + bp2_ref[...]

    q = q_ref[...]
    qb = jnp.broadcast_to(q[:, None, :], (B, NS, D)).reshape(BL, D)
    w = kg - qb + point_r
    w = jax.nn.relu(w * inv * gw1_ref[...] + bw1_ref[...])
    w = jnp.dot(w, ww1t_ref[...], precision=_HI) + bww1_ref[...]
    w = jax.nn.relu(w * inv * gw2_ref[...] + bw2_ref[...])
    w = jnp.dot(w, ww2b_ref[...], precision=_HI) + bww2_ref[...]

    e = jnp.exp(w)
    s = jnp.dot(e, ones_ref[...], precision=_HI)
    wt = e / s

    fv = (vg + point_r) * wt
    out_ref[...] = jnp.sum(fv.reshape(B, NS, D), axis=1)


def _attn(gathered, feat_q, t_own, bp1_16, gp_16, bpp_16, Wp2_16, bp2,
          gw1, betaw1, Ww1_t8, bww1_t8, gw2_t8, bw2_t8, Ww2_bd, bww2_t8,
          ones_bd):
    B = 200
    grid = NH // B
    full = lambda shape: pl.BlockSpec(shape, lambda i: tuple(0 for _ in shape))
    return pl.pallas_call(
        _k4_body,
        grid=(grid,),
        in_specs=[
            pl.BlockSpec((B * NS, TBL), lambda i: (i, 0)),
            pl.BlockSpec((B, D), lambda i: (i, 0)),
            pl.BlockSpec((B, NS), lambda i: (i, 0)),
            full((NS,)), full((NS,)), full((NS,)),
            full((NS, D)), full((D,)),
            full((D,)), full((D,)),
            full((D, D)), full((D,)),
            full((D,)), full((D,)),
            full((D, D)), full((D,)),
            full((D, D)),
        ],
        out_specs=pl.BlockSpec((B, D), lambda i: (i, 0)),
        out_shape=jax.ShapeDtypeStruct((NH, D), jnp.float32),
    )(gathered, feat_q, t_own, bp1_16, gp_16, bpp_16, Wp2_16, bp2,
      gw1, betaw1, Ww1_t8, bww1_t8, gw2_t8, bw2_t8, Ww2_bd, bww2_t8,
      ones_bd)


def kernel(point, feat, row_splits, Wq, bq, Wk, bk, Wv, bv, Wp1, bp1, gp,
           betap, Wp2, bp2, gw1, betaw1, Ww1, bww1, gw2, betaw2, Ww2, bww2):
    table, feat_q, t_own = _project(feat, point, Wq, bq, Wk, bk, Wv, bv, Wp1)

    pts_pad = jnp.full((NPAD, 8), 1e4, jnp.float32)
    pts_pad = lax.dynamic_update_slice(
        pts_pad, jnp.pad(point, ((0, 0), (0, 5))), (0, 0))
    pts_t = pts_pad.T

    pad16 = lambda v: jnp.pad(v, (0, NS - 3))
    tile8 = lambda v: jnp.tile(v, SHARE)
    bp1_16, gp_16, bpp_16 = pad16(bp1), pad16(gp), pad16(betap)
    Wp2_16 = jnp.pad(Wp2, ((0, NS - 3), (0, 0)))
    Ww1_t8 = jnp.tile(Ww1, (1, SHARE))
    Ww2_bd = jnp.kron(jnp.eye(SHARE, dtype=jnp.float32), Ww2)
    ones_bd = jnp.kron(jnp.eye(SHARE, dtype=jnp.float32),
                       jnp.ones((MIDS, MIDS), jnp.float32))
    bww1_t8, gw2_t8 = tile8(bww1), tile8(gw2)
    bw2_t8, bww2_t8 = tile8(betaw2), tile8(bww2)

    outs = []
    for h in range(2):
        q_h = lax.dynamic_slice(pts_pad, (h * NH, 0), (NPAD_H, 8))
        idx_h = _knn(q_h, pts_t)[:NH]
        idx_flat = jnp.pad(idx_h.reshape(-1), (0, ROWS_PAD - ROWS))
        gathered = _sc_gather(table, idx_flat)
        out_h = _attn(gathered,
                      lax.dynamic_slice(feat_q, (h * NH, 0), (NH, D)),
                      lax.dynamic_slice(t_own, (h * NH, 0), (NH, NS)),
                      bp1_16, gp_16, bpp_16, Wp2_16, bp2, gw1, betaw1,
                      Ww1_t8, bww1_t8, gw2_t8, bw2_t8, Ww2_bd, bww2_t8,
                      ones_bd)
        outs.append(out_h)
    return jnp.concatenate(outs, axis=0)

# --- scband reference (transcript-rebuilt; emitter-appended) ---
"""Pipeline reference for scband-transformer-74440373174611 (READ-ONLY COPY).

The authoritative reference and input builder live on the scoring server;
editing this copy changes nothing except your own understanding.
"""

import jax, jax.numpy as jnp
import numpy as np

N = 10000
IN_PLANES = 128
OUT_PLANES = 128
MID = 128
NSAMPLE = 16
SHARE = 8
EPS = 1e-5


def setup_inputs(seed: int = 0):
    key = jax.random.key(seed)
    ks = jax.random.split(key, 16)

    def dense_w(k, fan_in, fan_out):
        return (jax.random.normal(k, (fan_in, fan_out), dtype=jnp.float32) / np.sqrt(fan_in)).astype(jnp.float32)

    inp = {}
    inp["point"] = jax.random.uniform(ks[0], (N, 3), dtype=jnp.float32) * 10.0
    inp["feat"] = jax.random.normal(ks[1], (N, IN_PLANES), dtype=jnp.float32)
    inp["row_splits"] = jnp.array([0, N], dtype=jnp.int32)
    inp["Wq"] = dense_w(ks[2], IN_PLANES, MID); inp["bq"] = jnp.zeros((MID,), jnp.float32)
    inp["Wk"] = dense_w(ks[3], IN_PLANES, MID); inp["bk"] = jnp.zeros((MID,), jnp.float32)
    inp["Wv"] = dense_w(ks[4], IN_PLANES, OUT_PLANES); inp["bv"] = jnp.zeros((OUT_PLANES,), jnp.float32)
    inp["Wp1"] = dense_w(ks[5], 3, 3); inp["bp1"] = jnp.zeros((3,), jnp.float32)
    inp["gp"] = jnp.ones((3,), jnp.float32); inp["betap"] = jnp.zeros((3,), jnp.float32)
    inp["Wp2"] = dense_w(ks[6], 3, OUT_PLANES); inp["bp2"] = jnp.zeros((OUT_PLANES,), jnp.float32)
    inp["gw1"] = jnp.ones((MID,), jnp.float32); inp["betaw1"] = jnp.zeros((MID,), jnp.float32)
    inp["Ww1"] = dense_w(ks[7], MID, MID // SHARE); inp["bww1"] = jnp.zeros((MID // SHARE,), jnp.float32)
    inp["gw2"] = jnp.ones((MID // SHARE,), jnp.float32); inp["betaw2"] = jnp.zeros((MID // SHARE,), jnp.float32)
    inp["Ww2"] = dense_w(ks[8], MID // SHARE, OUT_PLANES // SHARE); inp["bww2"] = jnp.zeros((OUT_PLANES // SHARE,), jnp.float32)
    return inp


def _bn_inference(x, gamma, beta):
    # freshly-initialized keras BatchNormalization at inference: moving_mean=0, moving_var=1
    return x / jnp.sqrt(1.0 + EPS) * gamma + beta


def _knn_idx(points, k):
    # brute-force exact knn over the single batch segment (row_splits=[0,N]),
    # matching o3c NearestNeighborSearch.knn_search (non-differentiable index op)
    pts = jax.lax.stop_gradient(points)
    sq = jnp.sum(pts * pts, axis=-1)
    d2 = sq[:, None] + sq[None, :] - 2.0 * (pts @ pts.T)
    _, idx = jax.lax.top_k(-d2, k)
    return idx


def reference(point, feat, row_splits, Wq, bq, Wk, bk, Wv, bv, Wp1, bp1, gp, betap, Wp2, bp2, gw1, betaw1, Ww1, bww1, gw2, betaw2, Ww2, bww2):
    idx = _knn_idx(point, NSAMPLE)                      # (N, nsample)
    feat_q = feat @ Wq + bq                             # (N, mid)
    feat_k = feat @ Wk + bk                             # (N, mid)
    feat_v = feat @ Wv + bv                             # (N, out)
    # queryandgroup with use_xyz=True / False
    grouped_xyz = point[idx] - point[:, None, :]        # (N, ns, 3)
    grouped_k = feat_k[idx]                             # (N, ns, mid)
    grouped_v = feat_v[idx]                             # (N, ns, out)
    # linear_p: Dense(3) -> BN -> ReLU -> Dense(out)
    pr = grouped_xyz @ Wp1 + bp1
    pr = jax.nn.relu(_bn_inference(pr, gp, betap))
    point_r = pr @ Wp2 + bp2                            # (N, ns, out)
    # w = feat_k - feat_q + sum over (out//mid == 1) groups of point_r
    w = grouped_k - feat_q[:, None, :] + point_r
    # linear_w: BN -> ReLU -> Dense(mid//share) -> BN -> ReLU -> Dense(out//share)
    w = jax.nn.relu(_bn_inference(w, gw1, betaw1))
    w = w @ Ww1 + bww1
    w = jax.nn.relu(_bn_inference(w, gw2, betaw2))
    w = w @ Ww2 + bww2                                  # (N, ns, out//share)
    w = jax.nn.softmax(w, axis=-1)
    n = grouped_v.shape[0]
    fv = (grouped_v + point_r).reshape(n, NSAMPLE, SHARE, OUT_PLANES // SHARE)
    out = jnp.sum(fv * w[:, :, None, :], axis=1).reshape(n, OUT_PLANES)
    return out

if __name__ == "__main__":
    import jax
    _d = setup_inputs()
    print(jax.jit(kernel)(*tuple(_d.values())))

</pallas_src>

<mosaic_0001>
#map = affine_map<(d0, d1) -> (0, 0)>
#map1 = affine_map<(d0, d1) -> (0)>
module attributes {stable_mosaic.version = 14 : i64} {
  func.func @gather_kernel(%arg0: i32, %arg1: i32, %arg2: memref<10000x384xf32, #tpu.memory_space<hbm>>, %arg3: memref<81920xi32, #tpu.memory_space<hbm>>, %arg4: memref<81920x384xf32, #tpu.memory_space<hbm>>, %arg5: memref<2560xi32, #tpu.memory_space<vmem>>, %arg6: memref<128x384xf32, #tpu.memory_space<vmem>>, %arg7: memref<128x384xf32, #tpu.memory_space<vmem>>, %arg8: memref<!tpu.dma_semaphore, #tpu.memory_space<semaphore_mem>>, %arg9: memref<!tpu.dma_semaphore, #tpu.memory_space<semaphore_mem>>, %arg10: memref<!tpu.dma_semaphore, #tpu.memory_space<semaphore_mem>>, %arg11: memref<!tpu.dma_semaphore, #tpu.memory_space<semaphore_mem>>) attributes {dimension_semantics = [#tpu.dimension_semantics<core_parallel>, #tpu.dimension_semantics<subcore_parallel>], iteration_bounds = array<i64: 2, 16>, scalar_prefetch = 0 : i64, scratch_operands = 7 : i64, tpu.core_type = #tpu.core_type<sc_vector_subcore>, window_params = [{transform_indices = #map}, {transform_indices = #map1}, {transform_indices = #map}]} {
    %mul3A = arith.constant 2 : i32
    %mul3A_0 = arith.muli %arg1, %mul3A : i32
    %add3A = arith.addi %mul3A_0, %arg0 : i32
    %mul3A_1 = arith.constant 2560 : i32
    %mul3A_2 = arith.muli %add3A, %mul3A_1 : i32
    "tpu.region"() ({
      %run_scoped3A = tpu.sem_alloc : memref<!tpu.dma_semaphore, #tpu.memory_space<semaphore_mem>>
      %dma_start3A = tpu.memref_slice %arg3[%mul3A_2] : memref<81920xi32, #tpu.memory_space<hbm>> -> memref<2560xi32, #tpu.memory_space<hbm>>
      %dma_start3A_15 = tpu.memref_slice %arg3[%mul3A_2] : memref<81920xi32, #tpu.memory_space<hbm>> -> memref<2560xi32, #tpu.memory_space<hbm>>
      tpu.enqueue_dma source(%dma_start3A_15 : memref<2560xi32, #tpu.memory_space<hbm>>) target(%arg5 : memref<2560xi32, #tpu.memory_space<vmem>>) target_semaphore(%run_scoped3A : memref<!tpu.dma_semaphore, #tpu.memory_space<semaphore_mem>>)
      %dma_wait3A_16 = tpu.memref_slice %arg3[%mul3A_2] : memref<81920xi32, #tpu.memory_space<hbm>> -> memref<2560xi32, #tpu.memory_space<hbm>>
      %dma_wait3A_17 = tpu.memref_slice %arg3[%mul3A_2] : memref<81920xi32, #tpu.memory_space<hbm>> -> memref<2560xi32, #tpu.memory_space<hbm>>
      tpu.wait_dma2 semaphore(%run_scoped3A : memref<!tpu.dma_semaphore, #tpu.memory_space<semaphore_mem>>) src(%dma_wait3A_17 : memref<2560xi32, #tpu.memory_space<hbm>>) dst(%arg5 : memref<2560xi32, #tpu.memory_space<vmem>>)
      tpu.yield
    }) : () -> ()
    %scan3A = arith.constant 0 : i32
    %scan3A_3 = arith.constant 0 : i32
    %scan3A_4 = arith.constant 10 : i32
    %scan3A_5 = arith.addi %scan3A_3, %scan3A_4 : i32
    %scan3A_6 = arith.constant 1 : i32
    scf.for %scan3A_15 = %scan3A_3 to %scan3A_5 step %scan3A_6  : i32 {
      %mul3A_16 = arith.constant 2 : i32
      %mul3A_17 = arith.muli %mul3A_16, %scan3A_15 : i32
      %mul3A_18 = arith.constant 2 : i32
      %mul3A_19 = arith.muli %mul3A_18, %scan3A_15 : i32
      %add3A_20 = arith.constant 1 : i32
      %add3A_21 = arith.addi %mul3A_19, %add3A_20 : i32
      %mul3A_22 = arith.constant 128 : i32
      %mul3A_23 = arith.muli %mul3A_17, %mul3A_22 : i32
      %add3A_24 = arith.addi %mul3A_2, %mul3A_23 : i32
      %mul3A_25 = arith.constant 128 : i32
      %mul3A_26 = arith.muli %add3A_21, %mul3A_25 : i32
      %add3A_27 = arith.addi %mul3A_2, %mul3A_26 : i32
      %gt3A = arith.constant 0 : i32
      %gt3A_28 = arith.cmpi sgt, %scan3A_15, %gt3A : i32
      %convert_element_type3A = arith.extui %gt3A_28 : i1 to i32
      %cond3A = arith.constant 0 : i32
      %cond3A_29 = arith.cmpi ne, %convert_element_type3A, %cond3A : i32
      scf.if %cond3A_29 {
        %dma_wait3A_62 = arith.constant 0 : i32
        %dma_wait3A_63 = tpu.memref_slice %arg4[%add3A_24, %dma_wait3A_62] : memref<81920x384xf32, #tpu.memory_space<hbm>> -> memref<128x384xf32, #tpu.memory_space<hbm>>
        %dma_wait3A_64 = arith.constant 0 : i32
        %dma_wait3A_65 = tpu.memref_slice %arg4[%add3A_24, %dma_wait3A_64] : memref<81920x384xf32, #tpu.memory_space<hbm>> -> memref<128x384xf32, #tpu.memory_space<hbm>>
        tpu.wait_dma2 semaphore(%arg10 : memref<!tpu.dma_semaphore, #tpu.memory_space<semaphore_mem>>) src(%arg6 : memref<128x384xf32, #tpu.memory_space<vmem>>) dst(%dma_wait3A_65 : memref<128x384xf32, #tpu.memory_space<hbm>>)
      } else {
      }
      %mul3A_30 = arith.constant 128 : i32
      %mul3A_31 = arith.muli %mul3A_17, %mul3A_30 : i32
      %dma_start3A = tpu.memref_slice %arg5[%mul3A_31] : memref<2560xi32, #tpu.memory_space<vmem>> -> memref<128xi32, #tpu.memory_space<vmem>>
      %dma_start3A_32 = arith.constant 0 : i32
      %dma_start3A_33 = arith.constant 0 : i32
      %dma_start3A_34 = tpu.memref_slice %arg2[%dma_start3A_32, %dma_start3A_33] : memref<10000x384xf32, #tpu.memory_space<hbm>> -> memref<10000x384xf32, #tpu.memory_space<hbm>>
      tpu.enqueue_indirect_dma source(%dma_start3A_34 : memref<10000x384xf32, #tpu.memory_space<hbm>>) target(%arg6 : memref<128x384xf32, #tpu.memory_space<vmem>>) offsets(%dma_start3A : memref<128xi32, #tpu.memory_space<vmem>>) semaphore(%arg8 : memref<!tpu.dma_semaphore, #tpu.memory_space<semaphore_mem>>)
      %gt3A_35 = arith.constant 0 : i32
      %gt3A_36 = arith.cmpi sgt, %scan3A_15, %gt3A_35 : i32
      %convert_element_type3A_37 = arith.extui %gt3A_36 : i1 to i32
      %cond3A_38 = arith.constant 0 : i32
      %cond3A_39 = arith.cmpi ne, %convert_element_type3A_37, %cond3A_38 : i32
      scf.if %cond3A_39 {
        %dma_wait3A_62 = arith.constant 0 : i32
        %dma_wait3A_63 = tpu.memref_slice %arg4[%add3A_27, %dma_wait3A_62] : memref<81920x384xf32, #tpu.memory_space<hbm>> -> memref<128x384xf32, #tpu.memory_space<hbm>>
        %dma_wait3A_64 = arith.constant 0 : i32
        %dma_wait3A_65 = tpu.memref_slice %arg4[%add3A_27, %dma_wait3A_64] : memref<81920x384xf32, #tpu.memory_space<hbm>> -> memref<128x384xf32, #tpu.memory_space<hbm>>
        tpu.wait_dma2 semaphore(%arg11 : memref<!tpu.dma_semaphore, #tpu.memory_space<semaphore_mem>>) src(%arg7 : memref<128x384xf32, #tpu.memory_space<vmem>>) dst(%dma_wait3A_65 : memref<128x384xf32, #tpu.memory_space<hbm>>)
      } else {
      }
      %mul3A_40 = arith.constant 128 : i32
      %mul3A_41 = arith.muli %add3A_21, %mul3A_40 : i32
      %dma_start3A_42 = tpu.memref_slice %arg5[%mul3A_41] : memref<2560xi32, #tpu.memory_space<vmem>> -> memref<128xi32, #tpu.memory_space<vmem>>
      %dma_start3A_43 = arith.constant 0 : i32
      %dma_start3A_44 = arith.constant 0 : i32
      %dma_start3A_45 = tpu.memref_slice %arg2[%dma_start3A_43, %dma_start3A_44] : memref<10000x384xf32, #tpu.memory_space<hbm>> -> memref<10000x384xf32, #tpu.memory_space<hbm>>
      tpu.enqueue_indirect_dma source(%dma_start3A_45 : memref<10000x384xf32, #tpu.memory_space<hbm>>) target(%arg7 : memref<128x384xf32, #tpu.memory_space<vmem>>) offsets(%dma_start3A_42 : memref<128xi32, #tpu.memory_space<vmem>>) semaphore(%arg9 : memref<!tpu.dma_semaphore, #tpu.memory_space<semaphore_mem>>)
      %dma_wait3A_46 = tpu.memref_slice %arg5[%mul3A_31] : memref<2560xi32, #tpu.memory_space<vmem>> -> memref<128xi32, #tpu.memory_space<vmem>>
      %dma_wait3A_47 = arith.constant 0 : i32
      %dma_wait3A_48 = arith.constant 0 : i32
      %dma_wait3A_49 = tpu.memref_slice %arg2[%dma_wait3A_47, %dma_wait3A_48] : memref<10000x384xf32, #tpu.memory_space<hbm>> -> memref<10000x384xf32, #tpu.memory_space<hbm>>
      tpu.wait_indirect_dma semaphore(%arg8 : memref<!tpu.dma_semaphore, #tpu.memory_space<semaphore_mem>>) src(%dma_wait3A_49 : memref<10000x384xf32, #tpu.memory_space<hbm>>) dst(%arg6 : memref<128x384xf32, #tpu.memory_space<vmem>>)
      %dma_start3A_50 = arith.constant 0 : i32
      %dma_start3A_51 = tpu.memref_slice %arg4[%add3A_24, %dma_start3A_50] : memref<81920x384xf32, #tpu.memory_space<hbm>> -> memref<128x384xf32, #tpu.memory_space<hbm>>
      %dma_start3A_52 = arith.constant 0 : i32
      %dma_start3A_53 = tpu.memref_slice %arg4[%add3A_24, %dma_start3A_52] : memref<81920x384xf32, #tpu.memory_space<hbm>> -> memref<128x384xf32, #tpu.memory_space<hbm>>
      tpu.enqueue_dma source(%arg6 : memref<128x384xf32, #tpu.memory_space<vmem>>) target(%dma_start3A_53 : memref<128x384xf32, #tpu.memory_space<hbm>>) target_semaphore(%arg10 : memref<!tpu.dma_semaphore, #tpu.memory_space<semaphore_mem>>)
      %dma_wait3A_54 = tpu.memref_slice %arg5[%mul3A_41] : memref<2560xi32, #tpu.memory_space<vmem>> -> memref<128xi32, #tpu.memory_space<vmem>>
      %dma_wait3A_55 = arith.constant 0 : i32
      %dma_wait3A_56 = arith.constant 0 : i32
      %dma_wait3A_57 = tpu.memref_slice %arg2[%dma_wait3A_55, %dma_wait3A_56] : memref<10000x384xf32, #tpu.memory_space<hbm>> -> memref<10000x384xf32, #tpu.memory_space<hbm>>
      tpu.wait_indirect_dma semaphore(%arg9 : memref<!tpu.dma_semaphore, #tpu.memory_space<semaphore_mem>>) src(%dma_wait3A_57 : memref<10000x384xf32, #tpu.memory_space<hbm>>) dst(%arg7 : memref<128x384xf32, #tpu.memory_space<vmem>>)
      %dma_start3A_58 = arith.constant 0 : i32
      %dma_start3A_59 = tpu.memref_slice %arg4[%add3A_27, %dma_start3A_58] : memref<81920x384xf32, #tpu.memory_space<hbm>> -> memref<128x384xf32, #tpu.memory_space<hbm>>
      %dma_start3A_60 = arith.constant 0 : i32
      %dma_start3A_61 = tpu.memref_slice %arg4[%add3A_27, %dma_start3A_60] : memref<81920x384xf32, #tpu.memory_space<hbm>> -> memref<128x384xf32, #tpu.memory_space<hbm>>
      tpu.enqueue_dma source(%arg7 : memref<128x384xf32, #tpu.memory_space<vmem>>) target(%dma_start3A_61 : memref<128x384xf32, #tpu.memory_space<hbm>>) target_semaphore(%arg11 : memref<!tpu.dma_semaphore, #tpu.memory_space<semaphore_mem>>)
    }
    %scan3A_7 = arith.constant 10 : i32
    %dma_wait3A = arith.constant 0 : i32
    %dma_wait3A_8 = tpu.memref_slice %arg4[%mul3A_2, %dma_wait3A] : memref<81920x384xf32, #tpu.memory_space<hbm>> -> memref<128x384xf32, #tpu.memory_space<hbm>>
    %dma_wait3A_9 = arith.constant 0 : i32
    %dma_wait3A_10 = tpu.memref_slice %arg4[%mul3A_2, %dma_wait3A_9] : memref<81920x384xf32, #tpu.memory_space<hbm>> -> memref<128x384xf32, #tpu.memory_space<hbm>>
    tpu.wait_dma2 semaphore(%arg10 : memref<!tpu.dma_semaphore, #tpu.memory_space<semaphore_mem>>) src(%arg6 : memref<128x384xf32, #tpu.memory_space<vmem>>) dst(%dma_wait3A_10 : memref<128x384xf32, #tpu.memory_space<hbm>>)
    %dma_wait3A_11 = arith.constant 0 : i32
    %dma_wait3A_12 = tpu.memref_slice %arg4[%mul3A_2, %dma_wait3A_11] : memref<81920x384xf32, #tpu.memory_space<hbm>> -> memref<128x384xf32, #tpu.memory_space<hbm>>
    %dma_wait3A_13 = arith.constant 0 : i32
    %dma_wait3A_14 = tpu.memref_slice %arg4[%mul3A_2, %dma_wait3A_13] : memref<81920x384xf32, #tpu.memory_space<hbm>> -> memref<128x384xf32, #tpu.memory_space<hbm>>
    tpu.wait_dma2 semaphore(%arg11 : memref<!tpu.dma_semaphore, #tpu.memory_space<semaphore_mem>>) src(%arg7 : memref<128x384xf32, #tpu.memory_space<vmem>>) dst(%dma_wait3A_14 : memref<128x384xf32, #tpu.memory_space<hbm>>)
    return
  }
}

#map = affine_map<(d0, d1) -> (0, 0)>
#map1 = affine_map<(d0, d1) -> (0)>
module attributes {stable_mosaic.version = 14 : i64} {
  func.func @gather_kernel(%arg0: i32, %arg1: i32, %arg2: memref<10000x384xf32, #tpu.memory_space<hbm>>, %arg3: memref<81920xi32, #tpu.memory_space<hbm>>, %arg4: memref<81920x384xf32, #tpu.memory_space<hbm>>, %arg5: memref<2560xi32, #tpu.memory_space<vmem>>, %arg6: memref<128x384xf32, #tpu.memory_space<vmem>>, %arg7: memref<128x384xf32, #tpu.memory_space<vmem>>, %arg8: memref<!tpu.dma_semaphore, #tpu.memory_space<semaphore_mem>>, %arg9: memref<!tpu.dma_semaphore, #tpu.memory_space<semaphore_mem>>, %arg10: memref<!tpu.dma_semaphore, #tpu.memory_space<semaphore_mem>>, %arg11: memref<!tpu.dma_semaphore, #tpu.memory_space<semaphore_mem>>) attributes {dimension_semantics = [#tpu.dimension_semantics<core_parallel>, #tpu.dimension_semantics<subcore_parallel>], iteration_bounds = array<i64: 2, 16>, scalar_prefetch = 0 : i64, scratch_operands = 7 : i64, tpu.core_type = #tpu.core_type<sc_vector_subcore>, window_params = [{transform_indices = #map}, {transform_indices = #map1}, {transform_indices = #map}]} {
    %mul3A = arith.constant 2 : i32
    %mul3A_0 = arith.muli %arg1, %mul3A : i32
    %add3A = arith.addi %mul3A_0, %arg0 : i32
    %mul3A_1 = arith.constant 2560 : i32
    %mul3A_2 = arith.muli %add3A, %mul3A_1 : i32
    "tpu.region"() ({
      %run_scoped3A = tpu.sem_alloc : memref<!tpu.dma_semaphore, #tpu.memory_space<semaphore_mem>>
      %dma_start3A = tpu.memref_slice %arg3[%mul3A_2] : memref<81920xi32, #tpu.memory_space<hbm>> -> memref<2560xi32, #tpu.memory_space<hbm>>
      %dma_start3A_15 = tpu.memref_slice %arg3[%mul3A_2] : memref<81920xi32, #tpu.memory_space<hbm>> -> memref<2560xi32, #tpu.memory_space<hbm>>
      tpu.enqueue_dma source(%dma_start3A_15 : memref<2560xi32, #tpu.memory_space<hbm>>) target(%arg5 : memref<2560xi32, #tpu.memory_space<vmem>>) target_semaphore(%run_scoped3A : memref<!tpu.dma_semaphore, #tpu.memory_space<semaphore_mem>>)
      %dma_wait3A_16 = tpu.memref_slice %arg3[%mul3A_2] : memref<81920xi32, #tpu.memory_space<hbm>> -> memref<2560xi32, #tpu.memory_space<hbm>>
      %dma_wait3A_17 = tpu.memref_slice %arg3[%mul3A_2] : memref<81920xi32, #tpu.memory_space<hbm>> -> memref<2560xi32, #tpu.memory_space<hbm>>
      tpu.wait_dma2 semaphore(%run_scoped3A : memref<!tpu.dma_semaphore, #tpu.memory_space<semaphore_mem>>) src(%dma_wait3A_17 : memref<2560xi32, #tpu.memory_space<hbm>>) dst(%arg5 : memref<2560xi32, #tpu.memory_space<vmem>>)
      tpu.yield
    }) : () -> ()
    %scan3A = arith.constant 0 : i32
    %scan3A_3 = arith.constant 0 : i32
    %scan3A_4 = arith.constant 10 : i32
    %scan3A_5 = arith.addi %scan3A_3, %scan3A_4 : i32
    %scan3A_6 = arith.constant 1 : i32
    scf.for %scan3A_15 = %scan3A_3 to %scan3A_5 step %scan3A_6  : i32 {
      %mul3A_16 = arith.constant 2 : i32
      %mul3A_17 = arith.muli %mul3A_16, %scan3A_15 : i32
      %mul3A_18 = arith.constant 2 : i32
      %mul3A_19 = arith.muli %mul3A_18, %scan3A_15 : i32
      %add3A_20 = arith.constant 1 : i32
      %add3A_21 = arith.addi %mul3A_19, %add3A_20 : i32
      %mul3A_22 = arith.constant 128 : i32
      %mul3A_23 = arith.muli %mul3A_17, %mul3A_22 : i32
      %add3A_24 = arith.addi %mul3A_2, %mul3A_23 : i32
      %mul3A_25 = arith.constant 128 : i32
      %mul3A_26 = arith.muli %add3A_21, %mul3A_25 : i32
      %add3A_27 = arith.addi %mul3A_2, %mul3A_26 : i32
      %gt3A = arith.constant 0 : i32
      %gt3A_28 = arith.cmpi sgt, %scan3A_15, %gt3A : i32
      %convert_element_type3A = arith.extui %gt3A_28 : i1 to i32
      %cond3A = arith.constant 0 : i32
      %cond3A_29 = arith.cmpi ne, %convert_element_type3A, %cond3A : i32
      scf.if %cond3A_29 {
        %dma_wait3A_62 = arith.constant 0 : i32
        %dma_wait3A_63 = tpu.memref_slice %arg4[%add3A_24, %dma_wait3A_62] : memref<81920x384xf32, #tpu.memory_space<hbm>> -> memref<128x384xf32, #tpu.memory_space<hbm>>
        %dma_wait3A_64 = arith.constant 0 : i32
        %dma_wait3A_65 = tpu.memref_slice %arg4[%add3A_24, %dma_wait3A_64] : memref<81920x384xf32, #tpu.memory_space<hbm>> -> memref<128x384xf32, #tpu.memory_space<hbm>>
        tpu.wait_dma2 semaphore(%arg10 : memref<!tpu.dma_semaphore, #tpu.memory_space<semaphore_mem>>) src(%arg6 : memref<128x384xf32, #tpu.memory_space<vmem>>) dst(%dma_wait3A_65 : memref<128x384xf32, #tpu.memory_space<hbm>>)
      } else {
      }
      %mul3A_30 = arith.constant 128 : i32
      %mul3A_31 = arith.muli %mul3A_17, %mul3A_30 : i32
      %dma_start3A = tpu.memref_slice %arg5[%mul3A_31] : memref<2560xi32, #tpu.memory_space<vmem>> -> memref<128xi32, #tpu.memory_space<vmem>>
      %dma_start3A_32 = arith.constant 0 : i32
      %dma_start3A_33 = arith.constant 0 : i32
      %dma_start3A_34 = tpu.memref_slice %arg2[%dma_start3A_32, %dma_start3A_33] : memref<10000x384xf32, #tpu.memory_space<hbm>> -> memref<10000x384xf32, #tpu.memory_space<hbm>>
      tpu.enqueue_indirect_dma source(%dma_start3A_34 : memref<10000x384xf32, #tpu.memory_space<hbm>>) target(%arg6 : memref<128x384xf32, #tpu.memory_space<vmem>>) offsets(%dma_start3A : memref<128xi32, #tpu.memory_space<vmem>>) semaphore(%arg8 : memref<!tpu.dma_semaphore, #tpu.memory_space<semaphore_mem>>)
      %gt3A_35 = arith.constant 0 : i32
      %gt3A_36 = arith.cmpi sgt, %scan3A_15, %gt3A_35 : i32
      %convert_element_type3A_37 = arith.extui %gt3A_36 : i1 to i32
      %cond3A_38 = arith.constant 0 : i32
      %cond3A_39 = arith.cmpi ne, %convert_element_type3A_37, %cond3A_38 : i32
      scf.if %cond3A_39 {
        %dma_wait3A_62 = arith.constant 0 : i32
        %dma_wait3A_63 = tpu.memref_slice %arg4[%add3A_27, %dma_wait3A_62] : memref<81920x384xf32, #tpu.memory_space<hbm>> -> memref<128x384xf32, #tpu.memory_space<hbm>>
        %dma_wait3A_64 = arith.constant 0 : i32
        %dma_wait3A_65 = tpu.memref_slice %arg4[%add3A_27, %dma_wait3A_64] : memref<81920x384xf32, #tpu.memory_space<hbm>> -> memref<128x384xf32, #tpu.memory_space<hbm>>
        tpu.wait_dma2 semaphore(%arg11 : memref<!tpu.dma_semaphore, #tpu.memory_space<semaphore_mem>>) src(%arg7 : memref<128x384xf32, #tpu.memory_space<vmem>>) dst(%dma_wait3A_65 : memref<128x384xf32, #tpu.memory_space<hbm>>)
      } else {
      }
      %mul3A_40 = arith.constant 128 : i32
      %mul3A_41 = arith.muli %add3A_21, %mul3A_40 : i32
      %dma_start3A_42 = tpu.memref_slice %arg5[%mul3A_41] : memref<2560xi32, #tpu.memory_space<vmem>> -> memref<128xi32, #tpu.memory_space<vmem>>
      %dma_start3A_43 = arith.constant 0 : i32
      %dma_start3A_44 = arith.constant 0 : i32
      %dma_start3A_45 = tpu.memref_slice %arg2[%dma_start3A_43, %dma_start3A_44] : memref<10000x384xf32, #tpu.memory_space<hbm>> -> memref<10000x384xf32, #tpu.memory_space<hbm>>
      tpu.enqueue_indirect_dma source(%dma_start3A_45 : memref<10000x384xf32, #tpu.memory_space<hbm>>) target(%arg7 : memref<128x384xf32, #tpu.memory_space<vmem>>) offsets(%dma_start3A_42 : memref<128xi32, #tpu.memory_space<vmem>>) semaphore(%arg9 : memref<!tpu.dma_semaphore, #tpu.memory_space<semaphore_mem>>)
      %dma_wait3A_46 = tpu.memref_slice %arg5[%mul3A_31] : memref<2560xi32, #tpu.memory_space<vmem>> -> memref<128xi32, #tpu.memory_space<vmem>>
      %dma_wait3A_47 = arith.constant 0 : i32
      %dma_wait3A_48 = arith.constant 0 : i32
      %dma_wait3A_49 = tpu.memref_slice %arg2[%dma_wait3A_47, %dma_wait3A_48] : memref<10000x384xf32, #tpu.memory_space<hbm>> -> memref<10000x384xf32, #tpu.memory_space<hbm>>
      tpu.wait_indirect_dma semaphore(%arg8 : memref<!tpu.dma_semaphore, #tpu.memory_space<semaphore_mem>>) src(%dma_wait3A_49 : memref<10000x384xf32, #tpu.memory_space<hbm>>) dst(%arg6 : memref<128x384xf32, #tpu.memory_space<vmem>>)
      %dma_start3A_50 = arith.constant 0 : i32
      %dma_start3A_51 = tpu.memref_slice %arg4[%add3A_24, %dma_start3A_50] : memref<81920x384xf32, #tpu.memory_space<hbm>> -> memref<128x384xf32, #tpu.memory_space<hbm>>
      %dma_start3A_52 = arith.constant 0 : i32
      %dma_start3A_53 = tpu.memref_slice %arg4[%add3A_24, %dma_start3A_52] : memref<81920x384xf32, #tpu.memory_space<hbm>> -> memref<128x384xf32, #tpu.memory_space<hbm>>
      tpu.enqueue_dma source(%arg6 : memref<128x384xf32, #tpu.memory_space<vmem>>) target(%dma_start3A_53 : memref<128x384xf32, #tpu.memory_space<hbm>>) target_semaphore(%arg10 : memref<!tpu.dma_semaphore, #tpu.memory_space<semaphore_mem>>)
      %dma_wait3A_54 = tpu.memref_slice %arg5[%mul3A_41] : memref<2560xi32, #tpu.memory_space<vmem>> -> memref<128xi32, #tpu.memory_space<vmem>>
      %dma_wait3A_55 = arith.constant 0 : i32
      %dma_wait3A_56 = arith.constant 0 : i32
      %dma_wait3A_57 = tpu.memref_slice %arg2[%dma_wait3A_55, %dma_wait3A_56] : memref<10000x384xf32, #tpu.memory_space<hbm>> -> memref<10000x384xf32, #tpu.memory_space<hbm>>
      tpu.wait_indirect_dma semaphore(%arg9 : memref<!tpu.dma_semaphore, #tpu.memory_space<semaphore_mem>>) src(%dma_wait3A_57 : memref<10000x384xf32, #tpu.memory_space<hbm>>) dst(%arg7 : memref<128x384xf32, #tpu.memory_space<vmem>>)
      %dma_start3A_58 = arith.constant 0 : i32
      %dma_start3A_59 = tpu.memref_slice %arg4[%add3A_27, %dma_start3A_58] : memref<81920x384xf32, #tpu.memory_space<hbm>> -> memref<128x384xf32, #tpu.memory_space<hbm>>
      %dma_start3A_60 = arith.constant 0 : i32
      %dma_start3A_61 = tpu.memref_slice %arg4[%add3A_27, %dma_start3A_60] : memref<81920x384xf32, #tpu.memory_space<hbm>> -> memref<128x384xf32, #tpu.memory_space<hbm>>
      tpu.enqueue_dma source(%arg7 : memref<128x384xf32, #tpu.memory_space<vmem>>) target(%dma_start3A_61 : memref<128x384xf32, #tpu.memory_space<hbm>>) target_semaphore(%arg11 : memref<!tpu.dma_semaphore, #tpu.memory_space<semaphore_mem>>)
    }
    %scan3A_7 = arith.constant 10 : i32
    %dma_wait3A = arith.constant 0 : i32
    %dma_wait3A_8 = tpu.memref_slice %arg4[%mul3A_2, %dma_wait3A] : memref<81920x384xf32, #tpu.memory_space<hbm>> -> memref<128x384xf32, #tpu.memory_space<hbm>>
    %dma_wait3A_9 = arith.constant 0 : i32
    %dma_wait3A_10 = tpu.memref_slice %arg4[%mul3A_2, %dma_wait3A_9] : memref<81920x384xf32, #tpu.memory_space<hbm>> -> memref<128x384xf32, #tpu.memory_space<hbm>>
    tpu.wait_dma2 semaphore(%arg10 : memref<!tpu.dma_semaphore, #tpu.memory_space<semaphore_mem>>) src(%arg6 : memref<128x384xf32, #tpu.memory_space<vmem>>) dst(%dma_wait3A_10 : memref<128x384xf32, #tpu.memory_space<hbm>>)
    %dma_wait3A_11 = arith.constant 0 : i32
    %dma_wait3A_12 = tpu.memref_slice %arg4[%mul3A_2, %dma_wait3A_11] : memref<81920x384xf32, #tpu.memory_space<hbm>> -> memref<128x384xf32, #tpu.memory_space<hbm>>
    %dma_wait3A_13 = arith.constant 0 : i32
    %dma_wait3A_14 = tpu.memref_slice %arg4[%mul3A_2, %dma_wait3A_13] : memref<81920x384xf32, #tpu.memory_space<hbm>> -> memref<128x384xf32, #tpu.memory_space<hbm>>
    tpu.wait_dma2 semaphore(%arg11 : memref<!tpu.dma_semaphore, #tpu.memory_space<semaphore_mem>>) src(%arg7 : memref<128x384xf32, #tpu.memory_space<vmem>>) dst(%dma_wait3A_14 : memref<128x384xf32, #tpu.memory_space<hbm>>)
    return
  }
}

module attributes {stable_mosaic.version = 14 : i64} {
  func.func @_k2_body(%arg0: i32, %arg1: memref<512x8xf32, #tpu.memory_space<vmem>>, %arg2: memref<8x10240xf32, #tpu.memory_space<vmem>>, %arg3: memref<512x16xi32, #tpu.memory_space<vmem>>) attributes {dimension_semantics = [#tpu.dimension_semantics<arbitrary>], iteration_bounds = array<i64: 10>, scalar_prefetch = 0 : i64, scratch_operands = 0 : i64, tpu.core_type = #tpu.core_type<tc>, window_params = [{transform_indices = @transform_0, window_bounds = array<i64: 512, 8>}, {pipeline_mode = #tpu.pipeline_mode<synchronous>, transform_indices = @transform_1, window_bounds = array<i64: 8, 10240>}, {transform_indices = @transform_2, window_bounds = array<i64: 512, 16>}]} {
    %get3A = arith.constant 0 : index
    %get3A_0 = arith.constant 0 : index
    %get3A_1 = vector.load %arg1[%get3A, %get3A_0] : memref<512x8xf32, #tpu.memory_space<vmem>>, vector<512x8xf32>
    %get3A_2 = arith.constant 0 : index
    %get3A_3 = arith.constant 0 : index
    %get3A_4 = vector.load %arg2[%get3A_2, %get3A_3] : memref<8x10240xf32, #tpu.memory_space<vmem>>, vector<8x10240xf32>
    %mul3A = arith.constant -2.000000e+00 : f32
    %mul3A_5 = vector.broadcast %mul3A : f32 to vector<512x8xf32>
    %mul3A_6 = arith.mulf %mul3A_5, %get3A_1 : vector<512x8xf32>
    %convert_element_type3A = arith.truncf %mul3A_6 : vector<512x8xf32> to vector<512x8xbf16>
    %convert_element_type3A_7 = arith.truncf %get3A_4 : vector<8x10240xf32> to vector<8x10240xbf16>
    %dot_general3A = arith.constant dense<0.000000e+00> : vector<512x10240xf32>
    %dot_general3A_8 = tpu.matmul %convert_element_type3A, %convert_element_type3A_7, %dot_general3A {dimension_numbers = #tpu.dot_dimension_numbers<[1], [0], [0], [1], [0, 0, 1, 1], [], []>, transpose_lhs_hint = false} : vector<512x8xbf16>, vector<8x10240xbf16>, vector<512x10240xf32> -> vector<512x10240xf32>
    %mul3A_9 = arith.mulf %get3A_1, %get3A_1 : vector<512x8xf32>
    %reduce_sum3A = arith.constant dense<0.000000e+00> : vector<512xf32>
    %reduce_sum3A_10 = vector.multi_reduction <add>, %mul3A_9, %reduce_sum3A [1] : vector<512x8xf32> to vector<512xf32>
    %broadcast_in_dim3A = vector.shape_cast %reduce_sum3A_10 : vector<512xf32> to vector<512x1xf32>
    %mul3A_11 = arith.mulf %get3A_4, %get3A_4 : vector<8x10240xf32>
    %reduce_sum3A_12 = arith.constant dense<0.000000e+00> : vector<10240xf32>
    %reduce_sum3A_13 = vector.multi_reduction <add>, %mul3A_11, %reduce_sum3A_12 [0] : vector<8x10240xf32> to vector<10240xf32>
    %broadcast_in_dim3A_14 = vector.shape_cast %reduce_sum3A_13 : vector<10240xf32> to vector<1x10240xf32>
    %add3A = vector.broadcast %broadcast_in_dim3A : vector<512x1xf32> to vector<512x10240xf32>
    %add3A_15 = vector.broadcast %broadcast_in_dim3A_14 : vector<1x10240xf32> to vector<512x10240xf32>
    %add3A_16 = arith.addf %add3A, %add3A_15 : vector<512x10240xf32>
    %add3A_17 = arith.addf %add3A_16, %dot_general3A_8 : vector<512x10240xf32>
    %broadcast_in_dim3A_18 = arith.constant 3.000000e+38 : f32
    %broadcast_in_dim3A_19 = vector.broadcast %broadcast_in_dim3A_18 : f32 to vector<512x256xf32>
    %broadcast_in_dim3A_20 = arith.constant 3.000000e+38 : f32
    %broadcast_in_dim3A_21 = vector.broadcast %broadcast_in_dim3A_20 : f32 to vector<512x256xf32>
    %broadcast_in_dim3A_22 = arith.constant 3.000000e+38 : f32
    %broadcast_in_dim3A_23 = vector.broadcast %broadcast_in_dim3A_22 : f32 to vector<512x256xf32>
    %broadcast_in_dim3A_24 = arith.constant 0 : i32
    %broadcast_in_dim3A_25 = vector.broadcast %broadcast_in_dim3A_24 : i32 to vector<512x256xi32>
    %slice3A = vector.extract_strided_slice %add3A_17 {offsets = [0, 0], sizes = [512, 256], strides = [1, 1]} : vector<512x10240xf32> to vector<512x256xf32>
    %lt3A = arith.cmpf olt, %slice3A, %broadcast_in_dim3A_19 : vector<512x256xf32>
    %lt3A_26 = arith.cmpf olt, %slice3A, %broadcast_in_dim3A_21 : vector<512x256xf32>
    %lt3A_27 = arith.cmpf olt, %slice3A, %broadcast_in_dim3A_23 : vector<512x256xf32>
    %jit3A = arith.constant 0 : i32
    %broadcast_in_dim3A_28 = vector.broadcast %jit3A : i32 to vector<512x256xi32>
    %select_n3A = arith.select %lt3A_27, %broadcast_in_dim3A_28, %broadcast_in_dim3A_25 : vector<512x256xi1>, vector<512x256xi32>
    %select_n3A_29 = arith.select %lt3A_26, %broadcast_in_dim3A_25, %select_n3A : vector<512x256xi1>, vector<512x256xi32>
    %select_n3A_30 = arith.select %lt3A_27, %slice3A, %broadcast_in_dim3A_23 : vector<512x256xi1>, vector<512x256xf32>
    %select_n3A_31 = arith.select %lt3A_26, %broadcast_in_dim3A_21, %select_n3A_30 : vector<512x256xi1>, vector<512x256xf32>
    %jit3A_32 = arith.constant 0 : i32
    %broadcast_in_dim3A_33 = vector.broadcast %jit3A_32 : i32 to vector<512x256xi32>
    %select_n3A_34 = arith.select %lt3A_26, %broadcast_in_dim3A_33, %broadcast_in_dim3A_25 : vector<512x256xi1>, vector<512x256xi32>
    %select_n3A_35 = arith.select %lt3A, %broadcast_in_dim3A_25, %select_n3A_34 : vector<512x256xi1>, vector<512x256xi32>
    %select_n3A_36 = arith.select %lt3A_26, %slice3A, %broadcast_in_dim3A_21 : vector<512x256xi1>, vector<512x256xf32>
    %select_n3A_37 = arith.select %lt3A, %broadcast_in_dim3A_19, %select_n3A_36 : vector<512x256xi1>, vector<512x256xf32>
    %jit3A_38 = arith.constant 0 : i32
    %broadcast_in_dim3A_39 = vector.broadcast %jit3A_38 : i32 to vector<512x256xi32>
    %select_n3A_40 = arith.select %lt3A, %broadcast_in_dim3A_39, %broadcast_in_dim3A_25 : vector<512x256xi1>, vector<512x256xi32>
    %select_n3A_41 = arith.select %lt3A, %slice3A, %broadcast_in_dim3A_19 : vector<512x256xi1>, vector<512x256xf32>
    %slice3A_42 = vector.extract_strided_slice %add3A_17 {offsets = [0, 256], sizes = [512, 256], strides = [1, 1]} : vector<512x10240xf32> to vector<512x256xf32>
    %lt3A_43 = arith.cmpf olt, %slice3A_42, %select_n3A_41 : vector<512x256xf32>
    %lt3A_44 = arith.cmpf olt, %slice3A_42, %select_n3A_37 : vector<512x256xf32>
    %lt3A_45 = arith.cmpf olt, %slice3A_42, %select_n3A_31 : vector<512x256xf32>
    %jit3A_46 = arith.constant 1 : i32
    %broadcast_in_dim3A_47 = vector.broadcast %jit3A_46 : i32 to vector<512x256xi32>
    %select_n3A_48 = arith.select %lt3A_45, %broadcast_in_dim3A_47, %select_n3A_29 : vector<512x256xi1>, vector<512x256xi32>
    %select_n3A_49 = arith.select %lt3A_44, %select_n3A_35, %select_n3A_48 : vector<512x256xi1>, vector<512x256xi32>
    %select_n3A_50 = arith.select %lt3A_45, %slice3A_42, %select_n3A_31 : vector<512x256xi1>, vector<512x256xf32>
    %select_n3A_51 = arith.select %lt3A_44, %select_n3A_37, %select_n3A_50 : vector<512x256xi1>, vector<512x256xf32>
    %jit3A_52 = arith.constant 1 : i32
    %broadcast_in_dim3A_53 = vector.broadcast %jit3A_52 : i32 to vector<512x256xi32>
    %select_n3A_54 = arith.select %lt3A_44, %broadcast_in_dim3A_53, %select_n3A_35 : vector<512x256xi1>, vector<512x256xi32>
    %select_n3A_55 = arith.select %lt3A_43, %select_n3A_40, %select_n3A_54 : vector<512x256xi1>, vector<512x256xi32>
    %select_n3A_56 = arith.select %lt3A_44, %slice3A_42, %select_n3A_37 : vector<512x256xi1>, vector<512x256xf32>
    %select_n3A_57 = arith.select %lt3A_43, %select_n3A_41, %select_n3A_56 : vector<512x256xi1>, vector<512x256xf32>
    %jit3A_58 = arith.constant 1 : i32
    %broadcast_in_dim3A_59 = vector.broadcast %jit3A_58 : i32 to vector<512x256xi32>
    %select_n3A_60 = arith.select %lt3A_43, %broadcast_in_dim3A_59, %select_n3A_40 : vector<512x256xi1>, vector<512x256xi32>
    %select_n3A_61 = arith.select %lt3A_43, %slice3A_42, %select_n3A_41 : vector<512x256xi1>, vector<512x256xf32>
    %slice3A_62 = vector.extract_strided_slice %add3A_17 {offsets = [0, 512], sizes = [512, 256], strides = [1, 1]} : vector<512x10240xf32> to vector<512x256xf32>
    %lt3A_63 = arith.cmpf olt, %slice3A_62, %select_n3A_61 : vector<512x256xf32>
    %lt3A_64 = arith.cmpf olt, %slice3A_62, %select_n3A_57 : vector<512x256xf32>
    %lt3A_65 = arith.cmpf olt, %slice3A_62, %select_n3A_51 : vector<512x256xf32>
    %jit3A_66 = arith.constant 2 : i32
    %broadcast_in_dim3A_67 = vector.broadcast %jit3A_66 : i32 to vector<512x256xi32>
    %select_n3A_68 = arith.select %lt3A_65, %broadcast_in_dim3A_67, %select_n3A_49 : vector<512x256xi1>, vector<512x256xi32>
    %select_n3A_69 = arith.select %lt3A_64, %select_n3A_55, %select_n3A_68 : vector<512x256xi1>, vector<512x256xi32>
    %select_n3A_70 = arith.select %lt3A_65, %slice3A_62, %select_n3A_51 : vector<512x256xi1>, vector<512x256xf32>
    %select_n3A_71 = arith.select %lt3A_64, %select_n3A_57, %select_n3A_70 : vector<512x256xi1>, vector<512x256xf32>
    %jit3A_72 = arith.constant 2 : i32
    %broadcast_in_dim3A_73 = vector.broadcast %jit3A_72 : i32 to vector<512x256xi32>
    %select_n3A_74 = arith.select %lt3A_64, %broadcast_in_dim3A_73, %select_n3A_55 : vector<512x256xi1>, vector<512x256xi32>
    %select_n3A_75 = arith.select %lt3A_63, %select_n3A_60, %select_n3A_74 : vector<512x256xi1>, vector<512x256xi32>
    %select_n3A_76 = arith.select %lt3A_64, %slice3A_62, %select_n3A_57 : vector<512x256xi1>, vector<512x256xf32>
    %select_n3A_77 = arith.select %lt3A_63, %select_n3A_61, %select_n3A_76 : vector<512x256xi1>, vector<512x256xf32>
    %jit3A_78 = arith.constant 2 : i32
    %broadcast_in_dim3A_79 = vector.broadcast %jit3A_78 : i32 to vector<512x256xi32>
    %select_n3A_80 = arith.select %lt3A_63, %broadcast_in_dim3A_79, %select_n3A_60 : vector<512x256xi1>, vector<512x256xi32>
    %select_n3A_81 = arith.select %lt3A_63, %slice3A_62, %select_n3A_61 : vector<512x256xi1>, vector<512x256xf32>
    %slice3A_82 = vector.extract_strided_slice %add3A_17 {offsets = [0, 768], sizes = [512, 256], strides = [1, 1]} : vector<512x10240xf32> to vector<512x256xf32>
    %lt3A_83 = arith.cmpf olt, %slice3A_82, %select_n3A_81 : vector<512x256xf32>
    %lt3A_84 = arith.cmpf olt, %slice3A_82, %select_n3A_77 : vector<512x256xf32>
    %lt3A_85 = arith.cmpf olt, %slice3A_82, %select_n3A_71 : vector<512x256xf32>
    %jit3A_86 = arith.constant 3 : i32
    %broadcast_in_dim3A_87 = vector.broadcast %jit3A_86 : i32 to vector<512x256xi32>
    %select_n3A_88 = arith.select %lt3A_85, %broadcast_in_dim3A_87, %select_n3A_69 : vector<512x256xi1>, vector<512x256xi32>
    %select_n3A_89 = arith.select %lt3A_84, %select_n3A_75, %select_n3A_88 : vector<512x256xi1>, vector<512x256xi32>
    %select_n3A_90 = arith.select %lt3A_85, %slice3A_82, %select_n3A_71 : vector<512x256xi1>, vector<512x256xf32>
    %select_n3A_91 = arith.select %lt3A_84, %select_n3A_77, %select_n3A_90 : vector<512x256xi1>, vector<512x256xf32>
    %jit3A_92 = arith.constant 3 : i32
    %broadcast_in_dim3A_93 = vector.broadcast %jit3A_92 : i32 to vector<512x256xi32>
    %select_n3A_94 = arith.select %lt3A_84, %broadcast_in_dim3A_93, %select_n3A_75 : vector<512x256xi1>, vector<512x256xi32>
    %select_n3A_95 = arith.select %lt3A_83, %select_n3A_80, %select_n3A_94 : vector<512x256xi1>, vector<512x256xi32>
    %select_n3A_96 = arith.select %lt3A_84, %slice3A_82, %select_n3A_77 : vector<512x256xi1>, vector<512x256xf32>
    %select_n3A_97 = arith.select %lt3A_83, %select_n3A_81, %select_n3A_96 : vector<512x256xi1>, vector<512x256xf32>
    %jit3A_98 = arith.constant 3 : i32
    %broadcast_in_dim3A_99 = vector.broadcast %jit3A_98 : i32 to vector<512x256xi32>
    %select_n3A_100 = arith.select %lt3A_83, %broadcast_in_dim3A_99, %select_n3A_80 : vector<512x256xi1>, vector<512x256xi32>
    %select_n3A_101 = arith.select %lt3A_83, %slice3A_82, %select_n3A_81 : vector<512x256xi1>, vector<512x256xf32>
    %slice3A_102 = vector.extract_strided_slice %add3A_17 {offsets = [0, 1024], sizes = [512, 256], strides = [1, 1]} : vector<512x10240xf32> to vector<512x256xf32>
    %lt3A_103 = arith.cmpf olt, %slice3A_102, %select_n3A_101 : vector<512x256xf32>
    %lt3A_104 = arith.cmpf olt, %slice3A_102, %select_n3A_97 : vector<512x256xf32>
    %lt3A_105 = arith.cmpf olt, %slice3A_102, %select_n3A_91 : vector<512x256xf32>
    %jit3A_106 = arith.constant 4 : i32
    %broadcast_in_dim3A_107 = vector.broadcast %jit3A_106 : i32 to vector<512x256xi32>
    %select_n3A_108 = arith.select %lt3A_105, %broadcast_in_dim3A_107, %select_n3A_89 : vector<512x256xi1>, vector<512x256xi32>
    %select_n3A_109 = arith.select %lt3A_104, %select_n3A_95, %select_n3A_108 : vector<512x256xi1>, vector<512x256xi32>
    %select_n3A_110 = arith.select %lt3A_105, %slice3A_102, %select_n3A_91 : vector<512x256xi1>, vector<512x256xf32>
    %select_n3A_111 = arith.select %lt3A_104, %select_n3A_97, %select_n3A_110 : vector<512x256xi1>, vector<512x256xf32>
    %jit3A_112 = arith.constant 4 : i32
    %broadcast_in_dim3A_113 = vector.broadcast %jit3A_112 : i32 to vector<512x256xi32>
    %select_n3A_114 = arith.select %lt3A_104, %broadcast_in_dim3A_113, %select_n3A_95 : vector<512x256xi1>, vector<512x256xi32>
    %select_n3A_115 = arith.select %lt3A_103, %select_n3A_100, %select_n3A_114 : vector<512x256xi1>, vector<512x256xi32>
    %select_n3A_116 = arith.select %lt3A_104, %slice3A_102, %select_n3A_97 : vector<512x256xi1>, vector<512x256xf32>
    %select_n3A_117 = arith.select %lt3A_103, %select_n3A_101, %select_n3A_116 : vector<512x256xi1>, vector<512x256xf32>
    %jit3A_118 = arith.constant 4 : i32
    %broadcast_in_dim3A_119 = vector.broadcast %jit3A_118 : i32 to vector<512x256xi32>
    %select_n3A_120 = arith.select %lt3A_103, %broadcast_in_dim3A_119, %select_n3A_100 : vector<512x256xi1>, vector<512x256xi32>
    %select_n3A_121 = arith.select %lt3A_103, %slice3A_102, %select_n3A_101 : vector<512x256xi1>, vector<512x256xf32>
    %slice3A_122 = vector.extract_strided_slice %add3A_17 {offsets = [0, 1280], sizes = [512, 256], strides = [1, 1]} : vector<512x10240xf32> to vector<512x256xf32>
    %lt3A_123 = arith.cmpf olt, %slice3A_122, %select_n3A_121 : vector<512x256xf32>
    %lt3A_124 = arith.cmpf olt, %slice3A_122, %select_n3A_117 : vector<512x256xf32>
    %lt3A_125 = arith.cmpf olt, %slice3A_122, %select_n3A_111 : vector<512x256xf32>
    %jit3A_126 = arith.constant 5 : i32
    %broadcast_in_dim3A_127 = vector.broadcast %jit3A_126 : i32 to vector<512x256xi32>
    %select_n3A_128 = arith.select %lt3A_125, %broadcast_in_dim3A_127, %select_n3A_109 : vector<512x256xi1>, vector<512x256xi32>
    %select_n3A_129 = arith.select %lt3A_124, %select_n3A_115, %select_n3A_128 : vector<512x256xi1>, vector<512x256xi32>
    %select_n3A_130 = arith.select %lt3A_125, %slice3A_122, %select_n3A_111 : vector<512x256xi1>, vector<512x256xf32>
    %select_n3A_131 = arith.select %lt3A_124, %select_n3A_117, %select_n3A_130 : vector<512x256xi1>, vector<512x256xf32>
    %jit3A_132 = arith.constant 5 : i32
    %broadcast_in_dim3A_133 = vector.broadcast %jit3A_132 : i32 to vector<512x256xi32>
    %select_n3A_134 = arith.select %lt3A_124, %broadcast_in_dim3A_133, %select_n3A_115 : vector<512x256xi1>, vector<512x256xi32>
    %select_n3A_135 = arith.select %lt3A_123, %select_n3A_120, %select_n3A_134 : vector<512x256xi1>, vector<512x256xi32>
    %select_n3A_136 = arith.select %lt3A_124, %slice3A_122, %select_n3A_117 : vector<512x256xi1>, vector<512x256xf32>
    %select_n3A_137 = arith.select %lt3A_123, %select_n3A_121, %select_n3A_136 : vector<512x256xi1>, vector<512x256xf32>
    %jit3A_138 = arith.constant 5 : i32
    %broadcast_in_dim3A_139 = vector.broadcast %jit3A_138 : i32 to vector<512x256xi32>
    %select_n3A_140 = arith.select %lt3A_123, %broadcast_in_dim3A_139, %select_n3A_120 : vector<512x256xi1>, vector<512x256xi32>
    %select_n3A_141 = arith.select %lt3A_123, %slice3A_122, %select_n3A_121 : vector<512x256xi1>, vector<512x256xf32>
    %slice3A_142 = vector.extract_strided_slice %add3A_17 {offsets = [0, 1536], sizes = [512, 256], strides = [1, 1]} : vector<512x10240xf32> to vector<512x256xf32>
    %lt3A_143 = arith.cmpf olt, %slice3A_142, %select_n3A_141 : vector<512x256xf32>
    %lt3A_144 = arith.cmpf olt, %slice3A_142, %select_n3A_137 : vector<512x256xf32>
    %lt3A_145 = arith.cmpf olt, %slice3A_142, %select_n3A_131 : vector<512x256xf32>
    %jit3A_146 = arith.constant 6 : i32
    %broadcast_in_dim3A_147 = vector.broadcast %jit3A_146 : i32 to vector<512x256xi32>
    %select_n3A_148 = arith.select %lt3A_145, %broadcast_in_dim3A_147, %select_n3A_129 : vector<512x256xi1>, vector<512x256xi32>
    %select_n3A_149 = arith.select %lt3A_144, %select_n3A_135, %select_n3A_148 : vector<512x256xi1>, vector<512x256xi32>
    %select_n3A_150 = arith.select %lt3A_145, %slice3A_142, %select_n3A_131 : vector<512x256xi1>, vector<512x256xf32>
    %select_n3A_151 = arith.select %lt3A_144, %select_n3A_137, %select_n3A_150 : vector<512x256xi1>, vector<512x256xf32>
    %jit3A_152 = arith.constant 6 : i32
    %broadcast_in_dim3A_153 = vector.broadcast %jit3A_152 : i32 to vector<512x256xi32>
    %select_n3A_154 = arith.select %lt3A_144, %broadcast_in_dim3A_153, %select_n3A_135 : vector<512x256xi1>, vector<512x256xi32>
    %select_n3A_155 = arith.select %lt3A_143, %select_n3A_140, %select_n3A_154 : vector<512x256xi1>, vector<512x256xi32>
    %select_n3A_156 = arith.select %lt3A_144, %slice3A_142, %select_n3A_137 : vector<512x256xi1>, vector<512x256xf32>
    %select_n3A_157 = arith.select %lt3A_143, %select_n3A_141, %select_n3A_156 : vector<512x256xi1>, vector<512x256xf32>
    %jit3A_158 = arith.constant 6 : i32
    %broadcast_in_dim3A_159 = vector.broadcast %jit3A_158 : i32 to vector<512x256xi32>
    %select_n3A_160 = arith.select %lt3A_143, %broadcast_in_dim3A_159, %select_n3A_140 : vector<512x256xi1>, vector<512x256xi32>
    %select_n3A_161 = arith.select %lt3A_143, %slice3A_142, %select_n3A_141 : vector<512x256xi1>, vector<512x256xf32>
    %slice3A_162 = vector.extract_strided_slice %add3A_17 {offsets = [0, 1792], sizes = [512, 256], strides = [1, 1]} : vector<512x10240xf32> to vector<512x256xf32>
    %lt3A_163 = arith.cmpf olt, %slice3A_162, %select_n3A_161 : vector<512x256xf32>
    %lt3A_164 = arith.cmpf olt, %slice3A_162, %select_n3A_157 : vector<512x256xf32>
    %lt3A_165 = arith.cmpf olt, %slice3A_162, %select_n3A_151 : vector<512x256xf32>
    %jit3A_166 = arith.constant 7 : i32
    %broadcast_in_dim3A_167 = vector.broadcast %jit3A_166 : i32 to vector<512x256xi32>
    %select_n3A_168 = arith.select %lt3A_165, %broadcast_in_dim3A_167, %select_n3A_149 : vector<512x256xi1>, vector<512x256xi32>
    %select_n3A_169 = arith.select %lt3A_164, %select_n3A_155, %select_n3A_168 : vector<512x256xi1>, vector<512x256xi32>
    %select_n3A_170 = arith.select %lt3A_165, %slice3A_162, %select_n3A_151 : vector<512x256xi1>, vector<512x256xf32>
    %select_n3A_171 = arith.select %lt3A_164, %select_n3A_157, %select_n3A_170 : vector<512x256xi1>, vector<512x256xf32>
    %jit3A_172 = arith.constant 7 : i32
    %broadcast_in_dim3A_173 = vector.broadcast %jit3A_172 : i32 to vector<512x256xi32>
    %select_n3A_174 = arith.select %lt3A_164, %broadcast_in_dim3A_173, %select_n3A_155 : vector<512x256xi1>, vector<512x256xi32>
    %select_n3A_175 = arith.select %lt3A_163, %select_n3A_160, %select_n3A_174 : vector<512x256xi1>, vector<512x256xi32>
    %select_n3A_176 = arith.select %lt3A_164, %slice3A_162, %select_n3A_157 : vector<512x256xi1>, vector<512x256xf32>
    %select_n3A_177 = arith.select %lt3A_163, %select_n3A_161, %select_n3A_176 : vector<512x256xi1>, vector<512x256xf32>
    %jit3A_178 = arith.constant 7 : i32
    %broadcast_in_dim3A_179 = vector.broadcast %jit3A_178 : i32 to vector<512x256xi32>
    %select_n3A_180 = arith.select %lt3A_163, %broadcast_in_dim3A_179, %select_n3A_160 : vector<512x256xi1>, vector<512x256xi32>
    %select_n3A_181 = arith.select %lt3A_163, %slice3A_162, %select_n3A_161 : vector<512x256xi1>, vector<512x256xf32>
    %slice3A_182 = vector.extract_strided_slice %add3A_17 {offsets = [0, 2048], sizes = [512, 256], strides = [1, 1]} : vector<512x10240xf32> to vector<512x256xf32>
    %lt3A_183 = arith.cmpf olt, %slice3A_182, %select_n3A_181 : vector<512x256xf32>
    %lt3A_184 = arith.cmpf olt, %slice3A_182, %select_n3A_177 : vector<512x256xf32>
    %lt3A_185 = arith.cmpf olt, %slice3A_182, %select_n3A_171 : vector<512x256xf32>
    %jit3A_186 = arith.constant 8 : i32
    %broadcast_in_dim3A_187 = vector.broadcast %jit3A_186 : i32 to vector<512x256xi32>
    %select_n3A_188 = arith.select %lt3A_185, %broadcast_in_dim3A_187, %select_n3A_169 : vector<512x256xi1>, vector<512x256xi32>
    %select_n3A_189 = arith.select %lt3A_184, %select_n3A_175, %select_n3A_188 : vector<512x256xi1>, vector<512x256xi32>
    %select_n3A_190 = arith.select %lt3A_185, %slice3A_182, %select_n3A_171 : vector<512x256xi1>, vector<512x256xf32>
    %select_n3A_191 = arith.select %lt3A_184, %select_n3A_177, %select_n3A_190 : vector<512x256xi1>, vector<512x256xf32>
    %jit3A_192 = arith.constant 8 : i32
    %broadcast_in_dim3A_193 = vector.broadcast %jit3A_192 : i32 to vector<512x256xi32>
    %select_n3A_194 = arith.select %lt3A_184, %broadcast_in_dim3A_193, %select_n3A_175 : vector<512x256xi1>, vector<512x256xi32>
    %select_n3A_195 = arith.select %lt3A_183, %select_n3A_180, %select_n3A_194 : vector<512x256xi1>, vector<512x256xi32>
    %select_n3A_196 = arith.select %lt3A_184, %slice3A_182, %select_n3A_177 : vector<512x256xi1>, vector<512x256xf32>
    %select_n3A_197 = arith.select %lt3A_183, %select_n3A_181, %select_n3A_196 : vector<512x256xi1>, vector<512x256xf32>
    %jit3A_198 = arith.constant 8 : i32
    %broadcast_in_dim3A_199 = vector.broadcast %jit3A_198 : i32 to vector<512x256xi32>
    %select_n3A_200 = arith.select %lt3A_183, %broadcast_in_dim3A_199, %select_n3A_180 : vector<512x256xi1>, vector<512x256xi32>
    %select_n3A_201 = arith.select %lt3A_183, %slice3A_182, %select_n3A_181 : vector<512x256xi1>, vector<512x256xf32>
    %slice3A_202 = vector.extract_strided_slice %add3A_17 {offsets = [0, 2304], sizes = [512, 256], strides = [1, 1]} : vector<512x10240xf32> to vector<512x256xf32>
    %lt3A_203 = arith.cmpf olt, %slice3A_202, %select_n3A_201 : vector<512x256xf32>
    %lt3A_204 = arith.cmpf olt, %slice3A_202, %select_n3A_197 : vector<512x256xf32>
    %lt3A_205 = arith.cmpf olt, %slice3A_202, %select_n3A_191 : vector<512x256xf32>
    %jit3A_206 = arith.constant 9 : i32
    %broadcast_in_dim3A_207 = vector.broadcast %jit3A_206 : i32 to vector<512x256xi32>
    %select_n3A_208 = arith.select %lt3A_205, %broadcast_in_dim3A_207, %select_n3A_189 : vector<512x256xi1>, vector<512x256xi32>
    %select_n3A_209 = arith.select %lt3A_204, %select_n3A_195, %select_n3A_208 : vector<512x256xi1>, vector<512x256xi32>
    %select_n3A_210 = arith.select %lt3A_205, %slice3A_202, %select_n3A_191 : vector<512x256xi1>, vector<512x256xf32>
    %select_n3A_211 = arith.select %lt3A_204, %select_n3A_197, %select_n3A_210 : vector<512x256xi1>, vector<512x256xf32>
    %jit3A_212 = arith.constant 9 : i32
    %broadcast_in_dim3A_213 = vector.broadcast %jit3A_212 : i32 to vector<512x256xi32>
    %select_n3A_214 = arith.select %lt3A_204, %broadcast_in_dim3A_213, %select_n3A_195 : vector<512x256xi1>, vector<512x256xi32>
    %select_n3A_215 = arith.select %lt3A_203, %select_n3A_200, %select_n3A_214 : vector<512x256xi1>, vector<512x256xi32>
    %select_n3A_216 = arith.select %lt3A_204, %slice3A_202, %select_n3A_197 : vector<512x256xi1>, vector<512x256xf32>
    %select_n3A_217 = arith.select %lt3A_203, %select_n3A_201, %select_n3A_216 : vector<512x256xi1>, vector<512x256xf32>
    %jit3A_218 = arith.constant 9 : i32
    %broadcast_in_dim3A_219 = vector.broadcast %jit3A_218 : i32 to vector<512x256xi32>
    %select_n3A_220 = arith.select %lt3A_203, %broadcast_in_dim3A_219, %select_n3A_200 : vector<512x256xi1>, vector<512x256xi32>
    %select_n3A_221 = arith.select %lt3A_203, %slice3A_202, %select_n3A_201 : vector<512x256xi1>, vector<512x256xf32>
    %slice3A_222 = vector.extract_strided_slice %add3A_17 {offsets = [0, 2560], sizes = [512, 256], strides = [1, 1]} : vector<512x10240xf32> to vector<512x256xf32>
    %lt3A_223 = arith.cmpf olt, %slice3A_222, %select_n3A_221 : vector<512x256xf32>
    %lt3A_224 = arith.cmpf olt, %slice3A_222, %select_n3A_217 : vector<512x256xf32>
    %lt3A_225 = arith.cmpf olt, %slice3A_222, %select_n3A_211 : vector<512x256xf32>
    %jit3A_226 = arith.constant 10 : i32
    %broadcast_in_dim3A_227 = vector.broadcast %jit3A_226 : i32 to vector<512x256xi32>
    %select_n3A_228 = arith.select %lt3A_225, %broadcast_in_dim3A_227, %select_n3A_209 : vector<512x256xi1>, vector<512x256xi32>
    %select_n3A_229 = arith.select %lt3A_224, %select_n3A_215, %select_n3A_228 : vector<512x256xi1>, vector<512x256xi32>
    %select_n3A_230 = arith.select %lt3A_225, %slice3A_222, %select_n3A_211 : vector<512x256xi1>, vector<512x256xf32>
    %select_n3A_231 = arith.select %lt3A_224, %select_n3A_217, %select_n3A_230 : vector<512x256xi1>, vector<512x256xf32>
    %jit3A_232 = arith.constant 10 : i32
    %broadcast_in_dim3A_233 = vector.broadcast %jit3A_232 : i32 to vector<512x256xi32>
    %select_n3A_234 = arith.select %lt3A_224, %broadcast_in_dim3A_233, %select_n3A_215 : vector<512x256xi1>, vector<512x256xi32>
    %select_n3A_235 = arith.select %lt3A_223, %select_n3A_220, %select_n3A_234 : vector<512x256xi1>, vector<512x256xi32>
    %select_n3A_236 = arith.select %lt3A_224, %slice3A_222, %select_n3A_217 : vector<512x256xi1>, vector<512x256xf32>
    %select_n3A_237 = arith.select %lt3A_223, %select_n3A_221, %select_n3A_236 : vector<512x256xi1>, vector<512x256xf32>
    %jit3A_238 = arith.constant 10 : i32
    %broadcast_in_dim3A_239 = vector.broadcast %jit3A_238 : i32 to vector<512x256xi32>
    %select_n3A_240 = arith.select %lt3A_223, %broadcast_in_dim3A_239, %select_n3A_220 : vector<512x256xi1>, vector<512x256xi32>
    %select_n3A_241 = arith.select %lt3A_223, %slice3A_222, %select_n3A_221 : vector<512x256xi1>, vector<512x256xf32>
    %slice3A_242 = vector.extract_strided_slice %add3A_17 {offsets = [0, 2816], sizes = [512, 256], strides = [1, 1]} : vector<512x10240xf32> to vector<512x256xf32>
    %lt3A_243 = arith.cmpf olt, %slice3A_242, %select_n3A_241 : vector<512x256xf32>
    %lt3A_244 = arith.cmpf olt, %slice3A_242, %select_n3A_237 : vector<512x256xf32>
    %lt3A_245 = arith.cmpf olt, %slice3A_242, %select_n3A_231 : vector<512x256xf32>
    %jit3A_246 = arith.constant 11 : i32
    %broadcast_in_dim3A_247 = vector.broadcast %jit3A_246 : i32 to vector<512x256xi32>
    %select_n3A_248 = arith.select %lt3A_245, %broadcast_in_dim3A_247, %select_n3A_229 : vector<512x256xi1>, vector<512x256xi32>
    %select_n3A_249 = arith.select %lt3A_244, %select_n3A_235, %select_n3A_248 : vector<512x256xi1>, vector<512x256xi32>
    %select_n3A_250 = arith.select %lt3A_245, %slice3A_242, %select_n3A_231 : vector<512x256xi1>, vector<512x256xf32>
    %select_n3A_251 = arith.select %lt3A_244, %select_n3A_237, %select_n3A_250 : vector<512x256xi1>, vector<512x256xf32>
    %jit3A_252 = arith.constant 11 : i32
    %broadcast_in_dim3A_253 = vector.broadcast %jit3A_252 : i32 to vector<512x256xi32>
    %select_n3A_254 = arith.select %lt3A_244, %broadcast_in_dim3A_253, %select_n3A_235 : vector<512x256xi1>, vector<512x256xi32>
    %select_n3A_255 = arith.select %lt3A_243, %select_n3A_240, %select_n3A_254 : vector<512x256xi1>, vector<512x256xi32>
    %select_n3A_256 = arith.select %lt3A_244, %slice3A_242, %select_n3A_237 : vector<512x256xi1>, vector<512x256xf32>
    %select_n3A_257 = arith.select %lt3A_243, %select_n3A_241, %select_n3A_256 : vector<512x256xi1>, vector<512x256xf32>
    %jit3A_258 = arith.constant 11 : i32
    %broadcast_in_dim3A_259 = vector.broadcast %jit3A_258 : i32 to vector<512x256xi32>
    %select_n3A_260 = arith.select %lt3A_243, %broadcast_in_dim3A_259, %select_n3A_240 : vector<512x256xi1>, vector<512x256xi32>
    %select_n3A_261 = arith.select %lt3A_243, %slice3A_242, %select_n3A_241 : vector<512x256xi1>, vector<512x256xf32>
    %slice3A_262 = vector.extract_strided_slice %add3A_17 {offsets = [0, 3072], sizes = [512, 256], strides = [1, 1]} : vector<512x10240xf32> to vector<512x256xf32>
    %lt3A_263 = arith.cmpf olt, %slice3A_262, %select_n3A_261 : vector<512x256xf32>
    %lt3A_264 = arith.cmpf olt, %slice3A_262, %select_n3A_257 : vector<512x256xf32>
    %lt3A_265 = arith.cmpf olt, %slice3A_262, %select_n3A_251 : vector<512x256xf32>
    %jit3A_266 = arith.constant 12 : i32
    %broadcast_in_dim3A_267 = vector.broadcast %jit3A_266 : i32 to vector<512x256xi32>
    %select_n3A_268 = arith.select %lt3A_265, %broadcast_in_dim3A_267, %select_n3A_249 : vector<512x256xi1>, vector<512x256xi32>
    %select_n3A_269 = arith.select %lt3A_264, %select_n3A_255, %select_n3A_268 : vector<512x256xi1>, vector<512x256xi32>
    %select_n3A_270 = arith.select %lt3A_265, %slice3A_262, %select_n3A_251 : vector<512x256xi1>, vector<512x256xf32>
    %select_n3A_271 = arith.select %lt3A_264, %select_n3A_257, %select_n3A_270 : vector<512x256xi1>, vector<512x256xf32>
    %jit3A_272 = arith.constant 12 : i32
    %broadcast_in_dim3A_273 = vector.broadcast %jit3A_272 : i32 to vector<512x256xi32>
    %select_n3A_274 = arith.select %lt3A_264, %broadcast_in_dim3A_273, %select_n3A_255 : vector<512x256xi1>, vector<512x256xi32>
    %select_n3A_275 = arith.select %lt3A_263, %select_n3A_260, %select_n3A_274 : vector<512x256xi1>, vector<512x256xi32>
    %select_n3A_276 = arith.select %lt3A_264, %slice3A_262, %select_n3A_257 : vector<512x256xi1>, vector<512x256xf32>
    %select_n3A_277 = arith.select %lt3A_263, %select_n3A_261, %select_n3A_276 : vector<512x256xi1>, vector<512x256xf32>
    %jit3A_278 = arith.constant 12 : i32
    %broadcast_in_dim3A_279 = vector.broadcast %jit3A_278 : i32 to vector<512x256xi32>
    %select_n3A_280 = arith.select %lt3A_263, %broadcast_in_dim3A_279, %select_n3A_260 : vector<512x256xi1>, vector<512x256xi32>
    %select_n3A_281 = arith.select %lt3A_263, %slice3A_262, %select_n3A_261 : vector<512x256xi1>, vector<512x256xf32>
    %slice3A_282 = vector.extract_strided_slice %add3A_17 {offsets = [0, 3328], sizes = [512, 256], strides = [1, 1]} : vector<512x10240xf32> to vector<512x256xf32>
    %lt3A_283 = arith.cmpf olt, %slice3A_282, %select_n3A_281 : vector<512x256xf32>
    %lt3A_284 = arith.cmpf olt, %slice3A_282, %select_n3A_277 : vector<512x256xf32>
    %lt3A_285 = arith.cmpf olt, %slice3A_282, %select_n3A_271 : vector<512x256xf32>
    %jit3A_286 = arith.constant 13 : i32
    %broadcast_in_dim3A_287 = vector.broadcast %jit3A_286 : i32 to vector<512x256xi32>
    %select_n3A_288 = arith.select %lt3A_285, %broadcast_in_dim3A_287, %select_n3A_269 : vector<512x256xi1>, vector<512x256xi32>
    %select_n3A_289 = arith.select %lt3A_284, %select_n3A_275, %select_n3A_288 : vector<512x256xi1>, vector<512x256xi32>
    %select_n3A_290 = arith.select %lt3A_285, %slice3A_282, %select_n3A_271 : vector<512x256xi1>, vector<512x256xf32>
    %select_n3A_291 = arith.select %lt3A_284, %select_n3A_277, %select_n3A_290 : vector<512x256xi1>, vector<512x256xf32>
    %jit3A_292 = arith.constant 13 : i32
    %broadcast_in_dim3A_293 = vector.broadcast %jit3A_292 : i32 to vector<512x256xi32>
    %select_n3A_294 = arith.select %lt3A_284, %broadcast_in_dim3A_293, %select_n3A_275 : vector<512x256xi1>, vector<512x256xi32>
    %select_n3A_295 = arith.select %lt3A_283, %select_n3A_280, %select_n3A_294 : vector<512x256xi1>, vector<512x256xi32>
    %select_n3A_296 = arith.select %lt3A_284, %slice3A_282, %select_n3A_277 : vector<512x256xi1>, vector<512x256xf32>
    %select_n3A_297 = arith.select %lt3A_283, %select_n3A_281, %select_n3A_296 : vector<512x256xi1>, vector<512x256xf32>
    %jit3A_298 = arith.constant 13 : i32
    %broadcast_in_dim3A_299 = vector.broadcast %jit3A_298 : i32 to vector<512x256xi32>
    %select_n3A_300 = arith.select %lt3A_283, %broadcast_in_dim3A_299, %select_n3A_280 : vector<512x256xi1>, vector<512x256xi32>
    %select_n3A_301 = arith.select %lt3A_283, %slice3A_282, %select_n3A_281 : vector<512x256xi1>, vector<512x256xf32>
    %slice3A_302 = vector.extract_strided_slice %add3A_17 {offsets = [0, 3584], sizes = [512, 256], strides = [1, 1]} : vector<512x10240xf32> to vector<512x256xf32>
    %lt3A_303 = arith.cmpf olt, %slice3A_302, %select_n3A_301 : vector<512x256xf32>
    %lt3A_304 = arith.cmpf olt, %slice3A_302, %select_n3A_297 : vector<512x256xf32>
    %lt3A_305 = arith.cmpf olt, %slice3A_302, %select_n3A_291 : vector<512x256xf32>
    %jit3A_306 = arith.constant 14 : i32
    %broadcast_in_dim3A_307 = vector.broadcast %jit3A_306 : i32 to vector<512x256xi32>
    %select_n3A_308 = arith.select %lt3A_305, %broadcast_in_dim3A_307, %select_n3A_289 : vector<512x256xi1>, vector<512x256xi32>
    %select_n3A_309 = arith.select %lt3A_304, %select_n3A_295, %select_n3A_308 : vector<512x256xi1>, vector<512x256xi32>
    %select_n3A_310 = arith.select %lt3A_305, %slice3A_302, %select_n3A_291 : vector<512x256xi1>, vector<512x256xf32>
    %select_n3A_311 = arith.select %lt3A_304, %select_n3A_297, %select_n3A_310 : vector<512x256xi1>, vector<512x256xf32>
    %jit3A_312 = arith.constant 14 : i32
    %broadcast_in_dim3A_313 = vector.broadcast %jit3A_312 : i32 to vector<512x256xi32>
    %select_n3A_314 = arith.select %lt3A_304, %broadcast_in_dim3A_313, %select_n3A_295 : vector<512x256xi1>, vector<512x256xi32>
    %select_n3A_315 = arith.select %lt3A_303, %select_n3A_300, %select_n3A_314 : vector<512x256xi1>, vector<512x256xi32>
    %select_n3A_316 = arith.select %lt3A_304, %slice3A_302, %select_n3A_297 : vector<512x256xi1>, vector<512x256xf32>
    %select_n3A_317 = arith.select %lt3A_303, %select_n3A_301, %select_n3A_316 : vector<512x256xi1>, vector<512x256xf32>
    %jit3A_318 = arith.constant 14 : i32
    %broadcast_in_dim3A_319 = vector.broadcast %jit3A_318 : i32 to vector<512x256xi32>
    %select_n3A_320 = arith.select %lt3A_303, %broadcast_in_dim3A_319, %select_n3A_300 : vector<512x256xi1>, vector<512x256xi32>
    %select_n3A_321 = arith.select %lt3A_303, %slice3A_302, %select_n3A_301 : vector<512x256xi1>, vector<512x256xf32>
    %slice3A_322 = vector.extract_strided_slice %add3A_17 {offsets = [0, 3840], sizes = [512, 256], strides = [1, 1]} : vector<512x10240xf32> to vector<512x256xf32>
    %lt3A_323 = arith.cmpf olt, %slice3A_322, %select_n3A_321 : vector<512x256xf32>
    %lt3A_324 = arith.cmpf olt, %slice3A_322, %select_n3A_317 : vector<512x256xf32>
    %lt3A_325 = arith.cmpf olt, %slice3A_322, %select_n3A_311 : vector<512x256xf32>
    %jit3A_326 = arith.constant 15 : i32
    %broadcast_in_dim3A_327 = vector.broadcast %jit3A_326 : i32 to vector<512x256xi32>
    %select_n3A_328 = arith.select %lt3A_325, %broadcast_in_dim3A_327, %select_n3A_309 : vector<512x256xi1>, vector<512x256xi32>
    %select_n3A_329 = arith.select %lt3A_324, %select_n3A_315, %select_n3A_328 : vector<512x256xi1>, vector<512x256xi32>
    %select_n3A_330 = arith.select %lt3A_325, %slice3A_322, %select_n3A_311 : vector<512x256xi1>, vector<512x256xf32>
    %select_n3A_331 = arith.select %lt3A_324, %select_n3A_317, %select_n3A_330 : vector<512x256xi1>, vector<512x256xf32>
    %jit3A_332 = arith.constant 15 : i32
    %broadcast_in_dim3A_333 = vector.broadcast %jit3A_332 : i32 to vector<512x256xi32>
    %select_n3A_334 = arith.select %lt3A_324, %broadcast_in_dim3A_333, %select_n3A_315 : vector<512x256xi1>, vector<512x256xi32>
    %select_n3A_335 = arith.select %lt3A_323, %select_n3A_320, %select_n3A_334 : vector<512x256xi1>, vector<512x256xi32>
    %select_n3A_336 = arith.select %lt3A_324, %slice3A_322, %select_n3A_317 : vector<512x256xi1>, vector<512x256xf32>
    %select_n3A_337 = arith.select %lt3A_323, %select_n3A_321, %select_n3A_336 : vector<512x256xi1>, vector<512x256xf32>
    %jit3A_338 = arith.constant 15 : i32
    %broadcast_in_dim3A_339 = vector.broadcast %jit3A_338 : i32 to vector<512x256xi32>
    %select_n3A_340 = arith.select %lt3A_323, %broadcast_in_dim3A_339, %select_n3A_320 : vector<512x256xi1>, vector<512x256xi32>
    %select_n3A_341 = arith.select %lt3A_323, %slice3A_322, %select_n3A_321 : vector<512x256xi1>, vector<512x256xf32>
    %slice3A_342 = vector.extract_strided_slice %add3A_17 {offsets = [0, 4096], sizes = [512, 256], strides = [1, 1]} : vector<512x10240xf32> to vector<512x256xf32>
    %lt3A_343 = arith.cmpf olt, %slice3A_342, %select_n3A_341 : vector<512x256xf32>
    %lt3A_344 = arith.cmpf olt, %slice3A_342, %select_n3A_337 : vector<512x256xf32>
    %lt3A_345 = arith.cmpf olt, %slice3A_342, %select_n3A_331 : vector<512x256xf32>
    %jit3A_346 = arith.constant 16 : i32
    %broadcast_in_dim3A_347 = vector.broadcast %jit3A_346 : i32 to vector<512x256xi32>
    %select_n3A_348 = arith.select %lt3A_345, %broadcast_in_dim3A_347, %select_n3A_329 : vector<512x256xi1>, vector<512x256xi32>
    %select_n3A_349 = arith.select %lt3A_344, %select_n3A_335, %select_n3A_348 : vector<512x256xi1>, vector<512x256xi32>
    %select_n3A_350 = arith.select %lt3A_345, %slice3A_342, %select_n3A_331 : vector<512x256xi1>, vector<512x256xf32>
    %select_n3A_351 = arith.select %lt3A_344, %select_n3A_337, %select_n3A_350 : vector<512x256xi1>, vector<512x256xf32>
    %jit3A_352 = arith.constant 16 : i32
    %broadcast_in_dim3A_353 = vector.broadcast %jit3A_352 : i32 to vector<512x256xi32>
    %select_n3A_354 = arith.select %lt3A_344, %broadcast_in_dim3A_353, %select_n3A_335 : vector<512x256xi1>, vector<512x256xi32>
    %select_n3A_355 = arith.select %lt3A_343, %select_n3A_340, %select_n3A_354 : vector<512x256xi1>, vector<512x256xi32>
    %select_n3A_356 = arith.select %lt3A_344, %slice3A_342, %select_n3A_337 : vector<512x256xi1>, vector<512x256xf32>
    %select_n3A_357 = arith.select %lt3A_343, %select_n3A_341, %select_n3A_356 : vector<512x256xi1>, vector<512x256xf32>
    %jit3A_358 = arith.constant 16 : i32
    %broadcast_in_dim3A_359 = vector.broadcast %jit3A_358 : i32 to vector<512x256xi32>
    %select_n3A_360 = arith.select %lt3A_343, %broadcast_in_dim3A_359, %select_n3A_340 : vector<512x256xi1>, vector<512x256xi32>
    %select_n3A_361 = arith.select %lt3A_343, %slice3A_342, %select_n3A_341 : vector<512x256xi1>, vector<512x256xf32>
    %slice3A_362 = vector.extract_strided_slice %add3A_17 {offsets = [0, 4352], sizes = [512, 256], strides = [1, 1]} : vector<512x10240xf32> to vector<512x256xf32>
    %lt3A_363 = arith.cmpf olt, %slice3A_362, %select_n3A_361 : vector<512x256xf32>
    %lt3A_364 = arith.cmpf olt, %slice3A_362, %select_n3A_357 : vector<512x256xf32>
    %lt3A_365 = arith.cmpf olt, %slice3A_362, %select_n3A_351 : vector<512x256xf32>
    %jit3A_366 = arith.constant 17 : i32
    %broadcast_in_dim3A_367 = vector.broadcast %jit3A_366 : i32 to vector<512x256xi32>
    %select_n3A_368 = arith.select %lt3A_365, %broadcast_in_dim3A_367, %select_n3A_349 : vector<512x256xi1>, vector<512x256xi32>
    %select_n3A_369 = arith.select %lt3A_364, %select_n3A_355, %select_n3A_368 : vector<512x256xi1>, vector<512x256xi32>
    %select_n3A_370 = arith.select %lt3A_365, %slice3A_362, %select_n3A_351 : vector<512x256xi1>, vector<512x256xf32>
    %select_n3A_371 = arith.select %lt3A_364, %select_n3A_357, %select_n3A_370 : vector<512x256xi1>, vector<512x256xf32>
    %jit3A_372 = arith.constant 17 : i32
    %broadcast_in_dim3A_373 = vector.broadcast %jit3A_372 : i32 to vector<512x256xi32>
    %select_n3A_374 = arith.select %lt3A_364, %broadcast_in_dim3A_373, %select_n3A_355 : vector<512x256xi1>, vector<512x256xi32>
    %select_n3A_375 = arith.select %lt3A_363, %select_n3A_360, %select_n3A_374 : vector<512x256xi1>, vector<512x256xi32>
    %select_n3A_376 = arith.select %lt3A_364, %slice3A_362, %select_n3A_357 : vector<512x256xi1>, vector<512x256xf32>
    %select_n3A_377 = arith.select %lt3A_363, %select_n3A_361, %select_n3A_376 : vector<512x256xi1>, vector<512x256xf32>
    %jit3A_378 = arith.constant 17 : i32
    %broadcast_in_dim3A_379 = vector.broadcast %jit3A_378 : i32 to vector<512x256xi32>
    %select_n3A_380 = arith.select %lt3A_363, %broadcast_in_dim3A_379, %select_n3A_360 : vector<512x256xi1>, vector<512x256xi32>
    %select_n3A_381 = arith.select %lt3A_363, %slice3A_362, %select_n3A_361 : vector<512x256xi1>, vector<512x256xf32>
    %slice3A_382 = vector.extract_strided_slice %add3A_17 {offsets = [0, 4608], sizes = [512, 256], strides = [1, 1]} : vector<512x10240xf32> to vector<512x256xf32>
    %lt3A_383 = arith.cmpf olt, %slice3A_382, %select_n3A_381 : vector<512x256xf32>
    %lt3A_384 = arith.cmpf olt, %slice3A_382, %select_n3A_377 : vector<512x256xf32>
    %lt3A_385 = arith.cmpf olt, %slice3A_382, %select_n3A_371 : vector<512x256xf32>
    %jit3A_386 = arith.constant 18 : i32
    %broadcast_in_dim3A_387 = vector.broadcast %jit3A_386 : i32 to vector<512x256xi32>
    %select_n3A_388 = arith.select %lt3A_385, %broadcast_in_dim3A_387, %select_n3A_369 : vector<512x256xi1>, vector<512x256xi32>
    %select_n3A_389 = arith.select %lt3A_384, %select_n3A_375, %select_n3A_388 : vector<512x256xi1>, vector<512x256xi32>
    %select_n3A_390 = arith.select %lt3A_385, %slice3A_382, %select_n3A_371 : vector<512x256xi1>, vector<512x256xf32>
    %select_n3A_391 = arith.select %lt3A_384, %select_n3A_377, %select_n3A_390 : vector<512x256xi1>, vector<512x256xf32>
    %jit3A_392 = arith.constant 18 : i32
    %broadcast_in_dim3A_393 = vector.broadcast %jit3A_392 : i32 to vector<512x256xi32>
    %select_n3A_394 = arith.select %lt3A_384, %broadcast_in_dim3A_393, %select_n3A_375 : vector<512x256xi1>, vector<512x256xi32>
    %select_n3A_395 = arith.select %lt3A_383, %select_n3A_380, %select_n3A_394 : vector<512x256xi1>, vector<512x256xi32>
    %select_n3A_396 = arith.select %lt3A_384, %slice3A_382, %select_n3A_377 : vector<512x256xi1>, vector<512x256xf32>
    %select_n3A_397 = arith.select %lt3A_383, %select_n3A_381, %select_n3A_396 : vector<512x256xi1>, vector<512x256xf32>
    %jit3A_398 = arith.constant 18 : i32
    %broadcast_in_dim3A_399 = vector.broadcast %jit3A_398 : i32 to vector<512x256xi32>
    %select_n3A_400 = arith.select %lt3A_383, %broadcast_in_dim3A_399, %select_n3A_380 : vector<512x256xi1>, vector<512x256xi32>
    %select_n3A_401 = arith.select %lt3A_383, %slice3A_382, %select_n3A_381 : vector<512x256xi1>, vector<512x256xf32>
    %slice3A_402 = vector.extract_strided_slice %add3A_17 {offsets = [0, 4864], sizes = [512, 256], strides = [1, 1]} : vector<512x10240xf32> to vector<512x256xf32>
    %lt3A_403 = arith.cmpf olt, %slice3A_402, %select_n3A_401 : vector<512x256xf32>
    %lt3A_404 = arith.cmpf olt, %slice3A_402, %select_n3A_397 : vector<512x256xf32>
    %lt3A_405 = arith.cmpf olt, %slice3A_402, %select_n3A_391 : vector<512x256xf32>
    %jit3A_406 = arith.constant 19 : i32
    %broadcast_in_dim3A_407 = vector.broadcast %jit3A_406 : i32 to vector<512x256xi32>
    %select_n3A_408 = arith.select %lt3A_405, %broadcast_in_dim3A_407, %select_n3A_389 : vector<512x256xi1>, vector<512x256xi32>
    %select_n3A_409 = arith.select %lt3A_404, %select_n3A_395, %select_n3A_408 : vector<512x256xi1>, vector<512x256xi32>
    %select_n3A_410 = arith.select %lt3A_405, %slice3A_402, %select_n3A_391 : vector<512x256xi1>, vector<512x256xf32>
    %select_n3A_411 = arith.select %lt3A_404, %select_n3A_397, %select_n3A_410 : vector<512x256xi1>, vector<512x256xf32>
    %jit3A_412 = arith.constant 19 : i32
    %broadcast_in_dim3A_413 = vector.broadcast %jit3A_412 : i32 to vector<512x256xi32>
    %select_n3A_414 = arith.select %lt3A_404, %broadcast_in_dim3A_413, %select_n3A_395 : vector<512x256xi1>, vector<512x256xi32>
    %select_n3A_415 = arith.select %lt3A_403, %select_n3A_400, %select_n3A_414 : vector<512x256xi1>, vector<512x256xi32>
    %select_n3A_416 = arith.select %lt3A_404, %slice3A_402, %select_n3A_397 : vector<512x256xi1>, vector<512x256xf32>
    %select_n3A_417 = arith.select %lt3A_403, %select_n3A_401, %select_n3A_416 : vector<512x256xi1>, vector<512x256xf32>
    %jit3A_418 = arith.constant 19 : i32
    %broadcast_in_dim3A_419 = vector.broadcast %jit3A_418 : i32 to vector<512x256xi32>
    %select_n3A_420 = arith.select %lt3A_403, %broadcast_in_dim3A_419, %select_n3A_400 : vector<512x256xi1>, vector<512x256xi32>
    %select_n3A_421 = arith.select %lt3A_403, %slice3A_402, %select_n3A_401 : vector<512x256xi1>, vector<512x256xf32>
    %slice3A_422 = vector.extract_strided_slice %add3A_17 {offsets = [0, 5120], sizes = [512, 256], strides = [1, 1]} : vector<512x10240xf32> to vector<512x256xf32>
    %lt3A_423 = arith.cmpf olt, %slice3A_422, %select_n3A_421 : vector<512x256xf32>
    %lt3A_424 = arith.cmpf olt, %slice3A_422, %select_n3A_417 : vector<512x256xf32>
    %lt3A_425 = arith.cmpf olt, %slice3A_422, %select_n3A_411 : vector<512x256xf32>
    %jit3A_426 = arith.constant 20 : i32
    %broadcast_in_dim3A_427 = vector.broadcast %jit3A_426 : i32 to vector<512x256xi32>
    %select_n3A_428 = arith.select %lt3A_425, %broadcast_in_dim3A_427, %select_n3A_409 : vector<512x256xi1>, vector<512x256xi32>
    %select_n3A_429 = arith.select %lt3A_424, %select_n3A_415, %select_n3A_428 : vector<512x256xi1>, vector<512x256xi32>
    %select_n3A_430 = arith.select %lt3A_425, %slice3A_422, %select_n3A_411 : vector<512x256xi1>, vector<512x256xf32>
    %select_n3A_431 = arith.select %lt3A_424, %select_n3A_417, %select_n3A_430 : vector<512x256xi1>, vector<512x256xf32>
    %jit3A_432 = arith.constant 20 : i32
    %broadcast_in_dim3A_433 = vector.broadcast %jit3A_432 : i32 to vector<512x256xi32>
    %select_n3A_434 = arith.select %lt3A_424, %broadcast_in_dim3A_433, %select_n3A_415 : vector<512x256xi1>, vector<512x256xi32>
    %select_n3A_435 = arith.select %lt3A_423, %select_n3A_420, %select_n3A_434 : vector<512x256xi1>, vector<512x256xi32>
    %select_n3A_436 = arith.select %lt3A_424, %slice3A_422, %select_n3A_417 : vector<512x256xi1>, vector<512x256xf32>
    %select_n3A_437 = arith.select %lt3A_423, %select_n3A_421, %select_n3A_436 : vector<512x256xi1>, vector<512x256xf32>
    %jit3A_438 = arith.constant 20 : i32
    %broadcast_in_dim3A_439 = vector.broadcast %jit3A_438 : i32 to vector<512x256xi32>
    %select_n3A_440 = arith.select %lt3A_423, %broadcast_in_dim3A_439, %select_n3A_420 : vector<512x256xi1>, vector<512x256xi32>
    %select_n3A_441 = arith.select %lt3A_423, %slice3A_422, %select_n3A_421 : vector<512x256xi1>, vector<512x256xf32>
    %slice3A_442 = vector.extract_strided_slice %add3A_17 {offsets = [0, 5376], sizes = [512, 256], strides = [1, 1]} : vector<512x10240xf32> to vector<512x256xf32>
    %lt3A_443 = arith.cmpf olt, %slice3A_442, %select_n3A_441 : vector<512x256xf32>
    %lt3A_444 = arith.cmpf olt, %slice3A_442, %select_n3A_437 : vector<512x256xf32>
    %lt3A_445 = arith.cmpf olt, %slice3A_442, %select_n3A_431 : vector<512x256xf32>
    %jit3A_446 = arith.constant 21 : i32
    %broadcast_in_dim3A_447 = vector.broadcast %jit3A_446 : i32 to vector<512x256xi32>
    %select_n3A_448 = arith.select %lt3A_445, %broadcast_in_dim3A_447, %select_n3A_429 : vector<512x256xi1>, vector<512x256xi32>
    %select_n3A_449 = arith.select %lt3A_444, %select_n3A_435, %select_n3A_448 : vector<512x256xi1>, vector<512x256xi32>
    %select_n3A_450 = arith.select %lt3A_445, %slice3A_442, %select_n3A_431 : vector<512x256xi1>, vector<512x256xf32>
    %select_n3A_451 = arith.select %lt3A_444, %select_n3A_437, %select_n3A_450 : vector<512x256xi1>, vector<512x256xf32>
    %jit3A_452 = arith.constant 21 : i32
    %broadcast_in_dim3A_453 = vector.broadcast %jit3A_452 : i32 to vector<512x256xi32>
    %select_n3A_454 = arith.select %lt3A_444, %broadcast_in_dim3A_453, %select_n3A_435 : vector<512x256xi1>, vector<512x256xi32>
    %select_n3A_455 = arith.select %lt3A_443, %select_n3A_440, %select_n3A_454 : vector<512x256xi1>, vector<512x256xi32>
    %select_n3A_456 = arith.select %lt3A_444, %slice3A_442, %select_n3A_437 : vector<512x256xi1>, vector<512x256xf32>
    %select_n3A_457 = arith.select %lt3A_443, %select_n3A_441, %select_n3A_456 : vector<512x256xi1>, vector<512x256xf32>
    %jit3A_458 = arith.constant 21 : i32
    %broadcast_in_dim3A_459 = vector.broadcast %jit3A_458 : i32 to vector<512x256xi32>
    %select_n3A_460 = arith.select %lt3A_443, %broadcast_in_dim3A_459, %select_n3A_440 : vector<512x256xi1>, vector<512x256xi32>
    %select_n3A_461 = arith.select %lt3A_443, %slice3A_442, %select_n3A_441 : vector<512x256xi1>, vector<512x256xf32>
    %slice3A_462 = vector.extract_strided_slice %add3A_17 {offsets = [0, 5632], sizes = [512, 256], strides = [1, 1]} : vector<512x10240xf32> to vector<512x256xf32>
    %lt3A_463 = arith.cmpf olt, %slice3A_462, %select_n3A_461 : vector<512x256xf32>
    %lt3A_464 = arith.cmpf olt, %slice3A_462, %select_n3A_457 : vector<512x256xf32>
    %lt3A_465 = arith.cmpf olt, %slice3A_462, %select_n3A_451 : vector<512x256xf32>
    %jit3A_466 = arith.constant 22 : i32
    %broadcast_in_dim3A_467 = vector.broadcast %jit3A_466 : i32 to vector<512x256xi32>
    %select_n3A_468 = arith.select %lt3A_465, %broadcast_in_dim3A_467, %select_n3A_449 : vector<512x256xi1>, vector<512x256xi32>
    %select_n3A_469 = arith.select %lt3A_464, %select_n3A_455, %select_n3A_468 : vector<512x256xi1>, vector<512x256xi32>
    %select_n3A_470 = arith.select %lt3A_465, %slice3A_462, %select_n3A_451 : vector<512x256xi1>, vector<512x256xf32>
    %select_n3A_471 = arith.select %lt3A_464, %select_n3A_457, %select_n3A_470 : vector<512x256xi1>, vector<512x256xf32>
    %jit3A_472 = arith.constant 22 : i32
    %broadcast_in_dim3A_473 = vector.broadcast %jit3A_472 : i32 to vector<512x256xi32>
    %select_n3A_474 = arith.select %lt3A_464, %broadcast_in_dim3A_473, %select_n3A_455 : vector<512x256xi1>, vector<512x256xi32>
    %select_n3A_475 = arith.select %lt3A_463, %select_n3A_460, %select_n3A_474 : vector<512x256xi1>, vector<512x256xi32>
    %select_n3A_476 = arith.select %lt3A_464, %slice3A_462, %select_n3A_457 : vector<512x256xi1>, vector<512x256xf32>
    %select_n3A_477 = arith.select %lt3A_463, %select_n3A_461, %select_n3A_476 : vector<512x256xi1>, vector<512x256xf32>
    %jit3A_478 = arith.constant 22 : i32
    %broadcast_in_dim3A_479 = vector.broadcast %jit3A_478 : i32 to vector<512x256xi32>
    %select_n3A_480 = arith.select %lt3A_463, %broadcast_in_dim3A_479, %select_n3A_460 : vector<512x256xi1>, vector<512x256xi32>
    %select_n3A_481 = arith.select %lt3A_463, %slice3A_462, %select_n3A_461 : vector<512x256xi1>, vector<512x256xf32>
    %slice3A_482 = vector.extract_strided_slice %add3A_17 {offsets = [0, 5888], sizes = [512, 256], strides = [1, 1]} : vector<512x10240xf32> to vector<512x256xf32>
    %lt3A_483 = arith.cmpf olt, %slice3A_482, %select_n3A_481 : vector<512x256xf32>
    %lt3A_484 = arith.cmpf olt, %slice3A_482, %select_n3A_477 : vector<512x256xf32>
    %lt3A_485 = arith.cmpf olt, %slice3A_482, %select_n3A_471 : vector<512x256xf32>
    %jit3A_486 = arith.constant 23 : i32
    %broadcast_in_dim3A_487 = vector.broadcast %jit3A_486 : i32 to vector<512x256xi32>
    %select_n3A_488 = arith.select %lt3A_485, %broadcast_in_dim3A_487, %select_n3A_469 : vector<512x256xi1>, vector<512x256xi32>
    %select_n3A_489 = arith.select %lt3A_484, %select_n3A_475, %select_n3A_488 : vector<512x256xi1>, vector<512x256xi32>
    %select_n3A_490 = arith.select %lt3A_485, %slice3A_482, %select_n3A_471 : vector<512x256xi1>, vector<512x256xf32>
    %select_n3A_491 = arith.select %lt3A_484, %select_n3A_477, %select_n3A_490 : vector<512x256xi1>, vector<512x256xf32>
    %jit3A_492 = arith.constant 23 : i32
    %broadcast_in_dim3A_493 = vector.broadcast %jit3A_492 : i32 to vector<512x256xi32>
    %select_n3A_494 = arith.select %lt3A_484, %broadcast_in_dim3A_493, %select_n3A_475 : vector<512x256xi1>, vector<512x256xi32>
    %select_n3A_495 = arith.select %lt3A_483, %select_n3A_480, %select_n3A_494 : vector<512x256xi1>, vector<512x256xi32>
    %select_n3A_496 = arith.select %lt3A_484, %slice3A_482, %select_n3A_477 : vector<512x256xi1>, vector<512x256xf32>
    %select_n3A_497 = arith.select %lt3A_483, %select_n3A_481, %select_n3A_496 : vector<512x256xi1>, vector<512x256xf32>
    %jit3A_498 = arith.constant 23 : i32
    %broadcast_in_dim3A_499 = vector.broadcast %jit3A_498 : i32 to vector<512x256xi32>
    %select_n3A_500 = arith.select %lt3A_483, %broadcast_in_dim3A_499, %select_n3A_480 : vector<512x256xi1>, vector<512x256xi32>
    %select_n3A_501 = arith.select %lt3A_483, %slice3A_482, %select_n3A_481 : vector<512x256xi1>, vector<512x256xf32>
    %slice3A_502 = vector.extract_strided_slice %add3A_17 {offsets = [0, 6144], sizes = [512, 256], strides = [1, 1]} : vector<512x10240xf32> to vector<512x256xf32>
    %lt3A_503 = arith.cmpf olt, %slice3A_502, %select_n3A_501 : vector<512x256xf32>
    %lt3A_504 = arith.cmpf olt, %slice3A_502, %select_n3A_497 : vector<512x256xf32>
    %lt3A_505 = arith.cmpf olt, %slice3A_502, %select_n3A_491 : vector<512x256xf32>
    %jit3A_506 = arith.constant 24 : i32
    %broadcast_in_dim3A_507 = vector.broadcast %jit3A_506 : i32 to vector<512x256xi32>
    %select_n3A_508 = arith.select %lt3A_505, %broadcast_in_dim3A_507, %select_n3A_489 : vector<512x256xi1>, vector<512x256xi32>
    %select_n3A_509 = arith.select %lt3A_504, %select_n3A_495, %select_n3A_508 : vector<512x256xi1>, vector<512x256xi32>
    %select_n3A_510 = arith.select %lt3A_505, %slice3A_502, %select_n3A_491 : vector<512x256xi1>, vector<512x256xf32>
    %select_n3A_511 = arith.select %lt3A_504, %select_n3A_497, %select_n3A_510 : vector<512x256xi1>, vector<512x256xf32>
    %jit3A_512 = arith.constant 24 : i32
    %broadcast_in_dim3A_513 = vector.broadcast %jit3A_512 : i32 to vector<512x256xi32>
    %select_n3A_514 = arith.select %lt3A_504, %broadcast_in_dim3A_513, %select_n3A_495 : vector<512x256xi1>, vector<512x256xi32>
    %select_n3A_515 = arith.select %lt3A_503, %select_n3A_500, %select_n3A_514 : vector<512x256xi1>, vector<512x256xi32>
    %select_n3A_516 = arith.select %lt3A_504, %slice3A_502, %select_n3A_497 : vector<512x256xi1>, vector<512x256xf32>
    %select_n3A_517 = arith.select %lt3A_503, %select_n3A_501, %select_n3A_516 : vector<512x256xi1>, vector<512x256xf32>
    %jit3A_518 = arith.constant 24 : i32
    %broadcast_in_dim3A_519 = vector.broadcast %jit3A_518 : i32 to vector<512x256xi32>
    %select_n3A_520 = arith.select %lt3A_503, %broadcast_in_dim3A_519, %select_n3A_500 : vector<512x256xi1>, vector<512x256xi32>
    %select_n3A_521 = arith.select %lt3A_503, %slice3A_502, %select_n3A_501 : vector<512x256xi1>, vector<512x256xf32>
    %slice3A_522 = vector.extract_strided_slice %add3A_17 {offsets = [0, 6400], sizes = [512, 256], strides = [1, 1]} : vector<512x10240xf32> to vector<512x256xf32>
    %lt3A_523 = arith.cmpf olt, %slice3A_522, %select_n3A_521 : vector<512x256xf32>
    %lt3A_524 = arith.cmpf olt, %slice3A_522, %select_n3A_517 : vector<512x256xf32>
    %lt3A_525 = arith.cmpf olt, %slice3A_522, %select_n3A_511 : vector<512x256xf32>
    %jit3A_526 = arith.constant 25 : i32
    %broadcast_in_dim3A_527 = vector.broadcast %jit3A_526 : i32 to vector<512x256xi32>
    %select_n3A_528 = arith.select %lt3A_525, %broadcast_in_dim3A_527, %select_n3A_509 : vector<512x256xi1>, vector<512x256xi32>
    %select_n3A_529 = arith.select %lt3A_524, %select_n3A_515, %select_n3A_528 : vector<512x256xi1>, vector<512x256xi32>
    %select_n3A_530 = arith.select %lt3A_525, %slice3A_522, %select_n3A_511 : vector<512x256xi1>, vector<512x256xf32>
    %select_n3A_531 = arith.select %lt3A_524, %select_n3A_517, %select_n3A_530 : vector<512x256xi1>, vector<512x256xf32>
    %jit3A_532 = arith.constant 25 : i32
    %broadcast_in_dim3A_533 = vector.broadcast %jit3A_532 : i32 to vector<512x256xi32>
    %select_n3A_534 = arith.select %lt3A_524, %broadcast_in_dim3A_533, %select_n3A_515 : vector<512x256xi1>, vector<512x256xi32>
    %select_n3A_535 = arith.select %lt3A_523, %select_n3A_520, %select_n3A_534 : vector<512x256xi1>, vector<512x256xi32>
    %select_n3A_536 = arith.select %lt3A_524, %slice3A_522, %select_n3A_517 : vector<512x256xi1>, vector<512x256xf32>
    %select_n3A_537 = arith.select %lt3A_523, %select_n3A_521, %select_n3A_536 : vector<512x256xi1>, vector<512x256xf32>
    %jit3A_538 = arith.constant 25 : i32
    %broadcast_in_dim3A_539 = vector.broadcast %jit3A_538 : i32 to vector<512x256xi32>
    %select_n3A_540 = arith.select %lt3A_523, %broadcast_in_dim3A_539, %select_n3A_520 : vector<512x256xi1>, vector<512x256xi32>
    %select_n3A_541 = arith.select %lt3A_523, %slice3A_522, %select_n3A_521 : vector<512x256xi1>, vector<512x256xf32>
    %slice3A_542 = vector.extract_strided_slice %add3A_17 {offsets = [0, 6656], sizes = [512, 256], strides = [1, 1]} : vector<512x10240xf32> to vector<512x256xf32>
    %lt3A_543 = arith.cmpf olt, %slice3A_542, %select_n3A_541 : vector<512x256xf32>
    %lt3A_544 = arith.cmpf olt, %slice3A_542, %select_n3A_537 : vector<512x256xf32>
    %lt3A_545 = arith.cmpf olt, %slice3A_542, %select_n3A_531 : vector<512x256xf32>
    %jit3A_546 = arith.constant 26 : i32
    %broadcast_in_dim3A_547 = vector.broadcast %jit3A_546 : i32 to vector<512x256xi32>
    %select_n3A_548 = arith.select %lt3A_545, %broadcast_in_dim3A_547, %select_n3A_529 : vector<512x256xi1>, vector<512x256xi32>
    %select_n3A_549 = arith.select %lt3A_544, %select_n3A_535, %select_n3A_548 : vector<512x256xi1>, vector<512x256xi32>
    %select_n3A_550 = arith.select %lt3A_545, %slice3A_542, %select_n3A_531 : vector<512x256xi1>, vector<512x256xf32>
    %select_n3A_551 = arith.select %lt3A_544, %select_n3A_537, %select_n3A_550 : vector<512x256xi1>, vector<512x256xf32>
    %jit3A_552 = arith.constant 26 : i32
    %broadcast_in_dim3A_553 = vector.broadcast %jit3A_552 : i32 to vector<512x256xi32>
    %select_n3A_554 = arith.select %lt3A_544, %broadcast_in_dim3A_553, %select_n3A_535 : vector<512x256xi1>, vector<512x256xi32>
    %select_n3A_555 = arith.select %lt3A_543, %select_n3A_540, %select_n3A_554 : vector<512x256xi1>, vector<512x256xi32>
    %select_n3A_556 = arith.select %lt3A_544, %slice3A_542, %select_n3A_537 : vector<512x256xi1>, vector<512x256xf32>
    %select_n3A_557 = arith.select %lt3A_543, %select_n3A_541, %select_n3A_556 : vector<512x256xi1>, vector<512x256xf32>
    %jit3A_558 = arith.constant 26 : i32
    %broadcast_in_dim3A_559 = vector.broadcast %jit3A_558 : i32 to vector<512x256xi32>
    %select_n3A_560 = arith.select %lt3A_543, %broadcast_in_dim3A_559, %select_n3A_540 : vector<512x256xi1>, vector<512x256xi32>
    %select_n3A_561 = arith.select %lt3A_543, %slice3A_542, %select_n3A_541 : vector<512x256xi1>, vector<512x256xf32>
    %slice3A_562 = vector.extract_strided_slice %add3A_17 {offsets = [0, 6912], sizes = [512, 256], strides = [1, 1]} : vector<512x10240xf32> to vector<512x256xf32>
    %lt3A_563 = arith.cmpf olt, %slice3A_562, %select_n3A_561 : vector<512x256xf32>
    %lt3A_564 = arith.cmpf olt, %slice3A_562, %select_n3A_557 : vector<512x256xf32>
    %lt3A_565 = arith.cmpf olt, %slice3A_562, %select_n3A_551 : vector<512x256xf32>
    %jit3A_566 = arith.constant 27 : i32
    %broadcast_in_dim3A_567 = vector.broadcast %jit3A_566 : i32 to vector<512x256xi32>
    %select_n3A_568 = arith.select %lt3A_565, %broadcast_in_dim3A_567, %select_n3A_549 : vector<512x256xi1>, vector<512x256xi32>
    %select_n3A_569 = arith.select %lt3A_564, %select_n3A_555, %select_n3A_568 : vector<512x256xi1>, vector<512x256xi32>
    %select_n3A_570 = arith.select %lt3A_565, %slice3A_562, %select_n3A_551 : vector<512x256xi1>, vector<512x256xf32>
    %select_n3A_571 = arith.select %lt3A_564, %select_n3A_557, %select_n3A_570 : vector<512x256xi1>, vector<512x256xf32>
    %jit3A_572 = arith.constant 27 : i32
    %broadcast_in_dim3A_573 = vector.broadcast %jit3A_572 : i32 to vector<512x256xi32>
    %select_n3A_574 = arith.select %lt3A_564, %broadcast_in_dim3A_573, %select_n3A_555 : vector<512x256xi1>, vector<512x256xi32>
    %select_n3A_575 = arith.select %lt3A_563, %select_n3A_560, %select_n3A_574 : vector<512x256xi1>, vector<512x256xi32>
    %select_n3A_576 = arith.select %lt3A_564, %slice3A_562, %select_n3A_557 : vector<512x256xi1>, vector<512x256xf32>
    %select_n3A_577 = arith.select %lt3A_563, %select_n3A_561, %select_n3A_576 : vector<512x256xi1>, vector<512x256xf32>
    %jit3A_578 = arith.constant 27 : i32
    %broadcast_in_dim3A_579 = vector.broadcast %jit3A_578 : i32 to vector<512x256xi32>
    %select_n3A_580 = arith.select %lt3A_563, %broadcast_in_dim3A_579, %select_n3A_560 : vector<512x256xi1>, vector<512x256xi32>
    %select_n3A_581 = arith.select %lt3A_563, %slice3A_562, %select_n3A_561 : vector<512x256xi1>, vector<512x256xf32>
    %slice3A_582 = vector.extract_strided_slice %add3A_17 {offsets = [0, 7168], sizes = [512, 256], strides = [1, 1]} : vector<512x10240xf32> to vector<512x256xf32>
    %lt3A_583 = arith.cmpf olt, %slice3A_582, %select_n3A_581 : vector<512x256xf32>
    %lt3A_584 = arith.cmpf olt, %slice3A_582, %select_n3A_577 : vector<512x256xf32>
    %lt3A_585 = arith.cmpf olt, %slice3A_582, %select_n3A_571 : vector<512x256xf32>
    %jit3A_586 = arith.constant 28 : i32
    %broadcast_in_dim3A_587 = vector.broadcast %jit3A_586 : i32 to vector<512x256xi32>
    %select_n3A_588 = arith.select %lt3A_585, %broadcast_in_dim3A_587, %select_n3A_569 : vector<512x256xi1>, vector<512x256xi32>
    %select_n3A_589 = arith.select %lt3A_584, %select_n3A_575, %select_n3A_588 : vector<512x256xi1>, vector<512x256xi32>
    %select_n3A_590 = arith.select %lt3A_585, %slice3A_582, %select_n3A_571 : vector<512x256xi1>, vector<512x256xf32>
    %select_n3A_591 = arith.select %lt3A_584, %select_n3A_577, %select_n3A_590 : vector<512x256xi1>, vector<512x256xf32>
    %jit3A_592 = arith.constant 28 : i32
    %broadcast_in_dim3A_593 = vector.broadcast %jit3A_592 : i32 to vector<512x256xi32>
    %select_n3A_594 = arith.select %lt3A_584, %broadcast_in_dim3A_593, %select_n3A_575 : vector<512x256xi1>, vector<512x256xi32>
    %select_n3A_595 = arith.select %lt3A_583, %select_n3A_580, %select_n3A_594 : vector<512x256xi1>, vector<512x256xi32>
    %select_n3A_596 = arith.select %lt3A_584, %slice3A_582, %select_n3A_577 : vector<512x256xi1>, vector<512x256xf32>
    %select_n3A_597 = arith.select %lt3A_583, %select_n3A_581, %select_n3A_596 : vector<512x256xi1>, vector<512x256xf32>
    %jit3A_598 = arith.constant 28 : i32
    %broadcast_in_dim3A_599 = vector.broadcast %jit3A_598 : i32 to vector<512x256xi32>
    %select_n3A_600 = arith.select %lt3A_583, %broadcast_in_dim3A_599, %select_n3A_580 : vector<512x256xi1>, vector<512x256xi32>
    %select_n3A_601 = arith.select %lt3A_583, %slice3A_582, %select_n3A_581 : vector<512x256xi1>, vector<512x256xf32>
    %slice3A_602 = vector.extract_strided_slice %add3A_17 {offsets = [0, 7424], sizes = [512, 256], strides = [1, 1]} : vector<512x10240xf32> to vector<512x256xf32>
    %lt3A_603 = arith.cmpf olt, %slice3A_602, %select_n3A_601 : vector<512x256xf32>
    %lt3A_604 = arith.cmpf olt, %slice3A_602, %select_n3A_597 : vector<512x256xf32>
    %lt3A_605 = arith.cmpf olt, %slice3A_602, %select_n3A_591 : vector<512x256xf32>
    %jit3A_606 = arith.constant 29 : i32
    %broadcast_in_dim3A_607 = vector.broadcast %jit3A_606 : i32 to vector<512x256xi32>
    %select_n3A_608 = arith.select %lt3A_605, %broadcast_in_dim3A_607, %select_n3A_589 : vector<512x256xi1>, vector<512x256xi32>
    %select_n3A_609 = arith.select %lt3A_604, %select_n3A_595, %select_n3A_608 : vector<512x256xi1>, vector<512x256xi32>
    %select_n3A_610 = arith.select %lt3A_605, %slice3A_602, %select_n3A_591 : vector<512x256xi1>, vector<512x256xf32>
    %select_n3A_611 = arith.select %lt3A_604, %select_n3A_597, %select_n3A_610 : vector<512x256xi1>, vector<512x256xf32>
    %jit3A_612 = arith.constant 29 : i32
    %broadcast_in_dim3A_613 = vector.broadcast %jit3A_612 : i32 to vector<512x256xi32>
    %select_n3A_614 = arith.select %lt3A_604, %broadcast_in_dim3A_613, %select_n3A_595 : vector<512x256xi1>, vector<512x256xi32>
    %select_n3A_615 = arith.select %lt3A_603, %select_n3A_600, %select_n3A_614 : vector<512x256xi1>, vector<512x256xi32>
    %select_n3A_616 = arith.select %lt3A_604, %slice3A_602, %select_n3A_597 : vector<512x256xi1>, vector<512x256xf32>
    %select_n3A_617 = arith.select %lt3A_603, %select_n3A_601, %select_n3A_616 : vector<512x256xi1>, vector<512x256xf32>
    %jit3A_618 = arith.constant 29 : i32
    %broadcast_in_dim3A_619 = vector.broadcast %jit3A_618 : i32 to vector<512x256xi32>
    %select_n3A_620 = arith.select %lt3A_603, %broadcast_in_dim3A_619, %select_n3A_600 : vector<512x256xi1>, vector<512x256xi32>
    %select_n3A_621 = arith.select %lt3A_603, %slice3A_602, %select_n3A_601 : vector<512x256xi1>, vector<512x256xf32>
    %slice3A_622 = vector.extract_strided_slice %add3A_17 {offsets = [0, 7680], sizes = [512, 256], strides = [1, 1]} : vector<512x10240xf32> to vector<512x256xf32>
    %lt3A_623 = arith.cmpf olt, %slice3A_622, %select_n3A_621 : vector<512x256xf32>
    %lt3A_624 = arith.cmpf olt, %slice3A_622, %select_n3A_617 : vector<512x256xf32>
    %lt3A_625 = arith.cmpf olt, %slice3A_622, %select_n3A_611 : vector<512x256xf32>
    %jit3A_626 = arith.constant 30 : i32
    %broadcast_in_dim3A_627 = vector.broadcast %jit3A_626 : i32 to vector<512x256xi32>
    %select_n3A_628 = arith.select %lt3A_625, %broadcast_in_dim3A_627, %select_n3A_609 : vector<512x256xi1>, vector<512x256xi32>
    %select_n3A_629 = arith.select %lt3A_624, %select_n3A_615, %select_n3A_628 : vector<512x256xi1>, vector<512x256xi32>
    %select_n3A_630 = arith.select %lt3A_625, %slice3A_622, %select_n3A_611 : vector<512x256xi1>, vector<512x256xf32>
    %select_n3A_631 = arith.select %lt3A_624, %select_n3A_617, %select_n3A_630 : vector<512x256xi1>, vector<512x256xf32>
    %jit3A_632 = arith.constant 30 : i32
    %broadcast_in_dim3A_633 = vector.broadcast %jit3A_632 : i32 to vector<512x256xi32>
    %select_n3A_634 = arith.select %lt3A_624, %broadcast_in_dim3A_633, %select_n3A_615 : vector<512x256xi1>, vector<512x256xi32>
    %select_n3A_635 = arith.select %lt3A_623, %select_n3A_620, %select_n3A_634 : vector<512x256xi1>, vector<512x256xi32>
    %select_n3A_636 = arith.select %lt3A_624, %slice3A_622, %select_n3A_617 : vector<512x256xi1>, vector<512x256xf32>
    %select_n3A_637 = arith.select %lt3A_623, %select_n3A_621, %select_n3A_636 : vector<512x256xi1>, vector<512x256xf32>
    %jit3A_638 = arith.constant 30 : i32
    %broadcast_in_dim3A_639 = vector.broadcast %jit3A_638 : i32 to vector<512x256xi32>
    %select_n3A_640 = arith.select %lt3A_623, %broadcast_in_dim3A_639, %select_n3A_620 : vector<512x256xi1>, vector<512x256xi32>
    %select_n3A_641 = arith.select %lt3A_623, %slice3A_622, %select_n3A_621 : vector<512x256xi1>, vector<512x256xf32>
    %slice3A_642 = vector.extract_strided_slice %add3A_17 {offsets = [0, 7936], sizes = [512, 256], strides = [1, 1]} : vector<512x10240xf32> to vector<512x256xf32>
    %lt3A_643 = arith.cmpf olt, %slice3A_642, %select_n3A_641 : vector<512x256xf32>
    %lt3A_644 = arith.cmpf olt, %slice3A_642, %select_n3A_637 : vector<512x256xf32>
    %lt3A_645 = arith.cmpf olt, %slice3A_642, %select_n3A_631 : vector<512x256xf32>
    %jit3A_646 = arith.constant 31 : i32
    %broadcast_in_dim3A_647 = vector.broadcast %jit3A_646 : i32 to vector<512x256xi32>
    %select_n3A_648 = arith.select %lt3A_645, %broadcast_in_dim3A_647, %select_n3A_629 : vector<512x256xi1>, vector<512x256xi32>
    %select_n3A_649 = arith.select %lt3A_644, %select_n3A_635, %select_n3A_648 : vector<512x256xi1>, vector<512x256xi32>
    %select_n3A_650 = arith.select %lt3A_645, %slice3A_642, %select_n3A_631 : vector<512x256xi1>, vector<512x256xf32>
    %select_n3A_651 = arith.select %lt3A_644, %select_n3A_637, %select_n3A_650 : vector<512x256xi1>, vector<512x256xf32>
    %jit3A_652 = arith.constant 31 : i32
    %broadcast_in_dim3A_653 = vector.broadcast %jit3A_652 : i32 to vector<512x256xi32>
    %select_n3A_654 = arith.select %lt3A_644, %broadcast_in_dim3A_653, %select_n3A_635 : vector<512x256xi1>, vector<512x256xi32>
    %select_n3A_655 = arith.select %lt3A_643, %select_n3A_640, %select_n3A_654 : vector<512x256xi1>, vector<512x256xi32>
    %select_n3A_656 = arith.select %lt3A_644, %slice3A_642, %select_n3A_637 : vector<512x256xi1>, vector<512x256xf32>
    %select_n3A_657 = arith.select %lt3A_643, %select_n3A_641, %select_n3A_656 : vector<512x256xi1>, vector<512x256xf32>
    %jit3A_658 = arith.constant 31 : i32
    %broadcast_in_dim3A_659 = vector.broadcast %jit3A_658 : i32 to vector<512x256xi32>
    %select_n3A_660 = arith.select %lt3A_643, %broadcast_in_dim3A_659, %select_n3A_640 : vector<512x256xi1>, vector<512x256xi32>
    %select_n3A_661 = arith.select %lt3A_643, %slice3A_642, %select_n3A_641 : vector<512x256xi1>, vector<512x256xf32>
    %slice3A_662 = vector.extract_strided_slice %add3A_17 {offsets = [0, 8192], sizes = [512, 256], strides = [1, 1]} : vector<512x10240xf32> to vector<512x256xf32>
    %lt3A_663 = arith.cmpf olt, %slice3A_662, %select_n3A_661 : vector<512x256xf32>
    %lt3A_664 = arith.cmpf olt, %slice3A_662, %select_n3A_657 : vector<512x256xf32>
    %lt3A_665 = arith.cmpf olt, %slice3A_662, %select_n3A_651 : vector<512x256xf32>
    %jit3A_666 = arith.constant 32 : i32
    %broadcast_in_dim3A_667 = vector.broadcast %jit3A_666 : i32 to vector<512x256xi32>
    %select_n3A_668 = arith.select %lt3A_665, %broadcast_in_dim3A_667, %select_n3A_649 : vector<512x256xi1>, vector<512x256xi32>
    %select_n3A_669 = arith.select %lt3A_664, %select_n3A_655, %select_n3A_668 : vector<512x256xi1>, vector<512x256xi32>
    %select_n3A_670 = arith.select %lt3A_665, %slice3A_662, %select_n3A_651 : vector<512x256xi1>, vector<512x256xf32>
    %select_n3A_671 = arith.select %lt3A_664, %select_n3A_657, %select_n3A_670 : vector<512x256xi1>, vector<512x256xf32>
    %jit3A_672 = arith.constant 32 : i32
    %broadcast_in_dim3A_673 = vector.broadcast %jit3A_672 : i32 to vector<512x256xi32>
    %select_n3A_674 = arith.select %lt3A_664, %broadcast_in_dim3A_673, %select_n3A_655 : vector<512x256xi1>, vector<512x256xi32>
    %select_n3A_675 = arith.select %lt3A_663, %select_n3A_660, %select_n3A_674 : vector<512x256xi1>, vector<512x256xi32>
    %select_n3A_676 = arith.select %lt3A_664, %slice3A_662, %select_n3A_657 : vector<512x256xi1>, vector<512x256xf32>
    %select_n3A_677 = arith.select %lt3A_663, %select_n3A_661, %select_n3A_676 : vector<512x256xi1>, vector<512x256xf32>
    %jit3A_678 = arith.constant 32 : i32
    %broadcast_in_dim3A_679 = vector.broadcast %jit3A_678 : i32 to vector<512x256xi32>
    %select_n3A_680 = arith.select %lt3A_663, %broadcast_in_dim3A_679, %select_n3A_660 : vector<512x256xi1>, vector<512x256xi32>
    %select_n3A_681 = arith.select %lt3A_663, %slice3A_662, %select_n3A_661 : vector<512x256xi1>, vector<512x256xf32>
    %slice3A_682 = vector.extract_strided_slice %add3A_17 {offsets = [0, 8448], sizes = [512, 256], strides = [1, 1]} : vector<512x10240xf32> to vector<512x256xf32>
    %lt3A_683 = arith.cmpf olt, %slice3A_682, %select_n3A_681 : vector<512x256xf32>
    %lt3A_684 = arith.cmpf olt, %slice3A_682, %select_n3A_677 : vector<512x256xf32>
    %lt3A_685 = arith.cmpf olt, %slice3A_682, %select_n3A_671 : vector<512x256xf32>
    %jit3A_686 = arith.constant 33 : i32
    %broadcast_in_dim3A_687 = vector.broadcast %jit3A_686 : i32 to vector<512x256xi32>
    %select_n3A_688 = arith.select %lt3A_685, %broadcast_in_dim3A_687, %select_n3A_669 : vector<512x256xi1>, vector<512x256xi32>
    %select_n3A_689 = arith.select %lt3A_684, %select_n3A_675, %select_n3A_688 : vector<512x256xi1>, vector<512x256xi32>
    %select_n3A_690 = arith.select %lt3A_685, %slice3A_682, %select_n3A_671 : vector<512x256xi1>, vector<512x256xf32>
    %select_n3A_691 = arith.select %lt3A_684, %select_n3A_677, %select_n3A_690 : vector<512x256xi1>, vector<512x256xf32>
    %jit3A_692 = arith.constant 33 : i32
    %broadcast_in_dim3A_693 = vector.broadcast %jit3A_692 : i32 to vector<512x256xi32>
    %select_n3A_694 = arith.select %lt3A_684, %broadcast_in_dim3A_693, %select_n3A_675 : vector<512x256xi1>, vector<512x256xi32>
    %select_n3A_695 = arith.select %lt3A_683, %select_n3A_680, %select_n3A_694 : vector<512x256xi1>, vector<512x256xi32>
    %select_n3A_696 = arith.select %lt3A_684, %slice3A_682, %select_n3A_677 : vector<512x256xi1>, vector<512x256xf32>
    %select_n3A_697 = arith.select %lt3A_683, %select_n3A_681, %select_n3A_696 : vector<512x256xi1>, vector<512x256xf32>
    %jit3A_698 = arith.constant 33 : i32
    %broadcast_in_dim3A_699 = vector.broadcast %jit3A_698 : i32 to vector<512x256xi32>
    %select_n3A_700 = arith.select %lt3A_683, %broadcast_in_dim3A_699, %select_n3A_680 : vector<512x256xi1>, vector<512x256xi32>
    %select_n3A_701 = arith.select %lt3A_683, %slice3A_682, %select_n3A_681 : vector<512x256xi1>, vector<512x256xf32>
    %slice3A_702 = vector.extract_strided_slice %add3A_17 {offsets = [0, 8704], sizes = [512, 256], strides = [1, 1]} : vector<512x10240xf32> to vector<512x256xf32>
    %lt3A_703 = arith.cmpf olt, %slice3A_702, %select_n3A_701 : vector<512x256xf32>
    %lt3A_704 = arith.cmpf olt, %slice3A_702, %select_n3A_697 : vector<512x256xf32>
    %lt3A_705 = arith.cmpf olt, %slice3A_702, %select_n3A_691 : vector<512x256xf32>
    %jit3A_706 = arith.constant 34 : i32
    %broadcast_in_dim3A_707 = vector.broadcast %jit3A_706 : i32 to vector<512x256xi32>
    %select_n3A_708 = arith.select %lt3A_705, %broadcast_in_dim3A_707, %select_n3A_689 : vector<512x256xi1>, vector<512x256xi32>
    %select_n3A_709 = arith.select %lt3A_704, %select_n3A_695, %select_n3A_708 : vector<512x256xi1>, vector<512x256xi32>
    %select_n3A_710 = arith.select %lt3A_705, %slice3A_702, %select_n3A_691 : vector<512x256xi1>, vector<512x256xf32>
    %select_n3A_711 = arith.select %lt3A_704, %select_n3A_697, %select_n3A_710 : vector<512x256xi1>, vector<512x256xf32>
    %jit3A_712 = arith.constant 34 : i32
    %broadcast_in_dim3A_713 = vector.broadcast %jit3A_712 : i32 to vector<512x256xi32>
    %select_n3A_714 = arith.select %lt3A_704, %broadcast_in_dim3A_713, %select_n3A_695 : vector<512x256xi1>, vector<512x256xi32>
    %select_n3A_715 = arith.select %lt3A_703, %select_n3A_700, %select_n3A_714 : vector<512x256xi1>, vector<512x256xi32>
    %select_n3A_716 = arith.select %lt3A_704, %slice3A_702, %select_n3A_697 : vector<512x256xi1>, vector<512x256xf32>
    %select_n3A_717 = arith.select %lt3A_703, %select_n3A_701, %select_n3A_716 : vector<512x256xi1>, vector<512x256xf32>
    %jit3A_718 = arith.constant 34 : i32
    %broadcast_in_dim3A_719 = vector.broadcast %jit3A_718 : i32 to vector<512x256xi32>
    %select_n3A_720 = arith.select %lt3A_703, %broadcast_in_dim3A_719, %select_n3A_700 : vector<512x256xi1>, vector<512x256xi32>
    %select_n3A_721 = arith.select %lt3A_703, %slice3A_702, %select_n3A_701 : vector<512x256xi1>, vector<512x256xf32>
    %slice3A_722 = vector.extract_strided_slice %add3A_17 {offsets = [0, 8960], sizes = [512, 256], strides = [1, 1]} : vector<512x10240xf32> to vector<512x256xf32>
    %lt3A_723 = arith.cmpf olt, %slice3A_722, %select_n3A_721 : vector<512x256xf32>
    %lt3A_724 = arith.cmpf olt, %slice3A_722, %select_n3A_717 : vector<512x256xf32>
    %lt3A_725 = arith.cmpf olt, %slice3A_722, %select_n3A_711 : vector<512x256xf32>
    %jit3A_726 = arith.constant 35 : i32
    %broadcast_in_dim3A_727 = vector.broadcast %jit3A_726 : i32 to vector<512x256xi32>
    %select_n3A_728 = arith.select %lt3A_725, %broadcast_in_dim3A_727, %select_n3A_709 : vector<512x256xi1>, vector<512x256xi32>
    %select_n3A_729 = arith.select %lt3A_724, %select_n3A_715, %select_n3A_728 : vector<512x256xi1>, vector<512x256xi32>
    %select_n3A_730 = arith.select %lt3A_725, %slice3A_722, %select_n3A_711 : vector<512x256xi1>, vector<512x256xf32>
    %select_n3A_731 = arith.select %lt3A_724, %select_n3A_717, %select_n3A_730 : vector<512x256xi1>, vector<512x256xf32>
    %jit3A_732 = arith.constant 35 : i32
    %broadcast_in_dim3A_733 = vector.broadcast %jit3A_732 : i32 to vector<512x256xi32>
    %select_n3A_734 = arith.select %lt3A_724, %broadcast_in_dim3A_733, %select_n3A_715 : vector<512x256xi1>, vector<512x256xi32>
    %select_n3A_735 = arith.select %lt3A_723, %select_n3A_720, %select_n3A_734 : vector<512x256xi1>, vector<512x256xi32>
    %select_n3A_736 = arith.select %lt3A_724, %slice3A_722, %select_n3A_717 : vector<512x256xi1>, vector<512x256xf32>
    %select_n3A_737 = arith.select %lt3A_723, %select_n3A_721, %select_n3A_736 : vector<512x256xi1>, vector<512x256xf32>
    %jit3A_738 = arith.constant 35 : i32
    %broadcast_in_dim3A_739 = vector.broadcast %jit3A_738 : i32 to vector<512x256xi32>
    %select_n3A_740 = arith.select %lt3A_723, %broadcast_in_dim3A_739, %select_n3A_720 : vector<512x256xi1>, vector<512x256xi32>
    %select_n3A_741 = arith.select %lt3A_723, %slice3A_722, %select_n3A_721 : vector<512x256xi1>, vector<512x256xf32>
    %slice3A_742 = vector.extract_strided_slice %add3A_17 {offsets = [0, 9216], sizes = [512, 256], strides = [1, 1]} : vector<512x10240xf32> to vector<512x256xf32>
    %lt3A_743 = arith.cmpf olt, %slice3A_742, %select_n3A_741 : vector<512x256xf32>
    %lt3A_744 = arith.cmpf olt, %slice3A_742, %select_n3A_737 : vector<512x256xf32>
    %lt3A_745 = arith.cmpf olt, %slice3A_742, %select_n3A_731 : vector<512x256xf32>
    %jit3A_746 = arith.constant 36 : i32
    %broadcast_in_dim3A_747 = vector.broadcast %jit3A_746 : i32 to vector<512x256xi32>
    %select_n3A_748 = arith.select %lt3A_745, %broadcast_in_dim3A_747, %select_n3A_729 : vector<512x256xi1>, vector<512x256xi32>
    %select_n3A_749 = arith.select %lt3A_744, %select_n3A_735, %select_n3A_748 : vector<512x256xi1>, vector<512x256xi32>
    %select_n3A_750 = arith.select %lt3A_745, %slice3A_742, %select_n3A_731 : vector<512x256xi1>, vector<512x256xf32>
    %select_n3A_751 = arith.select %lt3A_744, %select_n3A_737, %select_n3A_750 : vector<512x256xi1>, vector<512x256xf32>
    %jit3A_752 = arith.constant 36 : i32
    %broadcast_in_dim3A_753 = vector.broadcast %jit3A_752 : i32 to vector<512x256xi32>
    %select_n3A_754 = arith.select %lt3A_744, %broadcast_in_dim3A_753, %select_n3A_735 : vector<512x256xi1>, vector<512x256xi32>
    %select_n3A_755 = arith.select %lt3A_743, %select_n3A_740, %select_n3A_754 : vector<512x256xi1>, vector<512x256xi32>
    %select_n3A_756 = arith.select %lt3A_744, %slice3A_742, %select_n3A_737 : vector<512x256xi1>, vector<512x256xf32>
    %select_n3A_757 = arith.select %lt3A_743, %select_n3A_741, %select_n3A_756 : vector<512x256xi1>, vector<512x256xf32>
    %jit3A_758 = arith.constant 36 : i32
    %broadcast_in_dim3A_759 = vector.broadcast %jit3A_758 : i32 to vector<512x256xi32>
    %select_n3A_760 = arith.select %lt3A_743, %broadcast_in_dim3A_759, %select_n3A_740 : vector<512x256xi1>, vector<512x256xi32>
    %select_n3A_761 = arith.select %lt3A_743, %slice3A_742, %select_n3A_741 : vector<512x256xi1>, vector<512x256xf32>
    %slice3A_762 = vector.extract_strided_slice %add3A_17 {offsets = [0, 9472], sizes = [512, 256], strides = [1, 1]} : vector<512x10240xf32> to vector<512x256xf32>
    %lt3A_763 = arith.cmpf olt, %slice3A_762, %select_n3A_761 : vector<512x256xf32>
    %lt3A_764 = arith.cmpf olt, %slice3A_762, %select_n3A_757 : vector<512x256xf32>
    %lt3A_765 = arith.cmpf olt, %slice3A_762, %select_n3A_751 : vector<512x256xf32>
    %jit3A_766 = arith.constant 37 : i32
    %broadcast_in_dim3A_767 = vector.broadcast %jit3A_766 : i32 to vector<512x256xi32>
    %select_n3A_768 = arith.select %lt3A_765, %broadcast_in_dim3A_767, %select_n3A_749 : vector<512x256xi1>, vector<512x256xi32>
    %select_n3A_769 = arith.select %lt3A_764, %select_n3A_755, %select_n3A_768 : vector<512x256xi1>, vector<512x256xi32>
    %select_n3A_770 = arith.select %lt3A_765, %slice3A_762, %select_n3A_751 : vector<512x256xi1>, vector<512x256xf32>
    %select_n3A_771 = arith.select %lt3A_764, %select_n3A_757, %select_n3A_770 : vector<512x256xi1>, vector<512x256xf32>
    %jit3A_772 = arith.constant 37 : i32
    %broadcast_in_dim3A_773 = vector.broadcast %jit3A_772 : i32 to vector<512x256xi32>
    %select_n3A_774 = arith.select %lt3A_764, %broadcast_in_dim3A_773, %select_n3A_755 : vector<512x256xi1>, vector<512x256xi32>
    %select_n3A_775 = arith.select %lt3A_763, %select_n3A_760, %select_n3A_774 : vector<512x256xi1>, vector<512x256xi32>
    %select_n3A_776 = arith.select %lt3A_764, %slice3A_762, %select_n3A_757 : vector<512x256xi1>, vector<512x256xf32>
    %select_n3A_777 = arith.select %lt3A_763, %select_n3A_761, %select_n3A_776 : vector<512x256xi1>, vector<512x256xf32>
    %jit3A_778 = arith.constant 37 : i32
    %broadcast_in_dim3A_779 = vector.broadcast %jit3A_778 : i32 to vector<512x256xi32>
    %select_n3A_780 = arith.select %lt3A_763, %broadcast_in_dim3A_779, %select_n3A_760 : vector<512x256xi1>, vector<512x256xi32>
    %select_n3A_781 = arith.select %lt3A_763, %slice3A_762, %select_n3A_761 : vector<512x256xi1>, vector<512x256xf32>
    %slice3A_782 = vector.extract_strided_slice %add3A_17 {offsets = [0, 9728], sizes = [512, 256], strides = [1, 1]} : vector<512x10240xf32> to vector<512x256xf32>
    %lt3A_783 = arith.cmpf olt, %slice3A_782, %select_n3A_781 : vector<512x256xf32>
    %lt3A_784 = arith.cmpf olt, %slice3A_782, %select_n3A_777 : vector<512x256xf32>
    %lt3A_785 = arith.cmpf olt, %slice3A_782, %select_n3A_771 : vector<512x256xf32>
    %jit3A_786 = arith.constant 38 : i32
    %broadcast_in_dim3A_787 = vector.broadcast %jit3A_786 : i32 to vector<512x256xi32>
    %select_n3A_788 = arith.select %lt3A_785, %broadcast_in_dim3A_787, %select_n3A_769 : vector<512x256xi1>, vector<512x256xi32>
    %select_n3A_789 = arith.select %lt3A_784, %select_n3A_775, %select_n3A_788 : vector<512x256xi1>, vector<512x256xi32>
    %select_n3A_790 = arith.select %lt3A_785, %slice3A_782, %select_n3A_771 : vector<512x256xi1>, vector<512x256xf32>
    %select_n3A_791 = arith.select %lt3A_784, %select_n3A_777, %select_n3A_790 : vector<512x256xi1>, vector<512x256xf32>
    %jit3A_792 = arith.constant 38 : i32
    %broadcast_in_dim3A_793 = vector.broadcast %jit3A_792 : i32 to vector<512x256xi32>
    %select_n3A_794 = arith.select %lt3A_784, %broadcast_in_dim3A_793, %select_n3A_775 : vector<512x256xi1>, vector<512x256xi32>
    %select_n3A_795 = arith.select %lt3A_783, %select_n3A_780, %select_n3A_794 : vector<512x256xi1>, vector<512x256xi32>
    %select_n3A_796 = arith.select %lt3A_784, %slice3A_782, %select_n3A_777 : vector<512x256xi1>, vector<512x256xf32>
    %select_n3A_797 = arith.select %lt3A_783, %select_n3A_781, %select_n3A_796 : vector<512x256xi1>, vector<512x256xf32>
    %jit3A_798 = arith.constant 38 : i32
    %broadcast_in_dim3A_799 = vector.broadcast %jit3A_798 : i32 to vector<512x256xi32>
    %select_n3A_800 = arith.select %lt3A_783, %broadcast_in_dim3A_799, %select_n3A_780 : vector<512x256xi1>, vector<512x256xi32>
    %select_n3A_801 = arith.select %lt3A_783, %slice3A_782, %select_n3A_781 : vector<512x256xi1>, vector<512x256xf32>
    %slice3A_802 = vector.extract_strided_slice %add3A_17 {offsets = [0, 9984], sizes = [512, 256], strides = [1, 1]} : vector<512x10240xf32> to vector<512x256xf32>
    %lt3A_803 = arith.cmpf olt, %slice3A_802, %select_n3A_801 : vector<512x256xf32>
    %lt3A_804 = arith.cmpf olt, %slice3A_802, %select_n3A_797 : vector<512x256xf32>
    %lt3A_805 = arith.cmpf olt, %slice3A_802, %select_n3A_791 : vector<512x256xf32>
    %jit3A_806 = arith.constant 39 : i32
    %broadcast_in_dim3A_807 = vector.broadcast %jit3A_806 : i32 to vector<512x256xi32>
    %select_n3A_808 = arith.select %lt3A_805, %broadcast_in_dim3A_807, %select_n3A_789 : vector<512x256xi1>, vector<512x256xi32>
    %select_n3A_809 = arith.select %lt3A_804, %select_n3A_795, %select_n3A_808 : vector<512x256xi1>, vector<512x256xi32>
    %select_n3A_810 = arith.select %lt3A_805, %slice3A_802, %select_n3A_791 : vector<512x256xi1>, vector<512x256xf32>
    %select_n3A_811 = arith.select %lt3A_804, %select_n3A_797, %select_n3A_810 : vector<512x256xi1>, vector<512x256xf32>
    %jit3A_812 = arith.constant 39 : i32
    %broadcast_in_dim3A_813 = vector.broadcast %jit3A_812 : i32 to vector<512x256xi32>
    %select_n3A_814 = arith.select %lt3A_804, %broadcast_in_dim3A_813, %select_n3A_795 : vector<512x256xi1>, vector<512x256xi32>
    %select_n3A_815 = arith.select %lt3A_803, %select_n3A_800, %select_n3A_814 : vector<512x256xi1>, vector<512x256xi32>
    %select_n3A_816 = arith.select %lt3A_804, %slice3A_802, %select_n3A_797 : vector<512x256xi1>, vector<512x256xf32>
    %select_n3A_817 = arith.select %lt3A_803, %select_n3A_801, %select_n3A_816 : vector<512x256xi1>, vector<512x256xf32>
    %jit3A_818 = arith.constant 39 : i32
    %broadcast_in_dim3A_819 = vector.broadcast %jit3A_818 : i32 to vector<512x256xi32>
    %select_n3A_820 = arith.select %lt3A_803, %broadcast_in_dim3A_819, %select_n3A_800 : vector<512x256xi1>, vector<512x256xi32>
    %select_n3A_821 = arith.select %lt3A_803, %slice3A_802, %select_n3A_801 : vector<512x256xi1>, vector<512x256xf32>
    %iota3A = tpu.iota {dimensions = array<i32: 1>} : vector<512x256xi32>
    %reduce_min3A = arith.constant dense<0x7F800000> : vector<512xf32>
    %reduce_min3A_822 = vector.multi_reduction <minimumf>, %select_n3A_821, %reduce_min3A [1] : vector<512x256xf32> to vector<512xf32>
    %broadcast_in_dim3A_823 = vector.shape_cast %reduce_min3A_822 : vector<512xf32> to vector<512x1xf32>
    %eq3A = vector.broadcast %broadcast_in_dim3A_823 : vector<512x1xf32> to vector<512x256xf32>
    %eq3A_824 = arith.cmpf oeq, %select_n3A_821, %eq3A : vector<512x256xf32>
    %mul3A_825 = arith.constant 256 : i32
    %mul3A_826 = vector.broadcast %mul3A_825 : i32 to vector<512x256xi32>
    %mul3A_827 = arith.muli %select_n3A_820, %mul3A_826 : vector<512x256xi32>
    %add3A_828 = arith.addi %mul3A_827, %iota3A : vector<512x256xi32>
    %jit3A_829 = arith.constant 1073741824 : i32
    %broadcast_in_dim3A_830 = vector.broadcast %jit3A_829 : i32 to vector<512x256xi32>
    %select_n3A_831 = arith.select %eq3A_824, %add3A_828, %broadcast_in_dim3A_830 : vector<512x256xi1>, vector<512x256xi32>
    %reduce_min3A_832 = arith.constant dense<2147483647> : vector<512xi32>
    %reduce_min3A_833 = vector.multi_reduction <minsi>, %select_n3A_831, %reduce_min3A_832 [1] : vector<512x256xi32> to vector<512xi32>
    %broadcast_in_dim3A_834 = vector.shape_cast %reduce_min3A_833 : vector<512xi32> to vector<512x1xi32>
    %and3A = arith.constant 255 : i32
    %and3A_835 = vector.broadcast %and3A : i32 to vector<512x1xi32>
    %and3A_836 = arith.andi %broadcast_in_dim3A_834, %and3A_835 : vector<512x1xi32>
    %eq3A_837 = vector.broadcast %and3A_836 : vector<512x1xi32> to vector<512x256xi32>
    %eq3A_838 = arith.cmpi eq, %iota3A, %eq3A_837 : vector<512x256xi32>
    %select_n3A_839 = arith.select %eq3A_838, %select_n3A_817, %select_n3A_821 : vector<512x256xi1>, vector<512x256xf32>
    %select_n3A_840 = arith.select %eq3A_838, %select_n3A_815, %select_n3A_820 : vector<512x256xi1>, vector<512x256xi32>
    %select_n3A_841 = arith.select %eq3A_838, %select_n3A_811, %select_n3A_817 : vector<512x256xi1>, vector<512x256xf32>
    %select_n3A_842 = arith.select %eq3A_838, %select_n3A_809, %select_n3A_815 : vector<512x256xi1>, vector<512x256xi32>
    %jit3A_843 = arith.constant 3.000000e+38 : f32
    %broadcast_in_dim3A_844 = vector.broadcast %jit3A_843 : f32 to vector<512x256xf32>
    %select_n3A_845 = arith.select %eq3A_838, %broadcast_in_dim3A_844, %select_n3A_811 : vector<512x256xi1>, vector<512x256xf32>
    %reduce_min3A_846 = arith.constant dense<0x7F800000> : vector<512xf32>
    %reduce_min3A_847 = vector.multi_reduction <minimumf>, %select_n3A_839, %reduce_min3A_846 [1] : vector<512x256xf32> to vector<512xf32>
    %broadcast_in_dim3A_848 = vector.shape_cast %reduce_min3A_847 : vector<512xf32> to vector<512x1xf32>
    %eq3A_849 = vector.broadcast %broadcast_in_dim3A_848 : vector<512x1xf32> to vector<512x256xf32>
    %eq3A_850 = arith.cmpf oeq, %select_n3A_839, %eq3A_849 : vector<512x256xf32>
    %mul3A_851 = arith.constant 256 : i32
    %mul3A_852 = vector.broadcast %mul3A_851 : i32 to vector<512x256xi32>
    %mul3A_853 = arith.muli %select_n3A_840, %mul3A_852 : vector<512x256xi32>
    %add3A_854 = arith.addi %mul3A_853, %iota3A : vector<512x256xi32>
    %jit3A_855 = arith.constant 1073741824 : i32
    %broadcast_in_dim3A_856 = vector.broadcast %jit3A_855 : i32 to vector<512x256xi32>
    %select_n3A_857 = arith.select %eq3A_850, %add3A_854, %broadcast_in_dim3A_856 : vector<512x256xi1>, vector<512x256xi32>
    %reduce_min3A_858 = arith.constant dense<2147483647> : vector<512xi32>
    %reduce_min3A_859 = vector.multi_reduction <minsi>, %select_n3A_857, %reduce_min3A_858 [1] : vector<512x256xi32> to vector<512xi32>
    %broadcast_in_dim3A_860 = vector.shape_cast %reduce_min3A_859 : vector<512xi32> to vector<512x1xi32>
    %and3A_861 = arith.constant 255 : i32
    %and3A_862 = vector.broadcast %and3A_861 : i32 to vector<512x1xi32>
    %and3A_863 = arith.andi %broadcast_in_dim3A_860, %and3A_862 : vector<512x1xi32>
    %eq3A_864 = vector.broadcast %and3A_863 : vector<512x1xi32> to vector<512x256xi32>
    %eq3A_865 = arith.cmpi eq, %iota3A, %eq3A_864 : vector<512x256xi32>
    %select_n3A_866 = arith.select %eq3A_865, %select_n3A_841, %select_n3A_839 : vector<512x256xi1>, vector<512x256xf32>
    %select_n3A_867 = arith.select %eq3A_865, %select_n3A_842, %select_n3A_840 : vector<512x256xi1>, vector<512x256xi32>
    %select_n3A_868 = arith.select %eq3A_865, %select_n3A_845, %select_n3A_841 : vector<512x256xi1>, vector<512x256xf32>
    %select_n3A_869 = arith.select %eq3A_865, %select_n3A_809, %select_n3A_842 : vector<512x256xi1>, vector<512x256xi32>
    %jit3A_870 = arith.constant 3.000000e+38 : f32
    %broadcast_in_dim3A_871 = vector.broadcast %jit3A_870 : f32 to vector<512x256xf32>
    %select_n3A_872 = arith.select %eq3A_865, %broadcast_in_dim3A_871, %select_n3A_845 : vector<512x256xi1>, vector<512x256xf32>
    %reduce_min3A_873 = arith.constant dense<0x7F800000> : vector<512xf32>
    %reduce_min3A_874 = vector.multi_reduction <minimumf>, %select_n3A_866, %reduce_min3A_873 [1] : vector<512x256xf32> to vector<512xf32>
    %broadcast_in_dim3A_875 = vector.shape_cast %reduce_min3A_874 : vector<512xf32> to vector<512x1xf32>
    %eq3A_876 = vector.broadcast %broadcast_in_dim3A_875 : vector<512x1xf32> to vector<512x256xf32>
    %eq3A_877 = arith.cmpf oeq, %select_n3A_866, %eq3A_876 : vector<512x256xf32>
    %mul3A_878 = arith.constant 256 : i32
    %mul3A_879 = vector.broadcast %mul3A_878 : i32 to vector<512x256xi32>
    %mul3A_880 = arith.muli %select_n3A_867, %mul3A_879 : vector<512x256xi32>
    %add3A_881 = arith.addi %mul3A_880, %iota3A : vector<512x256xi32>
    %jit3A_882 = arith.constant 1073741824 : i32
    %broadcast_in_dim3A_883 = vector.broadcast %jit3A_882 : i32 to vector<512x256xi32>
    %select_n3A_884 = arith.select %eq3A_877, %add3A_881, %broadcast_in_dim3A_883 : vector<512x256xi1>, vector<512x256xi32>
    %reduce_min3A_885 = arith.constant dense<2147483647> : vector<512xi32>
    %reduce_min3A_886 = vector.multi_reduction <minsi>, %select_n3A_884, %reduce_min3A_885 [1] : vector<512x256xi32> to vector<512xi32>
    %broadcast_in_dim3A_887 = vector.shape_cast %reduce_min3A_886 : vector<512xi32> to vector<512x1xi32>
    %and3A_888 = arith.constant 255 : i32
    %and3A_889 = vector.broadcast %and3A_888 : i32 to vector<512x1xi32>
    %and3A_890 = arith.andi %broadcast_in_dim3A_887, %and3A_889 : vector<512x1xi32>
    %eq3A_891 = vector.broadcast %and3A_890 : vector<512x1xi32> to vector<512x256xi32>
    %eq3A_892 = arith.cmpi eq, %iota3A, %eq3A_891 : vector<512x256xi32>
    %select_n3A_893 = arith.select %eq3A_892, %select_n3A_868, %select_n3A_866 : vector<512x256xi1>, vector<512x256xf32>
    %select_n3A_894 = arith.select %eq3A_892, %select_n3A_869, %select_n3A_867 : vector<512x256xi1>, vector<512x256xi32>
    %select_n3A_895 = arith.select %eq3A_892, %select_n3A_872, %select_n3A_868 : vector<512x256xi1>, vector<512x256xf32>
    %select_n3A_896 = arith.select %eq3A_892, %select_n3A_809, %select_n3A_869 : vector<512x256xi1>, vector<512x256xi32>
    %jit3A_897 = arith.constant 3.000000e+38 : f32
    %broadcast_in_dim3A_898 = vector.broadcast %jit3A_897 : f32 to vector<512x256xf32>
    %select_n3A_899 = arith.select %eq3A_892, %broadcast_in_dim3A_898, %select_n3A_872 : vector<512x256xi1>, vector<512x256xf32>
    %reduce_min3A_900 = arith.constant dense<0x7F800000> : vector<512xf32>
    %reduce_min3A_901 = vector.multi_reduction <minimumf>, %select_n3A_893, %reduce_min3A_900 [1] : vector<512x256xf32> to vector<512xf32>
    %broadcast_in_dim3A_902 = vector.shape_cast %reduce_min3A_901 : vector<512xf32> to vector<512x1xf32>
    %eq3A_903 = vector.broadcast %broadcast_in_dim3A_902 : vector<512x1xf32> to vector<512x256xf32>
    %eq3A_904 = arith.cmpf oeq, %select_n3A_893, %eq3A_903 : vector<512x256xf32>
    %mul3A_905 = arith.constant 256 : i32
    %mul3A_906 = vector.broadcast %mul3A_905 : i32 to vector<512x256xi32>
    %mul3A_907 = arith.muli %select_n3A_894, %mul3A_906 : vector<512x256xi32>
    %add3A_908 = arith.addi %mul3A_907, %iota3A : vector<512x256xi32>
    %jit3A_909 = arith.constant 1073741824 : i32
    %broadcast_in_dim3A_910 = vector.broadcast %jit3A_909 : i32 to vector<512x256xi32>
    %select_n3A_911 = arith.select %eq3A_904, %add3A_908, %broadcast_in_dim3A_910 : vector<512x256xi1>, vector<512x256xi32>
    %reduce_min3A_912 = arith.constant dense<2147483647> : vector<512xi32>
    %reduce_min3A_913 = vector.multi_reduction <minsi>, %select_n3A_911, %reduce_min3A_912 [1] : vector<512x256xi32> to vector<512xi32>
    %broadcast_in_dim3A_914 = vector.shape_cast %reduce_min3A_913 : vector<512xi32> to vector<512x1xi32>
    %and3A_915 = arith.constant 255 : i32
    %and3A_916 = vector.broadcast %and3A_915 : i32 to vector<512x1xi32>
    %and3A_917 = arith.andi %broadcast_in_dim3A_914, %and3A_916 : vector<512x1xi32>
    %eq3A_918 = vector.broadcast %and3A_917 : vector<512x1xi32> to vector<512x256xi32>
    %eq3A_919 = arith.cmpi eq, %iota3A, %eq3A_918 : vector<512x256xi32>
    %select_n3A_920 = arith.select %eq3A_919, %select_n3A_895, %select_n3A_893 : vector<512x256xi1>, vector<512x256xf32>
    %select_n3A_921 = arith.select %eq3A_919, %select_n3A_896, %select_n3A_894 : vector<512x256xi1>, vector<512x256xi32>
    %select_n3A_922 = arith.select %eq3A_919, %select_n3A_899, %select_n3A_895 : vector<512x256xi1>, vector<512x256xf32>
    %select_n3A_923 = arith.select %eq3A_919, %select_n3A_809, %select_n3A_896 : vector<512x256xi1>, vector<512x256xi32>
    %jit3A_924 = arith.constant 3.000000e+38 : f32
    %broadcast_in_dim3A_925 = vector.broadcast %jit3A_924 : f32 to vector<512x256xf32>
    %select_n3A_926 = arith.select %eq3A_919, %broadcast_in_dim3A_925, %select_n3A_899 : vector<512x256xi1>, vector<512x256xf32>
    %reduce_min3A_927 = arith.constant dense<0x7F800000> : vector<512xf32>
    %reduce_min3A_928 = vector.multi_reduction <minimumf>, %select_n3A_920, %reduce_min3A_927 [1] : vector<512x256xf32> to vector<512xf32>
    %broadcast_in_dim3A_929 = vector.shape_cast %reduce_min3A_928 : vector<512xf32> to vector<512x1xf32>
    %eq3A_930 = vector.broadcast %broadcast_in_dim3A_929 : vector<512x1xf32> to vector<512x256xf32>
    %eq3A_931 = arith.cmpf oeq, %select_n3A_920, %eq3A_930 : vector<512x256xf32>
    %mul3A_932 = arith.constant 256 : i32
    %mul3A_933 = vector.broadcast %mul3A_932 : i32 to vector<512x256xi32>
    %mul3A_934 = arith.muli %select_n3A_921, %mul3A_933 : vector<512x256xi32>
    %add3A_935 = arith.addi %mul3A_934, %iota3A : vector<512x256xi32>
    %jit3A_936 = arith.constant 1073741824 : i32
    %broadcast_in_dim3A_937 = vector.broadcast %jit3A_936 : i32 to vector<512x256xi32>
    %select_n3A_938 = arith.select %eq3A_931, %add3A_935, %broadcast_in_dim3A_937 : vector<512x256xi1>, vector<512x256xi32>
    %reduce_min3A_939 = arith.constant dense<2147483647> : vector<512xi32>
    %reduce_min3A_940 = vector.multi_reduction <minsi>, %select_n3A_938, %reduce_min3A_939 [1] : vector<512x256xi32> to vector<512xi32>
    %broadcast_in_dim3A_941 = vector.shape_cast %reduce_min3A_940 : vector<512xi32> to vector<512x1xi32>
    %and3A_942 = arith.constant 255 : i32
    %and3A_943 = vector.broadcast %and3A_942 : i32 to vector<512x1xi32>
    %and3A_944 = arith.andi %broadcast_in_dim3A_941, %and3A_943 : vector<512x1xi32>
    %eq3A_945 = vector.broadcast %and3A_944 : vector<512x1xi32> to vector<512x256xi32>
    %eq3A_946 = arith.cmpi eq, %iota3A, %eq3A_945 : vector<512x256xi32>
    %select_n3A_947 = arith.select %eq3A_946, %select_n3A_922, %select_n3A_920 : vector<512x256xi1>, vector<512x256xf32>
    %select_n3A_948 = arith.select %eq3A_946, %select_n3A_923, %select_n3A_921 : vector<512x256xi1>, vector<512x256xi32>
    %select_n3A_949 = arith.select %eq3A_946, %select_n3A_926, %select_n3A_922 : vector<512x256xi1>, vector<512x256xf32>
    %select_n3A_950 = arith.select %eq3A_946, %select_n3A_809, %select_n3A_923 : vector<512x256xi1>, vector<512x256xi32>
    %jit3A_951 = arith.constant 3.000000e+38 : f32
    %broadcast_in_dim3A_952 = vector.broadcast %jit3A_951 : f32 to vector<512x256xf32>
    %select_n3A_953 = arith.select %eq3A_946, %broadcast_in_dim3A_952, %select_n3A_926 : vector<512x256xi1>, vector<512x256xf32>
    %reduce_min3A_954 = arith.constant dense<0x7F800000> : vector<512xf32>
    %reduce_min3A_955 = vector.multi_reduction <minimumf>, %select_n3A_947, %reduce_min3A_954 [1] : vector<512x256xf32> to vector<512xf32>
    %broadcast_in_dim3A_956 = vector.shape_cast %reduce_min3A_955 : vector<512xf32> to vector<512x1xf32>
    %eq3A_957 = vector.broadcast %broadcast_in_dim3A_956 : vector<512x1xf32> to vector<512x256xf32>
    %eq3A_958 = arith.cmpf oeq, %select_n3A_947, %eq3A_957 : vector<512x256xf32>
    %mul3A_959 = arith.constant 256 : i32
    %mul3A_960 = vector.broadcast %mul3A_959 : i32 to vector<512x256xi32>
    %mul3A_961 = arith.muli %select_n3A_948, %mul3A_960 : vector<512x256xi32>
    %add3A_962 = arith.addi %mul3A_961, %iota3A : vector<512x256xi32>
    %jit3A_963 = arith.constant 1073741824 : i32
    %broadcast_in_dim3A_964 = vector.broadcast %jit3A_963 : i32 to vector<512x256xi32>
    %select_n3A_965 = arith.select %eq3A_958, %add3A_962, %broadcast_in_dim3A_964 : vector<512x256xi1>, vector<512x256xi32>
    %reduce_min3A_966 = arith.constant dense<2147483647> : vector<512xi32>
    %reduce_min3A_967 = vector.multi_reduction <minsi>, %select_n3A_965, %reduce_min3A_966 [1] : vector<512x256xi32> to vector<512xi32>
    %broadcast_in_dim3A_968 = vector.shape_cast %reduce_min3A_967 : vector<512xi32> to vector<512x1xi32>
    %and3A_969 = arith.constant 255 : i32
    %and3A_970 = vector.broadcast %and3A_969 : i32 to vector<512x1xi32>
    %and3A_971 = arith.andi %broadcast_in_dim3A_968, %and3A_970 : vector<512x1xi32>
    %eq3A_972 = vector.broadcast %and3A_971 : vector<512x1xi32> to vector<512x256xi32>
    %eq3A_973 = arith.cmpi eq, %iota3A, %eq3A_972 : vector<512x256xi32>
    %select_n3A_974 = arith.select %eq3A_973, %select_n3A_949, %select_n3A_947 : vector<512x256xi1>, vector<512x256xf32>
    %select_n3A_975 = arith.select %eq3A_973, %select_n3A_950, %select_n3A_948 : vector<512x256xi1>, vector<512x256xi32>
    %select_n3A_976 = arith.select %eq3A_973, %select_n3A_953, %select_n3A_949 : vector<512x256xi1>, vector<512x256xf32>
    %select_n3A_977 = arith.select %eq3A_973, %select_n3A_809, %select_n3A_950 : vector<512x256xi1>, vector<512x256xi32>
    %jit3A_978 = arith.constant 3.000000e+38 : f32
    %broadcast_in_dim3A_979 = vector.broadcast %jit3A_978 : f32 to vector<512x256xf32>
    %select_n3A_980 = arith.select %eq3A_973, %broadcast_in_dim3A_979, %select_n3A_953 : vector<512x256xi1>, vector<512x256xf32>
    %reduce_min3A_981 = arith.constant dense<0x7F800000> : vector<512xf32>
    %reduce_min3A_982 = vector.multi_reduction <minimumf>, %select_n3A_974, %reduce_min3A_981 [1] : vector<512x256xf32> to vector<512xf32>
    %broadcast_in_dim3A_983 = vector.shape_cast %reduce_min3A_982 : vector<512xf32> to vector<512x1xf32>
    %eq3A_984 = vector.broadcast %broadcast_in_dim3A_983 : vector<512x1xf32> to vector<512x256xf32>
    %eq3A_985 = arith.cmpf oeq, %select_n3A_974, %eq3A_984 : vector<512x256xf32>
    %mul3A_986 = arith.constant 256 : i32
    %mul3A_987 = vector.broadcast %mul3A_986 : i32 to vector<512x256xi32>
    %mul3A_988 = arith.muli %select_n3A_975, %mul3A_987 : vector<512x256xi32>
    %add3A_989 = arith.addi %mul3A_988, %iota3A : vector<512x256xi32>
    %jit3A_990 = arith.constant 1073741824 : i32
    %broadcast_in_dim3A_991 = vector.broadcast %jit3A_990 : i32 to vector<512x256xi32>
    %select_n3A_992 = arith.select %eq3A_985, %add3A_989, %broadcast_in_dim3A_991 : vector<512x256xi1>, vector<512x256xi32>
    %reduce_min3A_993 = arith.constant dense<2147483647> : vector<512xi32>
    %reduce_min3A_994 = vector.multi_reduction <minsi>, %select_n3A_992, %reduce_min3A_993 [1] : vector<512x256xi32> to vector<512xi32>
    %broadcast_in_dim3A_995 = vector.shape_cast %reduce_min3A_994 : vector<512xi32> to vector<512x1xi32>
    %and3A_996 = arith.constant 255 : i32
    %and3A_997 = vector.broadcast %and3A_996 : i32 to vector<512x1xi32>
    %and3A_998 = arith.andi %broadcast_in_dim3A_995, %and3A_997 : vector<512x1xi32>
    %eq3A_999 = vector.broadcast %and3A_998 : vector<512x1xi32> to vector<512x256xi32>
    %eq3A_1000 = arith.cmpi eq, %iota3A, %eq3A_999 : vector<512x256xi32>
    %select_n3A_1001 = arith.select %eq3A_1000, %select_n3A_976, %select_n3A_974 : vector<512x256xi1>, vector<512x256xf32>
    %select_n3A_1002 = arith.select %eq3A_1000, %select_n3A_977, %select_n3A_975 : vector<512x256xi1>, vector<512x256xi32>
    %select_n3A_1003 = arith.select %eq3A_1000, %select_n3A_980, %select_n3A_976 : vector<512x256xi1>, vector<512x256xf32>
    %select_n3A_1004 = arith.select %eq3A_1000, %select_n3A_809, %select_n3A_977 : vector<512x256xi1>, vector<512x256xi32>
    %jit3A_1005 = arith.constant 3.000000e+38 : f32
    %broadcast_in_dim3A_1006 = vector.broadcast %jit3A_1005 : f32 to vector<512x256xf32>
    %select_n3A_1007 = arith.select %eq3A_1000, %broadcast_in_dim3A_1006, %select_n3A_980 : vector<512x256xi1>, vector<512x256xf32>
    %reduce_min3A_1008 = arith.constant dense<0x7F800000> : vector<512xf32>
    %reduce_min3A_1009 = vector.multi_reduction <minimumf>, %select_n3A_1001, %reduce_min3A_1008 [1] : vector<512x256xf32> to vector<512xf32>
    %broadcast_in_dim3A_1010 = vector.shape_cast %reduce_min3A_1009 : vector<512xf32> to vector<512x1xf32>
    %eq3A_1011 = vector.broadcast %broadcast_in_dim3A_1010 : vector<512x1xf32> to vector<512x256xf32>
    %eq3A_1012 = arith.cmpf oeq, %select_n3A_1001, %eq3A_1011 : vector<512x256xf32>
    %mul3A_1013 = arith.constant 256 : i32
    %mul3A_1014 = vector.broadcast %mul3A_1013 : i32 to vector<512x256xi32>
    %mul3A_1015 = arith.muli %select_n3A_1002, %mul3A_1014 : vector<512x256xi32>
    %add3A_1016 = arith.addi %mul3A_1015, %iota3A : vector<512x256xi32>
    %jit3A_1017 = arith.constant 1073741824 : i32
    %broadcast_in_dim3A_1018 = vector.broadcast %jit3A_1017 : i32 to vector<512x256xi32>
    %select_n3A_1019 = arith.select %eq3A_1012, %add3A_1016, %broadcast_in_dim3A_1018 : vector<512x256xi1>, vector<512x256xi32>
    %reduce_min3A_1020 = arith.constant dense<2147483647> : vector<512xi32>
    %reduce_min3A_1021 = vector.multi_reduction <minsi>, %select_n3A_1019, %reduce_min3A_1020 [1] : vector<512x256xi32> to vector<512xi32>
    %broadcast_in_dim3A_1022 = vector.shape_cast %reduce_min3A_1021 : vector<512xi32> to vector<512x1xi32>
    %and3A_1023 = arith.constant 255 : i32
    %and3A_1024 = vector.broadcast %and3A_1023 : i32 to vector<512x1xi32>
    %and3A_1025 = arith.andi %broadcast_in_dim3A_1022, %and3A_1024 : vector<512x1xi32>
    %eq3A_1026 = vector.broadcast %and3A_1025 : vector<512x1xi32> to vector<512x256xi32>
    %eq3A_1027 = arith.cmpi eq, %iota3A, %eq3A_1026 : vector<512x256xi32>
    %select_n3A_1028 = arith.select %eq3A_1027, %select_n3A_1003, %select_n3A_1001 : vector<512x256xi1>, vector<512x256xf32>
    %select_n3A_1029 = arith.select %eq3A_1027, %select_n3A_1004, %select_n3A_1002 : vector<512x256xi1>, vector<512x256xi32>
    %select_n3A_1030 = arith.select %eq3A_1027, %select_n3A_1007, %select_n3A_1003 : vector<512x256xi1>, vector<512x256xf32>
    %select_n3A_1031 = arith.select %eq3A_1027, %select_n3A_809, %select_n3A_1004 : vector<512x256xi1>, vector<512x256xi32>
    %jit3A_1032 = arith.constant 3.000000e+38 : f32
    %broadcast_in_dim3A_1033 = vector.broadcast %jit3A_1032 : f32 to vector<512x256xf32>
    %select_n3A_1034 = arith.select %eq3A_1027, %broadcast_in_dim3A_1033, %select_n3A_1007 : vector<512x256xi1>, vector<512x256xf32>
    %reduce_min3A_1035 = arith.constant dense<0x7F800000> : vector<512xf32>
    %reduce_min3A_1036 = vector.multi_reduction <minimumf>, %select_n3A_1028, %reduce_min3A_1035 [1] : vector<512x256xf32> to vector<512xf32>
    %broadcast_in_dim3A_1037 = vector.shape_cast %reduce_min3A_1036 : vector<512xf32> to vector<512x1xf32>
    %eq3A_1038 = vector.broadcast %broadcast_in_dim3A_1037 : vector<512x1xf32> to vector<512x256xf32>
    %eq3A_1039 = arith.cmpf oeq, %select_n3A_1028, %eq3A_1038 : vector<512x256xf32>
    %mul3A_1040 = arith.constant 256 : i32
    %mul3A_1041 = vector.broadcast %mul3A_1040 : i32 to vector<512x256xi32>
    %mul3A_1042 = arith.muli %select_n3A_1029, %mul3A_1041 : vector<512x256xi32>
    %add3A_1043 = arith.addi %mul3A_1042, %iota3A : vector<512x256xi32>
    %jit3A_1044 = arith.constant 1073741824 : i32
    %broadcast_in_dim3A_1045 = vector.broadcast %jit3A_1044 : i32 to vector<512x256xi32>
    %select_n3A_1046 = arith.select %eq3A_1039, %add3A_1043, %broadcast_in_dim3A_1045 : vector<512x256xi1>, vector<512x256xi32>
    %reduce_min3A_1047 = arith.constant dense<2147483647> : vector<512xi32>
    %reduce_min3A_1048 = vector.multi_reduction <minsi>, %select_n3A_1046, %reduce_min3A_1047 [1] : vector<512x256xi32> to vector<512xi32>
    %broadcast_in_dim3A_1049 = vector.shape_cast %reduce_min3A_1048 : vector<512xi32> to vector<512x1xi32>
    %and3A_1050 = arith.constant 255 : i32
    %and3A_1051 = vector.broadcast %and3A_1050 : i32 to vector<512x1xi32>
    %and3A_1052 = arith.andi %broadcast_in_dim3A_1049, %and3A_1051 : vector<512x1xi32>
    %eq3A_1053 = vector.broadcast %and3A_1052 : vector<512x1xi32> to vector<512x256xi32>
    %eq3A_1054 = arith.cmpi eq, %iota3A, %eq3A_1053 : vector<512x256xi32>
    %select_n3A_1055 = arith.select %eq3A_1054, %select_n3A_1030, %select_n3A_1028 : vector<512x256xi1>, vector<512x256xf32>
    %select_n3A_1056 = arith.select %eq3A_1054, %select_n3A_1031, %select_n3A_1029 : vector<512x256xi1>, vector<512x256xi32>
    %select_n3A_1057 = arith.select %eq3A_1054, %select_n3A_1034, %select_n3A_1030 : vector<512x256xi1>, vector<512x256xf32>
    %select_n3A_1058 = arith.select %eq3A_1054, %select_n3A_809, %select_n3A_1031 : vector<512x256xi1>, vector<512x256xi32>
    %jit3A_1059 = arith.constant 3.000000e+38 : f32
    %broadcast_in_dim3A_1060 = vector.broadcast %jit3A_1059 : f32 to vector<512x256xf32>
    %select_n3A_1061 = arith.select %eq3A_1054, %broadcast_in_dim3A_1060, %select_n3A_1034 : vector<512x256xi1>, vector<512x256xf32>
    %reduce_min3A_1062 = arith.constant dense<0x7F800000> : vector<512xf32>
    %reduce_min3A_1063 = vector.multi_reduction <minimumf>, %select_n3A_1055, %reduce_min3A_1062 [1] : vector<512x256xf32> to vector<512xf32>
    %broadcast_in_dim3A_1064 = vector.shape_cast %reduce_min3A_1063 : vector<512xf32> to vector<512x1xf32>
    %eq3A_1065 = vector.broadcast %broadcast_in_dim3A_1064 : vector<512x1xf32> to vector<512x256xf32>
    %eq3A_1066 = arith.cmpf oeq, %select_n3A_1055, %eq3A_1065 : vector<512x256xf32>
    %mul3A_1067 = arith.constant 256 : i32
    %mul3A_1068 = vector.broadcast %mul3A_1067 : i32 to vector<512x256xi32>
    %mul3A_1069 = arith.muli %select_n3A_1056, %mul3A_1068 : vector<512x256xi32>
    %add3A_1070 = arith.addi %mul3A_1069, %iota3A : vector<512x256xi32>
    %jit3A_1071 = arith.constant 1073741824 : i32
    %broadcast_in_dim3A_1072 = vector.broadcast %jit3A_1071 : i32 to vector<512x256xi32>
    %select_n3A_1073 = arith.select %eq3A_1066, %add3A_1070, %broadcast_in_dim3A_1072 : vector<512x256xi1>, vector<512x256xi32>
    %reduce_min3A_1074 = arith.constant dense<2147483647> : vector<512xi32>
    %reduce_min3A_1075 = vector.multi_reduction <minsi>, %select_n3A_1073, %reduce_min3A_1074 [1] : vector<512x256xi32> to vector<512xi32>
    %broadcast_in_dim3A_1076 = vector.shape_cast %reduce_min3A_1075 : vector<512xi32> to vector<512x1xi32>
    %and3A_1077 = arith.constant 255 : i32
    %and3A_1078 = vector.broadcast %and3A_1077 : i32 to vector<512x1xi32>
    %and3A_1079 = arith.andi %broadcast_in_dim3A_1076, %and3A_1078 : vector<512x1xi32>
    %eq3A_1080 = vector.broadcast %and3A_1079 : vector<512x1xi32> to vector<512x256xi32>
    %eq3A_1081 = arith.cmpi eq, %iota3A, %eq3A_1080 : vector<512x256xi32>
    %select_n3A_1082 = arith.select %eq3A_1081, %select_n3A_1057, %select_n3A_1055 : vector<512x256xi1>, vector<512x256xf32>
    %select_n3A_1083 = arith.select %eq3A_1081, %select_n3A_1058, %select_n3A_1056 : vector<512x256xi1>, vector<512x256xi32>
    %select_n3A_1084 = arith.select %eq3A_1081, %select_n3A_1061, %select_n3A_1057 : vector<512x256xi1>, vector<512x256xf32>
    %select_n3A_1085 = arith.select %eq3A_1081, %select_n3A_809, %select_n3A_1058 : vector<512x256xi1>, vector<512x256xi32>
    %jit3A_1086 = arith.constant 3.000000e+38 : f32
    %broadcast_in_dim3A_1087 = vector.broadcast %jit3A_1086 : f32 to vector<512x256xf32>
    %select_n3A_1088 = arith.select %eq3A_1081, %broadcast_in_dim3A_1087, %select_n3A_1061 : vector<512x256xi1>, vector<512x256xf32>
    %reduce_min3A_1089 = arith.constant dense<0x7F800000> : vector<512xf32>
    %reduce_min3A_1090 = vector.multi_reduction <minimumf>, %select_n3A_1082, %reduce_min3A_1089 [1] : vector<512x256xf32> to vector<512xf32>
    %broadcast_in_dim3A_1091 = vector.shape_cast %reduce_min3A_1090 : vector<512xf32> to vector<512x1xf32>
    %eq3A_1092 = vector.broadcast %broadcast_in_dim3A_1091 : vector<512x1xf32> to vector<512x256xf32>
    %eq3A_1093 = arith.cmpf oeq, %select_n3A_1082, %eq3A_1092 : vector<512x256xf32>
    %mul3A_1094 = arith.constant 256 : i32
    %mul3A_1095 = vector.broadcast %mul3A_1094 : i32 to vector<512x256xi32>
    %mul3A_1096 = arith.muli %select_n3A_1083, %mul3A_1095 : vector<512x256xi32>
    %add3A_1097 = arith.addi %mul3A_1096, %iota3A : vector<512x256xi32>
    %jit3A_1098 = arith.constant 1073741824 : i32
    %broadcast_in_dim3A_1099 = vector.broadcast %jit3A_1098 : i32 to vector<512x256xi32>
    %select_n3A_1100 = arith.select %eq3A_1093, %add3A_1097, %broadcast_in_dim3A_1099 : vector<512x256xi1>, vector<512x256xi32>
    %reduce_min3A_1101 = arith.constant dense<2147483647> : vector<512xi32>
    %reduce_min3A_1102 = vector.multi_reduction <minsi>, %select_n3A_1100, %reduce_min3A_1101 [1] : vector<512x256xi32> to vector<512xi32>
    %broadcast_in_dim3A_1103 = vector.shape_cast %reduce_min3A_1102 : vector<512xi32> to vector<512x1xi32>
    %and3A_1104 = arith.constant 255 : i32
    %and3A_1105 = vector.broadcast %and3A_1104 : i32 to vector<512x1xi32>
    %and3A_1106 = arith.andi %broadcast_in_dim3A_1103, %and3A_1105 : vector<512x1xi32>
    %eq3A_1107 = vector.broadcast %and3A_1106 : vector<512x1xi32> to vector<512x256xi32>
    %eq3A_1108 = arith.cmpi eq, %iota3A, %eq3A_1107 : vector<512x256xi32>
    %select_n3A_1109 = arith.select %eq3A_1108, %select_n3A_1084, %select_n3A_1082 : vector<512x256xi1>, vector<512x256xf32>
    %select_n3A_1110 = arith.select %eq3A_1108, %select_n3A_1085, %select_n3A_1083 : vector<512x256xi1>, vector<512x256xi32>
    %select_n3A_1111 = arith.select %eq3A_1108, %select_n3A_1088, %select_n3A_1084 : vector<512x256xi1>, vector<512x256xf32>
    %select_n3A_1112 = arith.select %eq3A_1108, %select_n3A_809, %select_n3A_1085 : vector<512x256xi1>, vector<512x256xi32>
    %jit3A_1113 = arith.constant 3.000000e+38 : f32
    %broadcast_in_dim3A_1114 = vector.broadcast %jit3A_1113 : f32 to vector<512x256xf32>
    %select_n3A_1115 = arith.select %eq3A_1108, %broadcast_in_dim3A_1114, %select_n3A_1088 : vector<512x256xi1>, vector<512x256xf32>
    %reduce_min3A_1116 = arith.constant dense<0x7F800000> : vector<512xf32>
    %reduce_min3A_1117 = vector.multi_reduction <minimumf>, %select_n3A_1109, %reduce_min3A_1116 [1] : vector<512x256xf32> to vector<512xf32>
    %broadcast_in_dim3A_1118 = vector.shape_cast %reduce_min3A_1117 : vector<512xf32> to vector<512x1xf32>
    %eq3A_1119 = vector.broadcast %broadcast_in_dim3A_1118 : vector<512x1xf32> to vector<512x256xf32>
    %eq3A_1120 = arith.cmpf oeq, %select_n3A_1109, %eq3A_1119 : vector<512x256xf32>
    %mul3A_1121 = arith.constant 256 : i32
    %mul3A_1122 = vector.broadcast %mul3A_1121 : i32 to vector<512x256xi32>
    %mul3A_1123 = arith.muli %select_n3A_1110, %mul3A_1122 : vector<512x256xi32>
    %add3A_1124 = arith.addi %mul3A_1123, %iota3A : vector<512x256xi32>
    %jit3A_1125 = arith.constant 1073741824 : i32
    %broadcast_in_dim3A_1126 = vector.broadcast %jit3A_1125 : i32 to vector<512x256xi32>
    %select_n3A_1127 = arith.select %eq3A_1120, %add3A_1124, %broadcast_in_dim3A_1126 : vector<512x256xi1>, vector<512x256xi32>
    %reduce_min3A_1128 = arith.constant dense<2147483647> : vector<512xi32>
    %reduce_min3A_1129 = vector.multi_reduction <minsi>, %select_n3A_1127, %reduce_min3A_1128 [1] : vector<512x256xi32> to vector<512xi32>
    %broadcast_in_dim3A_1130 = vector.shape_cast %reduce_min3A_1129 : vector<512xi32> to vector<512x1xi32>
    %and3A_1131 = arith.constant 255 : i32
    %and3A_1132 = vector.broadcast %and3A_1131 : i32 to vector<512x1xi32>
    %and3A_1133 = arith.andi %broadcast_in_dim3A_1130, %and3A_1132 : vector<512x1xi32>
    %eq3A_1134 = vector.broadcast %and3A_1133 : vector<512x1xi32> to vector<512x256xi32>
    %eq3A_1135 = arith.cmpi eq, %iota3A, %eq3A_1134 : vector<512x256xi32>
    %select_n3A_1136 = arith.select %eq3A_1135, %select_n3A_1111, %select_n3A_1109 : vector<512x256xi1>, vector<512x256xf32>
    %select_n3A_1137 = arith.select %eq3A_1135, %select_n3A_1112, %select_n3A_1110 : vector<512x256xi1>, vector<512x256xi32>
    %select_n3A_1138 = arith.select %eq3A_1135, %select_n3A_1115, %select_n3A_1111 : vector<512x256xi1>, vector<512x256xf32>
    %select_n3A_1139 = arith.select %eq3A_1135, %select_n3A_809, %select_n3A_1112 : vector<512x256xi1>, vector<512x256xi32>
    %jit3A_1140 = arith.constant 3.000000e+38 : f32
    %broadcast_in_dim3A_1141 = vector.broadcast %jit3A_1140 : f32 to vector<512x256xf32>
    %select_n3A_1142 = arith.select %eq3A_1135, %broadcast_in_dim3A_1141, %select_n3A_1115 : vector<512x256xi1>, vector<512x256xf32>
    %reduce_min3A_1143 = arith.constant dense<0x7F800000> : vector<512xf32>
    %reduce_min3A_1144 = vector.multi_reduction <minimumf>, %select_n3A_1136, %reduce_min3A_1143 [1] : vector<512x256xf32> to vector<512xf32>
    %broadcast_in_dim3A_1145 = vector.shape_cast %reduce_min3A_1144 : vector<512xf32> to vector<512x1xf32>
    %eq3A_1146 = vector.broadcast %broadcast_in_dim3A_1145 : vector<512x1xf32> to vector<512x256xf32>
    %eq3A_1147 = arith.cmpf oeq, %select_n3A_1136, %eq3A_1146 : vector<512x256xf32>
    %mul3A_1148 = arith.constant 256 : i32
    %mul3A_1149 = vector.broadcast %mul3A_1148 : i32 to vector<512x256xi32>
    %mul3A_1150 = arith.muli %select_n3A_1137, %mul3A_1149 : vector<512x256xi32>
    %add3A_1151 = arith.addi %mul3A_1150, %iota3A : vector<512x256xi32>
    %jit3A_1152 = arith.constant 1073741824 : i32
    %broadcast_in_dim3A_1153 = vector.broadcast %jit3A_1152 : i32 to vector<512x256xi32>
    %select_n3A_1154 = arith.select %eq3A_1147, %add3A_1151, %broadcast_in_dim3A_1153 : vector<512x256xi1>, vector<512x256xi32>
    %reduce_min3A_1155 = arith.constant dense<2147483647> : vector<512xi32>
    %reduce_min3A_1156 = vector.multi_reduction <minsi>, %select_n3A_1154, %reduce_min3A_1155 [1] : vector<512x256xi32> to vector<512xi32>
    %broadcast_in_dim3A_1157 = vector.shape_cast %reduce_min3A_1156 : vector<512xi32> to vector<512x1xi32>
    %and3A_1158 = arith.constant 255 : i32
    %and3A_1159 = vector.broadcast %and3A_1158 : i32 to vector<512x1xi32>
    %and3A_1160 = arith.andi %broadcast_in_dim3A_1157, %and3A_1159 : vector<512x1xi32>
    %eq3A_1161 = vector.broadcast %and3A_1160 : vector<512x1xi32> to vector<512x256xi32>
    %eq3A_1162 = arith.cmpi eq, %iota3A, %eq3A_1161 : vector<512x256xi32>
    %select_n3A_1163 = arith.select %eq3A_1162, %select_n3A_1138, %select_n3A_1136 : vector<512x256xi1>, vector<512x256xf32>
    %select_n3A_1164 = arith.select %eq3A_1162, %select_n3A_1139, %select_n3A_1137 : vector<512x256xi1>, vector<512x256xi32>
    %select_n3A_1165 = arith.select %eq3A_1162, %select_n3A_1142, %select_n3A_1138 : vector<512x256xi1>, vector<512x256xf32>
    %select_n3A_1166 = arith.select %eq3A_1162, %select_n3A_809, %select_n3A_1139 : vector<512x256xi1>, vector<512x256xi32>
    %jit3A_1167 = arith.constant 3.000000e+38 : f32
    %broadcast_in_dim3A_1168 = vector.broadcast %jit3A_1167 : f32 to vector<512x256xf32>
    %select_n3A_1169 = arith.select %eq3A_1162, %broadcast_in_dim3A_1168, %select_n3A_1142 : vector<512x256xi1>, vector<512x256xf32>
    %reduce_min3A_1170 = arith.constant dense<0x7F800000> : vector<512xf32>
    %reduce_min3A_1171 = vector.multi_reduction <minimumf>, %select_n3A_1163, %reduce_min3A_1170 [1] : vector<512x256xf32> to vector<512xf32>
    %broadcast_in_dim3A_1172 = vector.shape_cast %reduce_min3A_1171 : vector<512xf32> to vector<512x1xf32>
    %eq3A_1173 = vector.broadcast %broadcast_in_dim3A_1172 : vector<512x1xf32> to vector<512x256xf32>
    %eq3A_1174 = arith.cmpf oeq, %select_n3A_1163, %eq3A_1173 : vector<512x256xf32>
    %mul3A_1175 = arith.constant 256 : i32
    %mul3A_1176 = vector.broadcast %mul3A_1175 : i32 to vector<512x256xi32>
    %mul3A_1177 = arith.muli %select_n3A_1164, %mul3A_1176 : vector<512x256xi32>
    %add3A_1178 = arith.addi %mul3A_1177, %iota3A : vector<512x256xi32>
    %jit3A_1179 = arith.constant 1073741824 : i32
    %broadcast_in_dim3A_1180 = vector.broadcast %jit3A_1179 : i32 to vector<512x256xi32>
    %select_n3A_1181 = arith.select %eq3A_1174, %add3A_1178, %broadcast_in_dim3A_1180 : vector<512x256xi1>, vector<512x256xi32>
    %reduce_min3A_1182 = arith.constant dense<2147483647> : vector<512xi32>
    %reduce_min3A_1183 = vector.multi_reduction <minsi>, %select_n3A_1181, %reduce_min3A_1182 [1] : vector<512x256xi32> to vector<512xi32>
    %broadcast_in_dim3A_1184 = vector.shape_cast %reduce_min3A_1183 : vector<512xi32> to vector<512x1xi32>
    %and3A_1185 = arith.constant 255 : i32
    %and3A_1186 = vector.broadcast %and3A_1185 : i32 to vector<512x1xi32>
    %and3A_1187 = arith.andi %broadcast_in_dim3A_1184, %and3A_1186 : vector<512x1xi32>
    %eq3A_1188 = vector.broadcast %and3A_1187 : vector<512x1xi32> to vector<512x256xi32>
    %eq3A_1189 = arith.cmpi eq, %iota3A, %eq3A_1188 : vector<512x256xi32>
    %select_n3A_1190 = arith.select %eq3A_1189, %select_n3A_1165, %select_n3A_1163 : vector<512x256xi1>, vector<512x256xf32>
    %select_n3A_1191 = arith.select %eq3A_1189, %select_n3A_1166, %select_n3A_1164 : vector<512x256xi1>, vector<512x256xi32>
    %select_n3A_1192 = arith.select %eq3A_1189, %select_n3A_1169, %select_n3A_1165 : vector<512x256xi1>, vector<512x256xf32>
    %select_n3A_1193 = arith.select %eq3A_1189, %select_n3A_809, %select_n3A_1166 : vector<512x256xi1>, vector<512x256xi32>
    %reduce_min3A_1194 = arith.constant dense<0x7F800000> : vector<512xf32>
    %reduce_min3A_1195 = vector.multi_reduction <minimumf>, %select_n3A_1190, %reduce_min3A_1194 [1] : vector<512x256xf32> to vector<512xf32>
    %broadcast_in_dim3A_1196 = vector.shape_cast %reduce_min3A_1195 : vector<512xf32> to vector<512x1xf32>
    %eq3A_1197 = vector.broadcast %broadcast_in_dim3A_1196 : vector<512x1xf32> to vector<512x256xf32>
    %eq3A_1198 = arith.cmpf oeq, %select_n3A_1190, %eq3A_1197 : vector<512x256xf32>
    %mul3A_1199 = arith.constant 256 : i32
    %mul3A_1200 = vector.broadcast %mul3A_1199 : i32 to vector<512x256xi32>
    %mul3A_1201 = arith.muli %select_n3A_1191, %mul3A_1200 : vector<512x256xi32>
    %add3A_1202 = arith.addi %mul3A_1201, %iota3A : vector<512x256xi32>
    %jit3A_1203 = arith.constant 1073741824 : i32
    %broadcast_in_dim3A_1204 = vector.broadcast %jit3A_1203 : i32 to vector<512x256xi32>
    %select_n3A_1205 = arith.select %eq3A_1198, %add3A_1202, %broadcast_in_dim3A_1204 : vector<512x256xi1>, vector<512x256xi32>
    %reduce_min3A_1206 = arith.constant dense<2147483647> : vector<512xi32>
    %reduce_min3A_1207 = vector.multi_reduction <minsi>, %select_n3A_1205, %reduce_min3A_1206 [1] : vector<512x256xi32> to vector<512xi32>
    %broadcast_in_dim3A_1208 = vector.shape_cast %reduce_min3A_1207 : vector<512xi32> to vector<512x1xi32>
    %and3A_1209 = arith.constant 255 : i32
    %and3A_1210 = vector.broadcast %and3A_1209 : i32 to vector<512x1xi32>
    %and3A_1211 = arith.andi %broadcast_in_dim3A_1208, %and3A_1210 : vector<512x1xi32>
    %eq3A_1212 = vector.broadcast %and3A_1211 : vector<512x1xi32> to vector<512x256xi32>
    %eq3A_1213 = arith.cmpi eq, %iota3A, %eq3A_1212 : vector<512x256xi32>
    %select_n3A_1214 = arith.select %eq3A_1213, %select_n3A_1192, %select_n3A_1190 : vector<512x256xi1>, vector<512x256xf32>
    %select_n3A_1215 = arith.select %eq3A_1213, %select_n3A_1193, %select_n3A_1191 : vector<512x256xi1>, vector<512x256xi32>
    %reduce_min3A_1216 = arith.constant dense<0x7F800000> : vector<512xf32>
    %reduce_min3A_1217 = vector.multi_reduction <minimumf>, %select_n3A_1214, %reduce_min3A_1216 [1] : vector<512x256xf32> to vector<512xf32>
    %broadcast_in_dim3A_1218 = vector.shape_cast %reduce_min3A_1217 : vector<512xf32> to vector<512x1xf32>
    %eq3A_1219 = vector.broadcast %broadcast_in_dim3A_1218 : vector<512x1xf32> to vector<512x256xf32>
    %eq3A_1220 = arith.cmpf oeq, %select_n3A_1214, %eq3A_1219 : vector<512x256xf32>
    %mul3A_1221 = arith.constant 256 : i32
    %mul3A_1222 = vector.broadcast %mul3A_1221 : i32 to vector<512x256xi32>
    %mul3A_1223 = arith.muli %select_n3A_1215, %mul3A_1222 : vector<512x256xi32>
    %add3A_1224 = arith.addi %mul3A_1223, %iota3A : vector<512x256xi32>
    %jit3A_1225 = arith.constant 1073741824 : i32
    %broadcast_in_dim3A_1226 = vector.broadcast %jit3A_1225 : i32 to vector<512x256xi32>
    %select_n3A_1227 = arith.select %eq3A_1220, %add3A_1224, %broadcast_in_dim3A_1226 : vector<512x256xi1>, vector<512x256xi32>
    %reduce_min3A_1228 = arith.constant dense<2147483647> : vector<512xi32>
    %reduce_min3A_1229 = vector.multi_reduction <minsi>, %select_n3A_1227, %reduce_min3A_1228 [1] : vector<512x256xi32> to vector<512xi32>
    %broadcast_in_dim3A_1230 = vector.shape_cast %reduce_min3A_1229 : vector<512xi32> to vector<512x1xi32>
    %concatenate3A = tpu.concatenate %broadcast_in_dim3A_834, %broadcast_in_dim3A_860, %broadcast_in_dim3A_887, %broadcast_in_dim3A_914, %broadcast_in_dim3A_941, %broadcast_in_dim3A_968, %broadcast_in_dim3A_995, %broadcast_in_dim3A_1022, %broadcast_in_dim3A_1049, %broadcast_in_dim3A_1076, %broadcast_in_dim3A_1103, %broadcast_in_dim3A_1130, %broadcast_in_dim3A_1157, %broadcast_in_dim3A_1184, %broadcast_in_dim3A_1208, %broadcast_in_dim3A_1230 in 1 : vector<512x1xi32>, vector<512x1xi32>, vector<512x1xi32>, vector<512x1xi32>, vector<512x1xi32>, vector<512x1xi32>, vector<512x1xi32>, vector<512x1xi32>, vector<512x1xi32>, vector<512x1xi32>, vector<512x1xi32>, vector<512x1xi32>, vector<512x1xi32>, vector<512x1xi32>, vector<512x1xi32>, vector<512x1xi32> -> vector<512x16xi32>
    %swap3A = arith.constant 0 : index
    %swap3A_1231 = arith.constant 0 : index
    %swap3A_1232 = vector.load %arg3[%swap3A, %swap3A_1231] : memref<512x16xi32, #tpu.memory_space<vmem>>, vector<512x16xi32>
    tpu.vector_store %arg3[%swap3A, %swap3A_1231], %concatenate3A {strides = array<i32>} : memref<512x16xi32, #tpu.memory_space<vmem>>, vector<512x16xi32>,
    return
  }
  func.func @transform_0(%arg0: i32) -> (i32, i32) {
    %c0_i32 = arith.constant 0 : i32
    %c0_i32_0 = arith.constant 0 : i32
    return %arg0, %c0_i32 : i32, i32
  }
  func.func @transform_1(%arg0: i32) -> (i32, i32) {
    %c0_i32 = arith.constant 0 : i32
    %c0_i32_0 = arith.constant 0 : i32
    %c0_i32_1 = arith.constant 0 : i32
    return %c0_i32, %c0_i32_0 : i32, i32
  }
  func.func @transform_2(%arg0: i32) -> (i32, i32) {
    %c0_i32 = arith.constant 0 : i32
    %c0_i32_0 = arith.constant 0 : i32
    return %arg0, %c0_i32 : i32, i32
  }
}

module attributes {stable_mosaic.version = 14 : i64} {
  func.func @_k1_body(%arg0: i32, %arg1: memref<400x128xf32, #tpu.memory_space<vmem>>, %arg2: memref<400x3xf32, #tpu.memory_space<vmem>>, %arg3: memref<128x128xf32, #tpu.memory_space<vmem>>, %arg4: memref<128xf32, #tpu.memory_space<vmem>>, %arg5: memref<128x128xf32, #tpu.memory_space<vmem>>, %arg6: memref<128xf32, #tpu.memory_space<vmem>>, %arg7: memref<128x128xf32, #tpu.memory_space<vmem>>, %arg8: memref<128xf32, #tpu.memory_space<vmem>>, %arg9: memref<3x3xf32, #tpu.memory_space<vmem>>, %arg10: memref<400x384xf32, #tpu.memory_space<vmem>>, %arg11: memref<400x128xf32, #tpu.memory_space<vmem>>, %arg12: memref<400x16xf32, #tpu.memory_space<vmem>>) attributes {dimension_semantics = [#tpu.dimension_semantics<arbitrary>], iteration_bounds = array<i64: 25>, scalar_prefetch = 0 : i64, scratch_operands = 0 : i64, tpu.core_type = #tpu.core_type<tc>, window_params = [{transform_indices = @transform_0, window_bounds = array<i64: 400, 128>}, {transform_indices = @transform_1, window_bounds = array<i64: 400, 3>}, {pipeline_mode = #tpu.pipeline_mode<synchronous>, transform_indices = @transform_2, window_bounds = array<i64: 128, 128>}, {pipeline_mode = #tpu.pipeline_mode<synchronous>, transform_indices = @transform_3, window_bounds = array<i64: 128>}, {pipeline_mode = #tpu.pipeline_mode<synchronous>, transform_indices = @transform_4, window_bounds = array<i64: 128, 128>}, {pipeline_mode = #tpu.pipeline_mode<synchronous>, transform_indices = @transform_5, window_bounds = array<i64: 128>}, {pipeline_mode = #tpu.pipeline_mode<synchronous>, transform_indices = @transform_6, window_bounds = array<i64: 128, 128>}, {pipeline_mode = #tpu.pipeline_mode<synchronous>, transform_indices = @transform_7, window_bounds = array<i64: 128>}, {pipeline_mode = #tpu.pipeline_mode<synchronous>, transform_indices = @transform_8, window_bounds = array<i64: 3, 3>}, {transform_indices = @transform_9, window_bounds = array<i64: 400, 384>}, {transform_indices = @transform_10, window_bounds = array<i64: 400, 128>}, {transform_indices = @transform_11, window_bounds = array<i64: 400, 16>}]} {
    %get3A = arith.constant 0 : index
    %get3A_0 = arith.constant 0 : index
    %get3A_1 = vector.load %arg1[%get3A, %get3A_0] : memref<400x128xf32, #tpu.memory_space<vmem>>, vector<400x128xf32>
    %get3A_2 = arith.constant 0 : index
    %get3A_3 = arith.constant 0 : index
    %get3A_4 = vector.load %arg2[%get3A_2, %get3A_3] : memref<400x3xf32, #tpu.memory_space<vmem>>, vector<400x3xf32>
    %get3A_5 = arith.constant 0 : index
    %get3A_6 = arith.constant 0 : index
    %get3A_7 = vector.load %arg3[%get3A_5, %get3A_6] : memref<128x128xf32, #tpu.memory_space<vmem>>, vector<128x128xf32>
    %dot_general3A = arith.constant dense<0.000000e+00> : vector<400x128xf32>
    %dot_general3A_8 = tpu.matmul %get3A_1, %get3A_7, %dot_general3A {dimension_numbers = #tpu.dot_dimension_numbers<[1], [0], [0], [1], [0, 0, 1, 1], [], []>, precision = #tpu.contract_precision<fp32>, transpose_lhs_hint = false} : vector<400x128xf32>, vector<128x128xf32>, vector<400x128xf32> -> vector<400x128xf32>
    %get3A_9 = arith.constant 0 : index
    %get3A_10 = vector.load %arg4[%get3A_9] : memref<128xf32, #tpu.memory_space<vmem>>, vector<128xf32>
    %broadcast_in_dim3A = vector.shape_cast %get3A_10 : vector<128xf32> to vector<1x128xf32>
    %add3A = vector.broadcast %broadcast_in_dim3A : vector<1x128xf32> to vector<400x128xf32>
    %add3A_11 = arith.addf %dot_general3A_8, %add3A : vector<400x128xf32>
    %swap3A = arith.constant 0 : index
    %swap3A_12 = arith.constant 0 : index
    %swap3A_13 = vector.load %arg11[%swap3A, %swap3A_12] : memref<400x128xf32, #tpu.memory_space<vmem>>, vector<400x128xf32>
    tpu.vector_store %arg11[%swap3A, %swap3A_12], %add3A_11 {strides = array<i32>} : memref<400x128xf32, #tpu.memory_space<vmem>>, vector<400x128xf32>,
    %get3A_14 = arith.constant 0 : index
    %get3A_15 = arith.constant 0 : index
    %get3A_16 = vector.load %arg5[%get3A_14, %get3A_15] : memref<128x128xf32, #tpu.memory_space<vmem>>, vector<128x128xf32>
    %dot_general3A_17 = arith.constant dense<0.000000e+00> : vector<400x128xf32>
    %dot_general3A_18 = tpu.matmul %get3A_1, %get3A_16, %dot_general3A_17 {dimension_numbers = #tpu.dot_dimension_numbers<[1], [0], [0], [1], [0, 0, 1, 1], [], []>, precision = #tpu.contract_precision<fp32>, transpose_lhs_hint = false} : vector<400x128xf32>, vector<128x128xf32>, vector<400x128xf32> -> vector<400x128xf32>
    %get3A_19 = arith.constant 0 : index
    %get3A_20 = vector.load %arg6[%get3A_19] : memref<128xf32, #tpu.memory_space<vmem>>, vector<128xf32>
    %broadcast_in_dim3A_21 = vector.shape_cast %get3A_20 : vector<128xf32> to vector<1x128xf32>
    %add3A_22 = vector.broadcast %broadcast_in_dim3A_21 : vector<1x128xf32> to vector<400x128xf32>
    %add3A_23 = arith.addf %dot_general3A_18, %add3A_22 : vector<400x128xf32>
    %swap3A_24 = arith.constant 0 : index
    %swap3A_25 = arith.constant 0 : index
    %swap3A_26 = vector.load %arg10[%swap3A_24, %swap3A_25] : memref<400x384xf32, #tpu.memory_space<vmem>>, vector<400x128xf32>
    tpu.vector_store %arg10[%swap3A_24, %swap3A_25], %add3A_23 {strides = array<i32>} : memref<400x384xf32, #tpu.memory_space<vmem>>, vector<400x128xf32>,
    %get3A_27 = arith.constant 0 : index
    %get3A_28 = arith.constant 0 : index
    %get3A_29 = vector.load %arg7[%get3A_27, %get3A_28] : memref<128x128xf32, #tpu.memory_space<vmem>>, vector<128x128xf32>
    %dot_general3A_30 = arith.constant dense<0.000000e+00> : vector<400x128xf32>
    %dot_general3A_31 = tpu.matmul %get3A_1, %get3A_29, %dot_general3A_30 {dimension_numbers = #tpu.dot_dimension_numbers<[1], [0], [0], [1], [0, 0, 1, 1], [], []>, precision = #tpu.contract_precision<fp32>, transpose_lhs_hint = false} : vector<400x128xf32>, vector<128x128xf32>, vector<400x128xf32> -> vector<400x128xf32>
    %get3A_32 = arith.constant 0 : index
    %get3A_33 = vector.load %arg8[%get3A_32] : memref<128xf32, #tpu.memory_space<vmem>>, vector<128xf32>
    %broadcast_in_dim3A_34 = vector.shape_cast %get3A_33 : vector<128xf32> to vector<1x128xf32>
    %add3A_35 = vector.broadcast %broadcast_in_dim3A_34 : vector<1x128xf32> to vector<400x128xf32>
    %add3A_36 = arith.addf %dot_general3A_31, %add3A_35 : vector<400x128xf32>
    %swap3A_37 = arith.constant 0 : index
    %swap3A_38 = arith.constant 128 : index
    %swap3A_39 = vector.load %arg10[%swap3A_37, %swap3A_38] : memref<400x384xf32, #tpu.memory_space<vmem>>, vector<400x128xf32>
    tpu.vector_store %arg10[%swap3A_37, %swap3A_38], %add3A_36 {strides = array<i32>} : memref<400x384xf32, #tpu.memory_space<vmem>>, vector<400x128xf32>,
    %get3A_40 = arith.constant 0 : index
    %get3A_41 = arith.constant 0 : index
    %get3A_42 = vector.load %arg9[%get3A_40, %get3A_41] : memref<3x3xf32, #tpu.memory_space<vmem>>, vector<3x3xf32>
    %dot_general3A_43 = arith.constant dense<0.000000e+00> : vector<400x3xf32>
    %dot_general3A_44 = tpu.matmul %get3A_4, %get3A_42, %dot_general3A_43 {dimension_numbers = #tpu.dot_dimension_numbers<[1], [0], [0], [1], [0, 0, 1, 1], [], []>, precision = #tpu.contract_precision<fp32>, transpose_lhs_hint = false} : vector<400x3xf32>, vector<3x3xf32>, vector<400x3xf32> -> vector<400x3xf32>
    %broadcast_in_dim3A_45 = arith.constant 0.000000e+00 : f32
    %broadcast_in_dim3A_46 = vector.broadcast %broadcast_in_dim3A_45 : f32 to vector<400x125xf32>
    %concatenate3A = tpu.concatenate %dot_general3A_44, %broadcast_in_dim3A_46 in 1 : vector<400x3xf32>, vector<400x125xf32> -> vector<400x128xf32>
    %swap3A_47 = arith.constant 0 : index
    %swap3A_48 = arith.constant 256 : index
    %swap3A_49 = vector.load %arg10[%swap3A_47, %swap3A_48] : memref<400x384xf32, #tpu.memory_space<vmem>>, vector<400x128xf32>
    tpu.vector_store %arg10[%swap3A_47, %swap3A_48], %concatenate3A {strides = array<i32>} : memref<400x384xf32, #tpu.memory_space<vmem>>, vector<400x128xf32>,
    %broadcast_in_dim3A_50 = arith.constant 0.000000e+00 : f32
    %broadcast_in_dim3A_51 = vector.broadcast %broadcast_in_dim3A_50 : f32 to vector<400x13xf32>
    %concatenate3A_52 = tpu.concatenate %dot_general3A_44, %broadcast_in_dim3A_51 in 1 : vector<400x3xf32>, vector<400x13xf32> -> vector<400x16xf32>
    %swap3A_53 = arith.constant 0 : index
    %swap3A_54 = arith.constant 0 : index
    %swap3A_55 = vector.load %arg12[%swap3A_53, %swap3A_54] : memref<400x16xf32, #tpu.memory_space<vmem>>, vector<400x16xf32>
    tpu.vector_store %arg12[%swap3A_53, %swap3A_54], %concatenate3A_52 {strides = array<i32>} : memref<400x16xf32, #tpu.memory_space<vmem>>, vector<400x16xf32>,
    return
  }
  func.func @transform_0(%arg0: i32) -> (i32, i32) {
    %c0_i32 = arith.constant 0 : i32
    %c0_i32_0 = arith.constant 0 : i32
    return %arg0, %c0_i32 : i32, i32
  }
  func.func @transform_1(%arg0: i32) -> (i32, i32) {
    %c0_i32 = arith.constant 0 : i32
    %c0_i32_0 = arith.constant 0 : i32
    return %arg0, %c0_i32 : i32, i32
  }
  func.func @transform_2(%arg0: i32) -> (i32, i32) {
    %c0_i32 = arith.constant 0 : i32
    %c0_i32_0 = arith.constant 0 : i32
    %c0_i32_1 = arith.constant 0 : i32
    return %c0_i32, %c0_i32_0 : i32, i32
  }
  func.func @transform_3(%arg0: i32) -> i32 {
    %c0_i32 = arith.constant 0 : i32
    %c0_i32_0 = arith.constant 0 : i32
    return %c0_i32 : i32
  }
  func.func @transform_4(%arg0: i32) -> (i32, i32) {
    %c0_i32 = arith.constant 0 : i32
    %c0_i32_0 = arith.constant 0 : i32
    %c0_i32_1 = arith.constant 0 : i32
    return %c0_i32, %c0_i32_0 : i32, i32
  }
  func.func @transform_5(%arg0: i32) -> i32 {
    %c0_i32 = arith.constant 0 : i32
    %c0_i32_0 = arith.constant 0 : i32
    return %c0_i32 : i32
  }
  func.func @transform_6(%arg0: i32) -> (i32, i32) {
    %c0_i32 = arith.constant 0 : i32
    %c0_i32_0 = arith.constant 0 : i32
    %c0_i32_1 = arith.constant 0 : i32
    return %c0_i32, %c0_i32_0 : i32, i32
  }
  func.func @transform_7(%arg0: i32) -> i32 {
    %c0_i32 = arith.constant 0 : i32
    %c0_i32_0 = arith.constant 0 : i32
    return %c0_i32 : i32
  }
  func.func @transform_8(%arg0: i32) -> (i32, i32) {
    %c0_i32 = arith.constant 0 : i32
    %c0_i32_0 = arith.constant 0 : i32
    %c0_i32_1 = arith.constant 0 : i32
    return %c0_i32, %c0_i32_0 : i32, i32
  }
  func.func @transform_9(%arg0: i32) -> (i32, i32) {
    %c0_i32 = arith.constant 0 : i32
    %c0_i32_0 = arith.constant 0 : i32
    return %arg0, %c0_i32 : i32, i32
  }
  func.func @transform_10(%arg0: i32) -> (i32, i32) {
    %c0_i32 = arith.constant 0 : i32
    %c0_i32_0 = arith.constant 0 : i32
    return %arg0, %c0_i32 : i32, i32
  }
  func.func @transform_11(%arg0: i32) -> (i32, i32) {
    %c0_i32 = arith.constant 0 : i32
    %c0_i32_0 = arith.constant 0 : i32
    return %arg0, %c0_i32 : i32, i32
  }
}

module attributes {stable_mosaic.version = 14 : i64} {
  func.func @_k4_body(%arg0: i32, %arg1: memref<3200x384xf32, #tpu.memory_space<vmem>>, %arg2: memref<200x128xf32, #tpu.memory_space<vmem>>, %arg3: memref<200x16xf32, #tpu.memory_space<vmem>>, %arg4: memref<16xf32, #tpu.memory_space<vmem>>, %arg5: memref<16xf32, #tpu.memory_space<vmem>>, %arg6: memref<16xf32, #tpu.memory_space<vmem>>, %arg7: memref<16x128xf32, #tpu.memory_space<vmem>>, %arg8: memref<128xf32, #tpu.memory_space<vmem>>, %arg9: memref<128xf32, #tpu.memory_space<vmem>>, %arg10: memref<128xf32, #tpu.memory_space<vmem>>, %arg11: memref<128x128xf32, #tpu.memory_space<vmem>>, %arg12: memref<128xf32, #tpu.memory_space<vmem>>, %arg13: memref<128xf32, #tpu.memory_space<vmem>>, %arg14: memref<128xf32, #tpu.memory_space<vmem>>, %arg15: memref<128x128xf32, #tpu.memory_space<vmem>>, %arg16: memref<128xf32, #tpu.memory_space<vmem>>, %arg17: memref<128x128xf32, #tpu.memory_space<vmem>>, %arg18: memref<200x128xf32, #tpu.memory_space<vmem>>) attributes {dimension_semantics = [#tpu.dimension_semantics<arbitrary>], iteration_bounds = array<i64: 25>, scalar_prefetch = 0 : i64, scratch_operands = 0 : i64, tpu.core_type = #tpu.core_type<tc>, window_params = [{transform_indices = @transform_0, window_bounds = array<i64: 3200, 384>}, {transform_indices = @transform_1, window_bounds = array<i64: 200, 128>}, {transform_indices = @transform_2, window_bounds = array<i64: 200, 16>}, {pipeline_mode = #tpu.pipeline_mode<synchronous>, transform_indices = @transform_3, window_bounds = array<i64: 16>}, {pipeline_mode = #tpu.pipeline_mode<synchronous>, transform_indices = @transform_4, window_bounds = array<i64: 16>}, {pipeline_mode = #tpu.pipeline_mode<synchronous>, transform_indices = @transform_5, window_bounds = array<i64: 16>}, {pipeline_mode = #tpu.pipeline_mode<synchronous>, transform_indices = @transform_6, window_bounds = array<i64: 16, 128>}, {pipeline_mode = #tpu.pipeline_mode<synchronous>, transform_indices = @transform_7, window_bounds = array<i64: 128>}, {pipeline_mode = #tpu.pipeline_mode<synchronous>, transform_indices = @transform_8, window_bounds = array<i64: 128>}, {pipeline_mode = #tpu.pipeline_mode<synchronous>, transform_indices = @transform_9, window_bounds = array<i64: 128>}, {pipeline_mode = #tpu.pipeline_mode<synchronous>, transform_indices = @transform_10, window_bounds = array<i64: 128, 128>}, {pipeline_mode = #tpu.pipeline_mode<synchronous>, transform_indices = @transform_11, window_bounds = array<i64: 128>}, {pipeline_mode = #tpu.pipeline_mode<synchronous>, transform_indices = @transform_12, window_bounds = array<i64: 128>}, {pipeline_mode = #tpu.pipeline_mode<synchronous>, transform_indices = @transform_13, window_bounds = array<i64: 128>}, {pipeline_mode = #tpu.pipeline_mode<synchronous>, transform_indices = @transform_14, window_bounds = array<i64: 128, 128>}, {pipeline_mode = #tpu.pipeline_mode<synchronous>, transform_indices = @transform_15, window_bounds = array<i64: 128>}, {pipeline_mode = #tpu.pipeline_mode<synchronous>, transform_indices = @transform_16, window_bounds = array<i64: 128, 128>}, {transform_indices = @transform_17, window_bounds = array<i64: 200, 128>}]} {
    %sqrt3A = arith.constant 1.000010e+00 : f32
    %sqrt3A_0 = math.sqrt %sqrt3A : f32
    %div3A = arith.constant 1.000000e+00 : f32
    %div3A_1 = arith.divf %div3A, %sqrt3A_0 : f32
    %get3A = arith.constant 0 : index
    %get3A_2 = arith.constant 0 : index
    %get3A_3 = vector.load %arg1[%get3A, %get3A_2] : memref<3200x384xf32, #tpu.memory_space<vmem>>, vector<3200x384xf32>
    %slice3A = vector.extract_strided_slice %get3A_3 {offsets = [0, 0], sizes = [3200, 128], strides = [1, 1]} : vector<3200x384xf32> to vector<3200x128xf32>
    %slice3A_4 = vector.extract_strided_slice %get3A_3 {offsets = [0, 128], sizes = [3200, 128], strides = [1, 1]} : vector<3200x384xf32> to vector<3200x128xf32>
    %slice3A_5 = vector.extract_strided_slice %get3A_3 {offsets = [0, 256], sizes = [3200, 16], strides = [1, 1]} : vector<3200x384xf32> to vector<3200x16xf32>
    %get3A_6 = arith.constant 0 : index
    %get3A_7 = arith.constant 0 : index
    %get3A_8 = vector.load %arg3[%get3A_6, %get3A_7] : memref<200x16xf32, #tpu.memory_space<vmem>>, vector<200x16xf32>
    %reshape3A = vector.shape_cast %slice3A_5 : vector<3200x16xf32> to vector<200x16x16xf32>
    %broadcast_in_dim3A = vector.shape_cast %get3A_8 : vector<200x16xf32> to vector<200x1x16xf32>
    %sub3A = vector.broadcast %broadcast_in_dim3A : vector<200x1x16xf32> to vector<200x16x16xf32>
    %sub3A_9 = arith.subf %reshape3A, %sub3A : vector<200x16x16xf32>
    %get3A_10 = arith.constant 0 : index
    %get3A_11 = vector.load %arg4[%get3A_10] : memref<16xf32, #tpu.memory_space<vmem>>, vector<16xf32>
    %broadcast_in_dim3A_12 = vector.shape_cast %get3A_11 : vector<16xf32> to vector<1x1x16xf32>
    %add3A = vector.broadcast %broadcast_in_dim3A_12 : vector<1x1x16xf32> to vector<200x16x16xf32>
    %add3A_13 = arith.addf %sub3A_9, %add3A : vector<200x16x16xf32>
    %mul3A = vector.broadcast %div3A_1 : f32 to vector<200x16x16xf32>
    %mul3A_14 = arith.mulf %add3A_13, %mul3A : vector<200x16x16xf32>
    %get3A_15 = arith.constant 0 : index
    %get3A_16 = vector.load %arg5[%get3A_15] : memref<16xf32, #tpu.memory_space<vmem>>, vector<16xf32>
    %broadcast_in_dim3A_17 = vector.shape_cast %get3A_16 : vector<16xf32> to vector<1x1x16xf32>
    %mul3A_18 = vector.broadcast %broadcast_in_dim3A_17 : vector<1x1x16xf32> to vector<200x16x16xf32>
    %mul3A_19 = arith.mulf %mul3A_14, %mul3A_18 : vector<200x16x16xf32>
    %get3A_20 = arith.constant 0 : index
    %get3A_21 = vector.load %arg6[%get3A_20] : memref<16xf32, #tpu.memory_space<vmem>>, vector<16xf32>
    %broadcast_in_dim3A_22 = vector.shape_cast %get3A_21 : vector<16xf32> to vector<1x1x16xf32>
    %add3A_23 = vector.broadcast %broadcast_in_dim3A_22 : vector<1x1x16xf32> to vector<200x16x16xf32>
    %add3A_24 = arith.addf %mul3A_19, %add3A_23 : vector<200x16x16xf32>
    %max3A = arith.constant 0.000000e+00 : f32
    %max3A_25 = vector.broadcast %max3A : f32 to vector<200x16x16xf32>
    %max3A_26 = arith.maximumf %add3A_24, %max3A_25 : vector<200x16x16xf32>
    %reshape3A_27 = vector.shape_cast %max3A_26 : vector<200x16x16xf32> to vector<3200x16xf32>
    %get3A_28 = arith.constant 0 : index
    %get3A_29 = arith.constant 0 : index
    %get3A_30 = vector.load %arg7[%get3A_28, %get3A_29] : memref<16x128xf32, #tpu.memory_space<vmem>>, vector<16x128xf32>
    %dot_general3A = arith.constant dense<0.000000e+00> : vector<3200x128xf32>
    %dot_general3A_31 = tpu.matmul %reshape3A_27, %get3A_30, %dot_general3A {dimension_numbers = #tpu.dot_dimension_numbers<[1], [0], [0], [1], [0, 0, 1, 1], [], []>, precision = #tpu.contract_precision<fp32>, transpose_lhs_hint = false} : vector<3200x16xf32>, vector<16x128xf32>, vector<3200x128xf32> -> vector<3200x128xf32>
    %get3A_32 = arith.constant 0 : index
    %get3A_33 = vector.load %arg8[%get3A_32] : memref<128xf32, #tpu.memory_space<vmem>>, vector<128xf32>
    %broadcast_in_dim3A_34 = vector.shape_cast %get3A_33 : vector<128xf32> to vector<1x128xf32>
    %add3A_35 = vector.broadcast %broadcast_in_dim3A_34 : vector<1x128xf32> to vector<3200x128xf32>
    %add3A_36 = arith.addf %dot_general3A_31, %add3A_35 : vector<3200x128xf32>
    %get3A_37 = arith.constant 0 : index
    %get3A_38 = arith.constant 0 : index
    %get3A_39 = vector.load %arg2[%get3A_37, %get3A_38] : memref<200x128xf32, #tpu.memory_space<vmem>>, vector<200x128xf32>
    %broadcast_in_dim3A_40 = vector.shape_cast %get3A_39 : vector<200x128xf32> to vector<200x1x128xf32>
    %broadcast_in_dim3A_41 = vector.shape_cast %broadcast_in_dim3A_40 : vector<200x1x128xf32> to vector<200x1x128xf32>
    %broadcast_in_dim3A_42 = vector.broadcast %broadcast_in_dim3A_41 : vector<200x1x128xf32> to vector<200x16x128xf32>
    %reshape3A_43 = vector.shape_cast %broadcast_in_dim3A_42 : vector<200x16x128xf32> to vector<3200x128xf32>
    %sub3A_44 = arith.subf %slice3A, %reshape3A_43 : vector<3200x128xf32>
    %add3A_45 = arith.addf %sub3A_44, %add3A_36 : vector<3200x128xf32>
    %mul3A_46 = vector.broadcast %div3A_1 : f32 to vector<3200x128xf32>
    %mul3A_47 = arith.mulf %add3A_45, %mul3A_46 : vector<3200x128xf32>
    %get3A_48 = arith.constant 0 : index
    %get3A_49 = vector.load %arg9[%get3A_48] : memref<128xf32, #tpu.memory_space<vmem>>, vector<128xf32>
    %broadcast_in_dim3A_50 = vector.shape_cast %get3A_49 : vector<128xf32> to vector<1x128xf32>
    %mul3A_51 = vector.broadcast %broadcast_in_dim3A_50 : vector<1x128xf32> to vector<3200x128xf32>
    %mul3A_52 = arith.mulf %mul3A_47, %mul3A_51 : vector<3200x128xf32>
    %get3A_53 = arith.constant 0 : index
    %get3A_54 = vector.load %arg10[%get3A_53] : memref<128xf32, #tpu.memory_space<vmem>>, vector<128xf32>
    %broadcast_in_dim3A_55 = vector.shape_cast %get3A_54 : vector<128xf32> to vector<1x128xf32>
    %add3A_56 = vector.broadcast %broadcast_in_dim3A_55 : vector<1x128xf32> to vector<3200x128xf32>
    %add3A_57 = arith.addf %mul3A_52, %add3A_56 : vector<3200x128xf32>
    %max3A_58 = arith.constant 0.000000e+00 : f32
    %max3A_59 = vector.broadcast %max3A_58 : f32 to vector<3200x128xf32>
    %max3A_60 = arith.maximumf %add3A_57, %max3A_59 : vector<3200x128xf32>
    %get3A_61 = arith.constant 0 : index
    %get3A_62 = arith.constant 0 : index
    %get3A_63 = vector.load %arg11[%get3A_61, %get3A_62] : memref<128x128xf32, #tpu.memory_space<vmem>>, vector<128x128xf32>
    %dot_general3A_64 = arith.constant dense<0.000000e+00> : vector<3200x128xf32>
    %dot_general3A_65 = tpu.matmul %max3A_60, %get3A_63, %dot_general3A_64 {dimension_numbers = #tpu.dot_dimension_numbers<[1], [0], [0], [1], [0, 0, 1, 1], [], []>, precision = #tpu.contract_precision<fp32>, transpose_lhs_hint = false} : vector<3200x128xf32>, vector<128x128xf32>, vector<3200x128xf32> -> vector<3200x128xf32>
    %get3A_66 = arith.constant 0 : index
    %get3A_67 = vector.load %arg12[%get3A_66] : memref<128xf32, #tpu.memory_space<vmem>>, vector<128xf32>
    %broadcast_in_dim3A_68 = vector.shape_cast %get3A_67 : vector<128xf32> to vector<1x128xf32>
    %add3A_69 = vector.broadcast %broadcast_in_dim3A_68 : vector<1x128xf32> to vector<3200x128xf32>
    %add3A_70 = arith.addf %dot_general3A_65, %add3A_69 : vector<3200x128xf32>
    %mul3A_71 = vector.broadcast %div3A_1 : f32 to vector<3200x128xf32>
    %mul3A_72 = arith.mulf %add3A_70, %mul3A_71 : vector<3200x128xf32>
    %get3A_73 = arith.constant 0 : index
    %get3A_74 = vector.load %arg13[%get3A_73] : memref<128xf32, #tpu.memory_space<vmem>>, vector<128xf32>
    %broadcast_in_dim3A_75 = vector.shape_cast %get3A_74 : vector<128xf32> to vector<1x128xf32>
    %mul3A_76 = vector.broadcast %broadcast_in_dim3A_75 : vector<1x128xf32> to vector<3200x128xf32>
    %mul3A_77 = arith.mulf %mul3A_72, %mul3A_76 : vector<3200x128xf32>
    %get3A_78 = arith.constant 0 : index
    %get3A_79 = vector.load %arg14[%get3A_78] : memref<128xf32, #tpu.memory_space<vmem>>, vector<128xf32>
    %broadcast_in_dim3A_80 = vector.shape_cast %get3A_79 : vector<128xf32> to vector<1x128xf32>
    %add3A_81 = vector.broadcast %broadcast_in_dim3A_80 : vector<1x128xf32> to vector<3200x128xf32>
    %add3A_82 = arith.addf %mul3A_77, %add3A_81 : vector<3200x128xf32>
    %max3A_83 = arith.constant 0.000000e+00 : f32
    %max3A_84 = vector.broadcast %max3A_83 : f32 to vector<3200x128xf32>
    %max3A_85 = arith.maximumf %add3A_82, %max3A_84 : vector<3200x128xf32>
    %get3A_86 = arith.constant 0 : index
    %get3A_87 = arith.constant 0 : index
    %get3A_88 = vector.load %arg15[%get3A_86, %get3A_87] : memref<128x128xf32, #tpu.memory_space<vmem>>, vector<128x128xf32>
    %dot_general3A_89 = arith.constant dense<0.000000e+00> : vector<3200x128xf32>
    %dot_general3A_90 = tpu.matmul %max3A_85, %get3A_88, %dot_general3A_89 {dimension_numbers = #tpu.dot_dimension_numbers<[1], [0], [0], [1], [0, 0, 1, 1], [], []>, precision = #tpu.contract_precision<fp32>, transpose_lhs_hint = false} : vector<3200x128xf32>, vector<128x128xf32>, vector<3200x128xf32> -> vector<3200x128xf32>
    %get3A_91 = arith.constant 0 : index
    %get3A_92 = vector.load %arg16[%get3A_91] : memref<128xf32, #tpu.memory_space<vmem>>, vector<128xf32>
    %broadcast_in_dim3A_93 = vector.shape_cast %get3A_92 : vector<128xf32> to vector<1x128xf32>
    %add3A_94 = vector.broadcast %broadcast_in_dim3A_93 : vector<1x128xf32> to vector<3200x128xf32>
    %add3A_95 = arith.addf %dot_general3A_90, %add3A_94 : vector<3200x128xf32>
    %exp3A = math.exp %add3A_95 : vector<3200x128xf32>
    %get3A_96 = arith.constant 0 : index
    %get3A_97 = arith.constant 0 : index
    %get3A_98 = vector.load %arg17[%get3A_96, %get3A_97] : memref<128x128xf32, #tpu.memory_space<vmem>>, vector<128x128xf32>
    %dot_general3A_99 = arith.constant dense<0.000000e+00> : vector<3200x128xf32>
    %dot_general3A_100 = tpu.matmul %exp3A, %get3A_98, %dot_general3A_99 {dimension_numbers = #tpu.dot_dimension_numbers<[1], [0], [0], [1], [0, 0, 1, 1], [], []>, precision = #tpu.contract_precision<fp32>, transpose_lhs_hint = false} : vector<3200x128xf32>, vector<128x128xf32>, vector<3200x128xf32> -> vector<3200x128xf32>
    %div3A_101 = arith.divf %exp3A, %dot_general3A_100 : vector<3200x128xf32>
    %add3A_102 = arith.addf %slice3A_4, %add3A_36 : vector<3200x128xf32>
    %mul3A_103 = arith.mulf %add3A_102, %div3A_101 : vector<3200x128xf32>
    %reshape3A_104 = vector.shape_cast %mul3A_103 : vector<3200x128xf32> to vector<200x16x128xf32>
    %reduce_sum3A = arith.constant dense<0.000000e+00> : vector<200x128xf32>
    %reduce_sum3A_105 = vector.multi_reduction <add>, %reshape3A_104, %reduce_sum3A [1] : vector<200x16x128xf32> to vector<200x128xf32>
    %swap3A = arith.constant 0 : index
    %swap3A_106 = arith.constant 0 : index
    %swap3A_107 = vector.load %arg18[%swap3A, %swap3A_106] : memref<200x128xf32, #tpu.memory_space<vmem>>, vector<200x128xf32>
    tpu.vector_store %arg18[%swap3A, %swap3A_106], %reduce_sum3A_105 {strides = array<i32>} : memref<200x128xf32, #tpu.memory_space<vmem>>, vector<200x128xf32>,
    return
  }
  func.func @transform_0(%arg0: i32) -> (i32, i32) {
    %c0_i32 = arith.constant 0 : i32
    %c0_i32_0 = arith.constant 0 : i32
    return %arg0, %c0_i32 : i32, i32
  }
  func.func @transform_1(%arg0: i32) -> (i32, i32) {
    %c0_i32 = arith.constant 0 : i32
    %c0_i32_0 = arith.constant 0 : i32
    return %arg0, %c0_i32 : i32, i32
  }
  func.func @transform_2(%arg0: i32) -> (i32, i32) {
    %c0_i32 = arith.constant 0 : i32
    %c0_i32_0 = arith.constant 0 : i32
    return %arg0, %c0_i32 : i32, i32
  }
  func.func @transform_3(%arg0: i32) -> i32 {
    %c0_i32 = arith.constant 0 : i32
    %c0_i32_0 = arith.constant 0 : i32
    return %c0_i32 : i32
  }
  func.func @transform_4(%arg0: i32) -> i32 {
    %c0_i32 = arith.constant 0 : i32
    %c0_i32_0 = arith.constant 0 : i32
    return %c0_i32 : i32
  }
  func.func @transform_5(%arg0: i32) -> i32 {
    %c0_i32 = arith.constant 0 : i32
    %c0_i32_0 = arith.constant 0 : i32
    return %c0_i32 : i32
  }
  func.func @transform_6(%arg0: i32) -> (i32, i32) {
    %c0_i32 = arith.constant 0 : i32
    %c0_i32_0 = arith.constant 0 : i32
    %c0_i32_1 = arith.constant 0 : i32
    return %c0_i32, %c0_i32_0 : i32, i32
  }
  func.func @transform_7(%arg0: i32) -> i32 {
    %c0_i32 = arith.constant 0 : i32
    %c0_i32_0 = arith.constant 0 : i32
    return %c0_i32 : i32
  }
  func.func @transform_8(%arg0: i32) -> i32 {
    %c0_i32 = arith.constant 0 : i32
    %c0_i32_0 = arith.constant 0 : i32
    return %c0_i32 : i32
  }
  func.func @transform_9(%arg0: i32) -> i32 {
    %c0_i32 = arith.constant 0 : i32
    %c0_i32_0 = arith.constant 0 : i32
    return %c0_i32 : i32
  }
  func.func @transform_10(%arg0: i32) -> (i32, i32) {
    %c0_i32 = arith.constant 0 : i32
    %c0_i32_0 = arith.constant 0 : i32
    %c0_i32_1 = arith.constant 0 : i32
    return %c0_i32, %c0_i32_0 : i32, i32
  }
  func.func @transform_11(%arg0: i32) -> i32 {
    %c0_i32 = arith.constant 0 : i32
    %c0_i32_0 = arith.constant 0 : i32
    return %c0_i32 : i32
  }
  func.func @transform_12(%arg0: i32) -> i32 {
    %c0_i32 = arith.constant 0 : i32
    %c0_i32_0 = arith.constant 0 : i32
    return %c0_i32 : i32
  }
  func.func @transform_13(%arg0: i32) -> i32 {
    %c0_i32 = arith.constant 0 : i32
    %c0_i32_0 = arith.constant 0 : i32
    return %c0_i32 : i32
  }
  func.func @transform_14(%arg0: i32) -> (i32, i32) {
    %c0_i32 = arith.constant 0 : i32
    %c0_i32_0 = arith.constant 0 : i32
    %c0_i32_1 = arith.constant 0 : i32
    return %c0_i32, %c0_i32_0 : i32, i32
  }
  func.func @transform_15(%arg0: i32) -> i32 {
    %c0_i32 = arith.constant 0 : i32
    %c0_i32_0 = arith.constant 0 : i32
    return %c0_i32 : i32
  }
  func.func @transform_16(%arg0: i32) -> (i32, i32) {
    %c0_i32 = arith.constant 0 : i32
    %c0_i32_0 = arith.constant 0 : i32
    %c0_i32_1 = arith.constant 0 : i32
    return %c0_i32, %c0_i32_0 : i32, i32
  }
  func.func @transform_17(%arg0: i32) -> (i32, i32) {
    %c0_i32 = arith.constant 0 : i32
    %c0_i32_0 = arith.constant 0 : i32
    return %arg0, %c0_i32 : i32, i32
  }
}

</mosaic_0001>

<sc_bundles>
// kernel: kernel.12.cloned.1.call-start
scs
__scs_entry_jumppad:
0x0: {  	(pc) =	sbr.rel $0x88, $3  }
0x1: {  	(tag) =	ssettag $0x0;
	lr =	simm.s32 $0x1  }
0x2: {  	[smem:$0x3F8B] =	sst lr;
	_ =	strace $0xD0000000  }
0x3: {  	_ = 	snop  }
0x4: {  	_ = 	snop  }
0x5: {  	_ = 	snop  }
0x6: {  	_ = 	snop  }
0x7: {  	_ = 	snop  }
__scs_overlays_trampoline_lowered:
0x8: {  	[smem:$0x3F9A] =	sst s0  }
0x9: {  	[smem:$0x3F9B] =	sst s1  }
0xa: {  	[smem:$0x3F9C] =	sst s2  }
0xb: {  	[smem:$0x3F9D] =	sst s3  }
0xc: {  	[smem:$0x3F9E] =	sst s4  }
0xd: {  	[smem:$0x3F9F] =	sst s5  }
0xe: {  	[smem:$0x3FA0] =	sst s6  }
0xf: {  	[smem:$0x3FA1] =	sst s7  }
0x10: {  	[smem:$0x3FA2] =	sst s8  }
0x11: {  	[smem:$0x3FA3] =	sst s9;
	s0 =	simm.s32 @!p0 $0x0  }
0x12: {  	s1 =	sld [smem:$0x3F89];
	s0 =	simm.s32 @p0 $0x1  }
0x13: {  	[smem:$0x3FA4] =	sst s0;
	s0 =	simm.s32 @!p1 $0x0  }
0x14: {  	s2 =	sld [smem:$0x3F88];
	s0 =	simm.s32 @p1 $0x1  }
0x15: {  	[smem:$0x3FA5] =	sst s0;
	s0 =	simm.s32 @!p2 $0x0  }
0x16: {  	s3 =	sld [smem:$0x3FDB];
	s0 =	simm.s32 @p2 $0x1  }
0x17: {  	s4 =	simm.s32 $0x1BF5;
	[smem:$0x3FA7] =	sst s0  }
0x18: {  	s0 =	sld [smem:$0x3F8A];
	_ =	swait.ge [sflag:s4], $0x0  }
0x19: {  	s7 =	sld [smem:$0x3F8B]  }
0x1a: {  	s8 =	sadd.s32 $0xFFFFE003, lr  }
0x1b: {  	s9 =	sadd.s32 $0xFFFFFEF7, lr;
	s5 =	simm.s32 $0xFFFFFFFF;
	p2 =	slt.u32 s8, $0xFFFFF086  }
0x1c: {  	p1 =	slt.u32 s9, $0xF7A;
	s5 =	simm.s32 @!p2 $0x0  }
0x1d: {  	s5 =	simm.s32 @p1 $0x1;
	p0 =	seq.s32 s7, s2  }
0x1e: {  	s7 =	smul.u32 @!p0 $0xF7A, s2;
	p2 =	seq.s32 @!p0 s5, $0x0  }
0x1f: {  	s9 =	smul.u32 $0xF7A, s1;
	s8 =	simm.s32 @!p0 $0x1BF5;
	p2 =	por !p2, p0  }
0x20: {  	[sflag:s8] =	ssyncset.s32 @!p0 $0xFFFFF086;
	s6 =	sadd.s32 @!p0 s3, s7;
	s7 =	simm.s32 @!p0 $0x108  }
0x21: {  	s3 =	sadd.s32 s3, s9;
	s6 =	sadd.s32 @!p0 $0x88, s6;
	s7 =	simm.s32 @p2 $0x1082  }
0x22: {  	[simem:s7], [sflag:s8] =	dma.local @!p0 [hbm:s6], $0xF7A  }
0x23: {  	s9 =	sor.u32 $0xD0000000, s2;
	s6 =	simm.s32 $0x108;
	_ =	swait.ge @!p0 [sflag:s8], $0x0  }
0x24: {  	s3 =	sadd.s32 $0x88, s3;
	s6 =	simm.s32 @!p1 $0x1082;
	[sflag:s4] =	ssyncset.s32 $0xFFFFF086  }
0x25: {  	[simem:s6], [sflag:s4] =	dma.local [hbm:s3], $0xF7A  }
0x26: {  	[smem:$0x3F8B] =	sst s1;
	(tag) =	ssettag s2;
	_ =	strace s9  }
0x27: {  	s1 =	sld [smem:$0x3F9B]  }
0x28: {  	s2 =	sld [smem:$0x3F9C]  }
0x29: {  	s4 =	sld [smem:$0x3F9E]  }
0x2a: {  	p0 =	seq.s32 s5, $0x0;
	s5 =	sld [smem:$0x3F9F]  }
0x2b: {  	s6 =	sld [smem:$0x3FA0]  }
0x2c: {  	s7 =	sld [smem:$0x3FA1]  }
0x2d: {  	s3 =	simm.s32 $0x108;
	s8 =	sld [smem:$0x3FA2]  }
0x2e: {  	s3 =	simm.s32 @!p0 $0x1082;
	s9 =	sld [smem:$0x3FA3]  }
0x2f: {  	lr =	sadd.s32 s0, s3;
	s0 =	sld [smem:$0x3F9A]  }
0x30: {  	s3 =	sld [smem:$0x3F9D]  }
0x31: {  	[smem:$0x3FA6] =	sst s10  }
0x32: {  	s10 =	sld [smem:$0x3FA4];
	_ =	sdelay $0x3  }
0x33: {  	p0 =	seq.s32 s10, $0x1;
	s10 =	sld [smem:$0x3FA6];
	_ =	sdelay $0x3  }
0x34: {  	[smem:$0x3FA6] =	sst s10  }
0x35: {  	s10 =	sld [smem:$0x3FA5];
	_ =	sdelay $0x3  }
0x36: {  	p1 =	seq.s32 s10, $0x1;
	s10 =	sld [smem:$0x3FA6];
	_ =	sdelay $0x3  }
0x37: {  	[smem:$0x3FA6] =	sst s10  }
0x38: {  	s10 =	sld [smem:$0x3FA7]  }
0x39: {  	_ = 	snop;
	(pc) =	sbr.ind lr, $3  }
0x3a: {  	_ = 	snop  }
0x3b: {  	_ = 	snop  }
0x3c: {  	p2 =	seq.s32 s10, $0x1;
	s10 =	sld [smem:$0x3FA6]  }
0x3d: {  	_ =	shalt  }
0x3e: {  	_ =	shalt  }
0x3f: {  	_ =	shalt  }
0x40: {  	_ =	shalt  }
0x41: {  	_ =	shalt  }
0x42: {  	_ =	shalt  }
0x43: {  	_ =	shalt  }
0x44: {  	_ =	shalt  }
0x45: {  	_ =	shalt  }
0x46: {  	_ =	shalt  }
0x47: {  	_ =	shalt  }
0x48: {  	_ =	shalt  }
0x49: {  	_ =	shalt  }
0x4a: {  	_ =	shalt  }
0x4b: {  	_ =	shalt  }
0x4c: {  	_ =	shalt  }
0x4d: {  	_ =	shalt  }
0x4e: {  	_ =	shalt  }
0x4f: {  	_ =	shalt  }
0x50: {  	_ =	shalt  }
0x51: {  	_ =	shalt  }
0x52: {  	_ =	shalt  }
0x53: {  	_ =	shalt  }
0x54: {  	_ =	shalt  }
0x55: {  	_ =	shalt  }
0x56: {  	_ =	shalt  }
0x57: {  	_ =	shalt  }
0x58: {  	_ =	shalt  }
0x59: {  	_ =	shalt  }
0x5a: {  	_ =	shalt  }
0x5b: {  	_ =	shalt  }
0x5c: {  	_ =	shalt  }
0x5d: {  	_ =	shalt  }
0x5e: {  	_ =	shalt  }
0x5f: {  	_ =	shalt  }
0x60: {  	_ =	shalt  }
0x61: {  	_ =	shalt  }
0x62: {  	_ =	shalt  }
0x63: {  	_ =	shalt  }
0x64: {  	_ =	shalt  }
0x65: {  	_ =	shalt  }
0x66: {  	_ =	shalt  }
0x67: {  	_ =	shalt  }
0x68: {  	_ =	shalt  }
0x69: {  	_ =	shalt  }
0x6a: {  	_ =	shalt  }
0x6b: {  	_ =	shalt  }
0x6c: {  	_ =	shalt  }
0x6d: {  	_ =	shalt  }
0x6e: {  	_ =	shalt  }
0x6f: {  	_ =	shalt  }
0x70: {  	_ =	shalt  }
0x71: {  	_ =	shalt  }
0x72: {  	_ =	shalt  }
0x73: {  	_ =	shalt  }
0x74: {  	_ =	shalt  }
0x75: {  	_ =	shalt  }
0x76: {  	_ =	shalt  }
0x77: {  	_ =	shalt  }
0x78: {  	_ =	shalt  }
0x79: {  	_ =	shalt  }
0x7a: {  	_ =	shalt  }
0x7b: {  	_ =	shalt  }
0x7c: {  	_ =	shalt  }
0x7d: {  	_ =	shalt  }
0x7e: {  	_ =	shalt  }
0x7f: {  	_ =	shalt  }
0x80: {  	_ =	shalt  }
0x81: {  	_ =	shalt  }
0x82: {  	_ =	shalt  }
0x83: {  	_ =	shalt  }
0x84: {  	_ =	shalt  }
0x85: {  	_ =	shalt  }
0x86: {  	_ =	shalt  }
0x87: {  	_ =	shalt  }
.Lfunc_end0:
.L_simem_size_0:
called_computation.1_lowered:
.L_overlay_start_0:
0x88: {  	s2 =	sld [smem:$0x3FD9]  }
0x89: {  	s3 =	sld [smem:$0x3FFE];
	_ =	sdelay $0x1  }
0x8a: {  	s1 =	srdreg.scid  }
0x8b: {  	s0 =	sand.u32 $0x1, s1  }
0x8c: {  	s16 =	sshll.u32 s0, $0xA;
	s2 =	sadd.s32 s3, s2  }
0x8d: {  	s2 =	sadd.s32 s2, s16  }
0x8e: {  	[smem:$0x3FB2] =	sst s2  }
0x8f: {  	_ = 	snop  }
0x90: {  	(tm) =	ssettm $0x1  }
0x91: {  	s17 =	sld [smem:$0x3FFB];
	_ =	sdelay $0x3  }
0x92: {  	_ =	strace s17  }
0x93: {  	s2 =	sld [smem:$0x3FFC];
	_ =	sdelay $0x3  }
0x94: {  	_ =	strace s2  }
0x95: {  	s2 =	sld [smem:$0x3FFD];
	_ =	sdelay $0x3  }
0x96: {  	_ =	strace s2  }
0x97: {  	_ =	strace $0x8FFFFFFF  }
0x98: {  	s18 =	sld [smem:$0x3FDB];
	_ =	sdelay $0x1  }
0x99: {  	s19 =	simm.s32 $_scs_section_size  }
0x9a: {  	s4 =	simm.s32 $_size__tile_overlayer_lowered;
	s5 =	simm.s32 $_tile_overlayer_lowered  }
0x9b: {  	s22 =	simm.s32 $0x1BFF;
	s21 =	sshll.u32 s5, $0x1;
	s2 =	sadd.s32 s19, s18  }
0x9c: {  	s6 =	simm.s32 $0x0;
	s20 =	sshll.u32 s4, $0x1;
	s4 =	sadd.s32 s21, s2  }
0x9d: {  	[timem:s6], [sflag:s22] =	dma.local [hbm:s4], s20  }
0x9e: {  	_ =	swait.ge [sflag:s22], s20  }
0x9f: {  	s3 =	ssub.s32 $0x0, s20;
	[sflag:s22] =	ssyncset.done $0x0  }
0xa0: {  	[sflag:s22] =	ssyncadd.s32 s3;
	_ =	sdelay $0x1  }
0xa1: {  	s23 =	simm.s32 $0x1B8B  }
0xa2: {  	_ =	swait.ge [sflag:s23], $0x1  }
0xa3: {  	[sflag:s23] =	ssyncset.done $0x0  }
0xa4: {  	s25 =	simm.s32 $0x1B8E;
	s24 =	sld [smem:$0x3FFE];
	[sflag:s23] =	ssyncadd.s32 $0xFFFFFFFF  }
0xa5: {  	s26 =	simm.s32 $execute0_lowered;
	[smem:$0x3FD2] =	sst s25  }
0xa6: {  	s4 =	sshll.u32 s26, $0x1;
	_ =	strace $0x80000046;
	[dreg:$0x1] =	wrdreg $0xFFFFFFFF  }
0xa7: {  	s28 =	simm.s32 $_size_execute0_lowered;
	s2 =	sadd.s32 s2, s4;
	[dreg:$0x0] =	wrdreg $0x0  }
0xa8: {  	s4 =	sshll.u32 s28, $0x1;
	[dreg:$0x2] =	wrdreg s2  }
0xa9: {  	[dreg:$0x3] =	wrdreg s4  }
0xaa: {  	[dreg:$0x4] =	wrdreg $0xC0  }
0xab: {  	_ =	task [dreg:s6], $0x5FFFF  }
0xac: {  	[dreg:$0x1] =	wrdreg $0xFFFFFFFF  }
0xad: {  	[dreg:$0x0] =	wrdreg $0x60  }
0xae: {  	[dreg:$0x2] =	wrdreg s24  }
0xaf: {  	[dreg:$0x3] =	wrdreg $0xA  }
0xb0: {  	_ =	task.clear_ibuf [dreg:s6], $0x4FFFF;
	_ =	strace $0x90000046  }
0xb1: {  	s29 =	simm.s32 $0xA;
	_ =	strace $0x80000048  }
0xb2: {  	_ =	swait.ge [sflag:s29], $0x1  }
0xb3: {  	[sflag:s29] =	ssyncadd.s32 $0xFFFFFFFF  }
0xb4: {  	_ =	strace $0x90000048  }
0xb5: {  	_ =	sfence  }
0xb6: {  	s30 =	sld [smem:$0x0];
	_ =	sdelay $0x2  }
0xb7: {  	s31 =	sshll.u32 s1, $0xD;
	s1 =	sshrl.u32 s1, $0x2  }
0xb8: {  	s3 =	sand.u32 $0x4000, s31;
	s1 =	sadd.s32 s1, s30  }
0xb9: {  	s0 =	sor.u32 s3, s0;
	s1 =	sshll.u32 s1, $0x11  }
0xba: {  	s0 =	sor.u32 s1, s0  }
0xbb: {  	s0 =	sadd.s32 $0x8F2B, s0  }
0xbc: {  	[sflag:s0] =	ssyncadd.remote.s32 $0x1  }
0xbd: {  	_ =	sfence.sel $0xFFFF  }
0xbe: {  	[dreg:$0x0] =	wrdreg $0xFFFFFFFF;
	(pc) =	sbr.abs _section_cstart, $3  }
0xbf: {  	[dreg:$0x1] =	wrdreg $0xFFFFFFFF  }
0xc0: {  	_ =	task.clear_ibuf [dreg:s6], $0x2FFFF;
	_ =	strace $0x9FFFFFFF  }
0xc1: {  	(tm) =	ssettm $0x7FFFFFFF  }
tec
execute0_lowered:
.L_overlay_start_1:
0x0: {  	(tag) =	ssettag $0x1  }
0x1: {  	s0 =	srdreg.scid;
	s6 =	stileid.u32  }
0x2: {  	s1 =	sand.u32 $0x1, s0;
	s2 =	smul.u32 $0x1400, s6  }
0x3: {  	s3 =	smul.u32 $0xA00, s1;
	_ =	sdelay $0x1  }
0x4: {  	s0 =	rddreg [dreg:$0x0];
	s2 =	sadd.s32 s3, s2  }
0x5: {  	s3 =	sshrl.u32 s2, $0x3;
	s4 =	sor.u32 $0x80, s2;
	s2 =	simm.s32 $0x0  }
0x6: {  	s24 =	simm.s32 $0x1200;
	[smem:$0x7FF] =	sst s2  }
0x7: {  	s25 =	simm.s32 $0x1600;
	_ =	strace $0x80000047;
	[dreg:$0x4] =	wrdreg s24  }
0x8: {  	s26 =	simm.s32 $0x1E00;
	[dreg:$0x5] =	wrdreg s25  }
0x9: {  	s7 =	simm.s32 $0x2E00;
	[dreg:$0x6] =	wrdreg s26  }
0xa: {  	s8 =	simm.s32 $0x3600;
	[dreg:$0x9] =	wrdreg s7  }
0xb: {  	s9 =	simm.s32 $0x3A00;
	[dreg:$0xa] =	wrdreg s8  }
0xc: {  	s10 =	simm.s32 $0x4200;
	[dreg:$0xb] =	wrdreg s9  }
0xd: {  	s11 =	simm.s32 $0x4600;
	[dreg:$0xc] =	wrdreg s10  }
0xe: {  	s12 =	simm.s32 $0x4E00;
	[dreg:$0xd] =	wrdreg s11  }
0xf: {  	s13 =	simm.s32 $0x5200;
	[dreg:$0xe] =	wrdreg s12  }
0x10: {  	s14 =	simm.s32 $0x5A00;
	[dreg:$0xf] =	wrdreg s13  }
0x11: {  	s15 =	simm.s32 $0x5E00;
	[dreg:$0x10] =	wrdreg s14  }
0x12: {  	s16 =	simm.s32 $0x6600;
	[dreg:$0x11] =	wrdreg s15  }
0x13: {  	s17 =	simm.s32 $0x6A00;
	[dreg:$0x12] =	wrdreg s16  }
0x14: {  	s18 =	simm.s32 $0x7200;
	[dreg:$0x13] =	wrdreg s17  }
0x15: {  	s19 =	simm.s32 $0x7600;
	[dreg:$0x14] =	wrdreg s18  }
0x16: {  	s20 =	simm.s32 $0x7E00;
	[dreg:$0x15] =	wrdreg s19  }
0x17: {  	s21 =	simm.s32 $0x8200;
	[dreg:$0x16] =	wrdreg s20  }
0x18: {  	s22 =	simm.s32 $0x8A00;
	[dreg:$0x17] =	wrdreg s21  }
0x19: {  	[dreg:$0x18] =	wrdreg s22;
	s24 =	simm.s32 $0x9600  }
0x1a: {  	s25 =	simm.s32 $0x9A00;
	[dreg:$0x1a] =	wrdreg s24  }
0x1b: {  	s26 =	simm.s32 $0xA200;
	[dreg:$0x1b] =	wrdreg s25  }
0x1c: {  	s7 =	simm.s32 $0xB200;
	[dreg:$0x1c] =	wrdreg s26  }
0x1d: {  	s8 =	simm.s32 $0xBA00;
	[dreg:$0x1f] =	wrdreg s7  }
0x1e: {  	s9 =	simm.s32 $0xBE00;
	[smem:$0x7EB] =	sst s8  }
0x1f: {  	s10 =	simm.s32 $0xC600;
	[smem:$0x7EC] =	sst s9  }
0x20: {  	s12 =	simm.s32 $0xD200;
	[smem:$0x7ED] =	sst s10  }
0x21: {  	s13 =	simm.s32 $0xD600;
	[smem:$0x7EE] =	sst s12  }
0x22: {  	s28 =	simm.s32 $0x1;
	s14 =	simm.s32 $0xDE00;
	[smem:$0x7EF] =	sst s13  }
0x23: {  	s29 =	simm.s32 $0x2;
	s15 =	simm.s32 $0xE200;
	[smem:$0x7F0] =	sst s14  }
0x24: {  	s30 =	simm.s32 $0x3;
	s16 =	simm.s32 $0xEA00;
	[smem:$0x7F1] =	sst s15  }
0x25: {  	s31 =	simm.s32 $0x4;
	s17 =	simm.s32 $0xEE00;
	[smem:$0x7F2] =	sst s16  }
0x26: {  	s5 =	sadd.s32 $0xA6600, s0;
	s18 =	simm.s32 $0xF600;
	[smem:$0x7F3] =	sst s17  }
0x27: {  	s3 =	smul.u32 $0x180, s3;
	s20 =	simm.s32 $0xFA00;
	[smem:$0x7F4] =	sst s18  }
0x28: {  	s4 =	sshrl.u32 s4, $0x3;
	s21 =	simm.s32 $0x10200;
	[smem:$0x7F5] =	sst s20  }
0x29: {  	s4 =	smul.u32 $0x180, s4;
	s22 =	simm.s32 $0x10600;
	[smem:$0x7F7] =	sst s21  }
0x2a: {  	s11 =	sshll.u32 s6, $0x1;
	s3 =	sadd.s32 s3, s5;
	[smem:$0x7F8] =	sst s22  }
0x2b: {  	s24 =	simm.s32 $0x11200;
	s25 =	simm.s32 $0x11A00;
	s8 =	simm.s32 $0xA00  }
0x2c: {  	s26 =	simm.s32 $0x11E00;
	s9 =	simm.s32 $0xCA00;
	s10 =	simm.s32 $0x12600  }
0x2d: {  	s12 =	simm.s32 $0x13200;
	s13 =	simm.s32 $0x13600;
	s14 =	simm.s32 $0x13E00  }
0x2e: {  	s15 =	simm.s32 $0x14200;
	s16 =	simm.s32 $0x14A00;
	[dreg:$0x2] =	wrdreg s3  }
0x2f: {  	s17 =	simm.s32 $0x14E00;
	s18 =	simm.s32 $0x15600;
	[smem:$0x7FB] =	sst s24  }
0x30: {  	s20 =	simm.s32 $0x16200;
	s21 =	simm.s32 $0x16600;
	[smem:$0x7FC] =	sst s25  }
0x31: {  	s22 =	simm.s32 $0x16E00;
	s23 =	sadd.s32 s4, s5;
	[smem:$0x7FD] =	sst s26  }
0x32: {  	s4 =	simm.s32 $0x2200;
	s5 =	simm.s32 $0x2A00;
	[dreg:$0x3] =	wrdreg s23  }
0x33: {  	s3 =	sadd.s32 $0xA000, s0;
	s24 =	simm.s32 $0x17A00;
	[dreg:$0x7] =	wrdreg s4  }
0x34: {  	s25 =	simm.s32 $0x17E00;
	[dreg:$0x8] =	wrdreg s5;
	s23 =	simm.s32 $0x8E00  }
0x35: {  	s26 =	simm.s32 $0x18600;
	s4 =	simm.s32 $0xA600;
	[dreg:$0x19] =	wrdreg s23  }
0x36: {  	s5 =	simm.s32 $0xAE00;
	[dreg:$0x1d] =	wrdreg s4;
	s4 =	sor.u32 s1, s11  }
0x37: {  	[dreg:$0x1e] =	wrdreg s5;
	s1 =	ssub.s32 $0x2, s1;
	s4 =	smul.u32 $0xA00, s4  }
0x38: {  	s5 =	sadd.s32 $0xA100, s0;
	s23 =	simm.s32 $0x10E00;
	s19 =	sshrl.u32 s1, $0x1  }
0x39: {  	s11 =	simm.s32 $0x12A00;
	s1 =	ssub.s32 s1, s19;
	s4 =	sshrl.u32 s4, $0x3  }
0x3a: {  	v2 =	vlaneseq.u32;
	[smem:$0x7FA] =	sst s23;
	s1 =	smax.u32 s1, $0x1;
	s4 =	sadd.s32 s4, s0  }
0x3b: {  	vm0 =	vmmov $0xffff;
	vm1 =	vmmov $0xff;
	v1 =	vshrl.u32 v2, $0x3;
	s23 =	simm.s32 $0x17200;
	[smem:$0x7F9] =	sst s1;
	s4 =	sadd.s32 $0x7800, s4  }
0x3c: {  	v0 =	vand.u32 $0x7, v2;
	v2 =	vor.u32 $0x8, v2;
	v1 =	vmul.u32 $0x8, v1;
	s19 =	simm.s32 $0x15A00;
	s1 =	simm.s32 $0x0;
	[smem:$0x7F6] =	sst s4  }
.LBB2_1:
0x3d: {  	s0 =	sld [smem:$0x7F6];
	_ =	sdelay $0x1  }
0x3e: {  	s7 =	simm.s32 $0x5  }
0x3f: {  	[tilespmem:s2], [sflag:$0x5] =	stream.linear.gather [hbm4b:s0+s2], $0xA00, $0x38;
	[tilespmem:$0x18A00] =	vst v63  }
0x40: {  	_ =	swait.ge [sflag:s7], $0xA00  }
0x41: {  	[sflag:s7] =	ssyncset.done $0x0  }
0x42: {  	s4 =	simm.s32 $0x0;
	s0 =	simm.s32 $0x80;
	[sflag:s7] =	ssyncadd.s32 $0xFFFFF600  }
.LBB2_2:
0x43: {  	p0 =	seq.s32 s4, $0x0  }
0x44: {  	s6 =	simm.s32 @!p0 $0x3  }
0x45: {  	_ =	swait.ge @!p0 [sflag:s6], $0xC000  }
0x46: {  	[sflag:s6] =	ssyncset.done @!p0 $0x0  }
0x47: {  	[sflag:s6] =	ssyncadd.s32 @!p0 $0xFFFF4000  }
0x48: {  	v3 =	vld [tilespmem:s0+$0xFFFFFF80];
	_ =	sdelay $0x4  }
0x49: {  	v4 =	vshrl.u32 v3, $0x3  }
0x4a: {  	v4 =	vmul.u32 $0x18, v4  }
0x4b: {  	v3 =	vand.u32 $0x7, v3  }
0x4c: {  	v3 =	vor.u32 v3, v4  }
0x4d: {  	v4 =	vperm.xlane v3, v0;
	_ =	sdelay $0x1  }
0x4e: {  	v4 =	vadd.s32 v1, v4;
	_ =	sdelay $0x1  }
0x4f: {  	v3 =	vperm.xlane v3, v2;
	_ =	sdelay $0x1  }
0x50: {  	v3 =	vadd.s32 v1, v3  }
0x51: {  	[tilespmem:s8], [sflag:$0x1] =	stream.indirect_vreg.gather [hbm4b:s3+s2], $0x80, v4, vm0, $0xb8;
	[tilespmem:$0x18A00] =	vst v63  }
0x52: {  	s6 =	rddreg [dreg:$0x4]  }
0x53: {  	[tilespmem:s6], [sflag:$0x1] =	stream.indirect_vreg.gather [hbm4b:s5+s2], $0x80, v4, vm1, $0xb8;
	[tilespmem:$0x18A00] =	vst v63  }
0x54: {  	s7 =	rddreg [dreg:$0x5]  }
0x55: {  	[tilespmem:s7], [sflag:$0x1] =	stream.indirect_vreg.gather [hbm4b:s3+s2], $0x80, v3, vm0, $0xb8;
	[tilespmem:$0x18A00] =	vst v63  }
0x56: {  	s6 =	rddreg [dreg:$0x6]  }
0x57: {  	[tilespmem:s6], [sflag:$0x1] =	stream.indirect_vreg.gather [hbm4b:s5+s2], $0x80, v3, vm1, $0xb8;
	[tilespmem:$0x18A00] =	vst v63  }
0x58: {  	v3 =	vld [tilespmem:s0+$0xFFFFFF90];
	_ =	sdelay $0x4  }
0x59: {  	v49 =	vshrl.u32 v3, $0x3  }
0x5a: {  	v4 =	vmul.u32 $0x18, v49  }
0x5b: {  	v3 =	vand.u32 $0x7, v3  }
0x5c: {  	v3 =	vor.u32 v3, v4  }
0x5d: {  	v4 =	vperm.xlane v3, v0;
	_ =	sdelay $0x1  }
0x5e: {  	v4 =	vadd.s32 v1, v4;
	_ =	sdelay $0x1  }
0x5f: {  	v3 =	vperm.xlane v3, v2;
	_ =	sdelay $0x1  }
0x60: {  	s6 =	rddreg [dreg:$0x7];
	v3 =	vadd.s32 v1, v3  }
0x61: {  	[tilespmem:s6], [sflag:$0x1] =	stream.indirect_vreg.gather [hbm4b:s3+s2], $0x80, v4, vm0, $0xb8;
	[tilespmem:$0x18A00] =	vst v63  }
0x62: {  	s7 =	rddreg [dreg:$0x8]  }
0x63: {  	[tilespmem:s7], [sflag:$0x1] =	stream.indirect_vreg.gather [hbm4b:s5+s2], $0x80, v4, vm1, $0xb8;
	[tilespmem:$0x18A00] =	vst v63  }
0x64: {  	s6 =	rddreg [dreg:$0x9]  }
0x65: {  	[tilespmem:s6], [sflag:$0x1] =	stream.indirect_vreg.gather [hbm4b:s3+s2], $0x80, v3, vm0, $0xb8;
	[tilespmem:$0x18A00] =	vst v63  }
0x66: {  	s7 =	rddreg [dreg:$0xa]  }
0x67: {  	[tilespmem:s7], [sflag:$0x1] =	stream.indirect_vreg.gather [hbm4b:s5+s2], $0x80, v3, vm1, $0xb8;
	[tilespmem:$0x18A00] =	vst v63  }
0x68: {  	v3 =	vld [tilespmem:s0+$0xFFFFFFA0];
	_ =	sdelay $0x4  }
0x69: {  	v50 =	vshrl.u32 v3, $0x3  }
0x6a: {  	v4 =	vmul.u32 $0x18, v50  }
0x6b: {  	v3 =	vand.u32 $0x7, v3  }
0x6c: {  	v3 =	vor.u32 v3, v4  }
0x6d: {  	v4 =	vperm.xlane v3, v0;
	_ =	sdelay $0x1  }
0x6e: {  	v4 =	vadd.s32 v1, v4;
	_ =	sdelay $0x1  }
0x6f: {  	v3 =	vperm.xlane v3, v2;
	_ =	sdelay $0x1  }
0x70: {  	s6 =	rddreg [dreg:$0xb];
	v3 =	vadd.s32 v1, v3  }
0x71: {  	[tilespmem:s6], [sflag:$0x1] =	stream.indirect_vreg.gather [hbm4b:s3+s2], $0x80, v4, vm0, $0xb8;
	[tilespmem:$0x18A00] =	vst v63  }
0x72: {  	s7 =	rddreg [dreg:$0xc]  }
0x73: {  	[tilespmem:s7], [sflag:$0x1] =	stream.indirect_vreg.gather [hbm4b:s5+s2], $0x80, v4, vm1, $0xb8;
	[tilespmem:$0x18A00] =	vst v63  }
0x74: {  	s6 =	rddreg [dreg:$0xd]  }
0x75: {  	[tilespmem:s6], [sflag:$0x1] =	stream.indirect_vreg.gather [hbm4b:s3+s2], $0x80, v3, vm0, $0xb8;
	[tilespmem:$0x18A00] =	vst v63  }
0x76: {  	s7 =	rddreg [dreg:$0xe]  }
0x77: {  	[tilespmem:s7], [sflag:$0x1] =	stream.indirect_vreg.gather [hbm4b:s5+s2], $0x80, v3, vm1, $0xb8;
	[tilespmem:$0x18A00] =	vst v63  }
0x78: {  	v3 =	vld [tilespmem:s0+$0xFFFFFFB0];
	_ =	sdelay $0x4  }
0x79: {  	v51 =	vshrl.u32 v3, $0x3  }
0x7a: {  	v4 =	vmul.u32 $0x18, v51  }
0x7b: {  	v3 =	vand.u32 $0x7, v3  }
0x7c: {  	v3 =	vor.u32 v3, v4  }
0x7d: {  	v4 =	vperm.xlane v3, v0;
	_ =	sdelay $0x1  }
0x7e: {  	v4 =	vadd.s32 v1, v4;
	_ =	sdelay $0x1  }
0x7f: {  	v3 =	vperm.xlane v3, v2;
	_ =	sdelay $0x1  }
0x80: {  	s6 =	rddreg [dreg:$0xf];
	v3 =	vadd.s32 v1, v3  }
0x81: {  	[tilespmem:s6], [sflag:$0x1] =	stream.indirect_vreg.gather [hbm4b:s3+s2], $0x80, v4, vm0, $0xb8;
	[tilespmem:$0x18A00] =	vst v63  }
0x82: {  	s7 =	rddreg [dreg:$0x10]  }
0x83: {  	[tilespmem:s7], [sflag:$0x1] =	stream.indirect_vreg.gather [hbm4b:s5+s2], $0x80, v4, vm1, $0xb8;
	[tilespmem:$0x18A00] =	vst v63  }
0x84: {  	s6 =	rddreg [dreg:$0x11]  }
0x85: {  	[tilespmem:s6], [sflag:$0x1] =	stream.indirect_vreg.gather [hbm4b:s3+s2], $0x80, v3, vm0, $0xb8;
	[tilespmem:$0x18A00] =	vst v63  }
0x86: {  	s7 =	rddreg [dreg:$0x12]  }
0x87: {  	[tilespmem:s7], [sflag:$0x1] =	stream.indirect_vreg.gather [hbm4b:s5+s2], $0x80, v3, vm1, $0xb8;
	[tilespmem:$0x18A00] =	vst v63  }
0x88: {  	v3 =	vld [tilespmem:s0+$0xFFFFFFC0];
	_ =	sdelay $0x4  }
0x89: {  	v52 =	vshrl.u32 v3, $0x3  }
0x8a: {  	v4 =	vmul.u32 $0x18, v52  }
0x8b: {  	v3 =	vand.u32 $0x7, v3  }
0x8c: {  	v3 =	vor.u32 v3, v4  }
0x8d: {  	v4 =	vperm.xlane v3, v0;
	_ =	sdelay $0x1  }
0x8e: {  	v4 =	vadd.s32 v1, v4;
	_ =	sdelay $0x1  }
0x8f: {  	v3 =	vperm.xlane v3, v2;
	_ =	sdelay $0x1  }
0x90: {  	s6 =	rddreg [dreg:$0x13];
	v3 =	vadd.s32 v1, v3  }
0x91: {  	[tilespmem:s6], [sflag:$0x1] =	stream.indirect_vreg.gather [hbm4b:s3+s2], $0x80, v4, vm0, $0xb8;
	[tilespmem:$0x18A00] =	vst v63  }
0x92: {  	s7 =	rddreg [dreg:$0x14]  }
0x93: {  	[tilespmem:s7], [sflag:$0x1] =	stream.indirect_vreg.gather [hbm4b:s5+s2], $0x80, v4, vm1, $0xb8;
	[tilespmem:$0x18A00] =	vst v63  }
0x94: {  	s6 =	rddreg [dreg:$0x15]  }
0x95: {  	[tilespmem:s6], [sflag:$0x1] =	stream.indirect_vreg.gather [hbm4b:s3+s2], $0x80, v3, vm0, $0xb8;
	[tilespmem:$0x18A00] =	vst v63  }
0x96: {  	s7 =	rddreg [dreg:$0x16]  }
0x97: {  	[tilespmem:s7], [sflag:$0x1] =	stream.indirect_vreg.gather [hbm4b:s5+s2], $0x80, v3, vm1, $0xb8;
	[tilespmem:$0x18A00] =	vst v63  }
0x98: {  	v3 =	vld [tilespmem:s0+$0xFFFFFFD0];
	_ =	sdelay $0x4  }
0x99: {  	v53 =	vshrl.u32 v3, $0x3  }
0x9a: {  	v4 =	vmul.u32 $0x18, v53  }
0x9b: {  	v3 =	vand.u32 $0x7, v3  }
0x9c: {  	v3 =	vor.u32 v3, v4  }
0x9d: {  	v4 =	vperm.xlane v3, v0;
	_ =	sdelay $0x1  }
0x9e: {  	v4 =	vadd.s32 v1, v4;
	_ =	sdelay $0x1  }
0x9f: {  	v3 =	vperm.xlane v3, v2;
	_ =	sdelay $0x1  }
0xa0: {  	s6 =	rddreg [dreg:$0x17];
	v3 =	vadd.s32 v1, v3  }
0xa1: {  	[tilespmem:s6], [sflag:$0x1] =	stream.indirect_vreg.gather [hbm4b:s3+s2], $0x80, v4, vm0, $0xb8;
	[tilespmem:$0x18A00] =	vst v63  }
0xa2: {  	s7 =	rddreg [dreg:$0x18]  }
0xa3: {  	[tilespmem:s7], [sflag:$0x1] =	stream.indirect_vreg.gather [hbm4b:s5+s2], $0x80, v4, vm1, $0xb8;
	[tilespmem:$0x18A00] =	vst v63  }
0xa4: {  	s6 =	rddreg [dreg:$0x19]  }
0xa5: {  	[tilespmem:s6], [sflag:$0x1] =	stream.indirect_vreg.gather [hbm4b:s3+s2], $0x80, v3, vm0, $0xb8;
	[tilespmem:$0x18A00] =	vst v63  }
0xa6: {  	s7 =	rddreg [dreg:$0x1a]  }
0xa7: {  	[tilespmem:s7], [sflag:$0x1] =	stream.indirect_vreg.gather [hbm4b:s5+s2], $0x80, v3, vm1, $0xb8;
	[tilespmem:$0x18A00] =	vst v63  }
0xa8: {  	v3 =	vld [tilespmem:s0+$0xFFFFFFE0];
	_ =	sdelay $0x4  }
0xa9: {  	v54 =	vshrl.u32 v3, $0x3  }
0xaa: {  	v4 =	vmul.u32 $0x18, v54  }
0xab: {  	v3 =	vand.u32 $0x7, v3  }
0xac: {  	v3 =	vor.u32 v3, v4  }
0xad: {  	v4 =	vperm.xlane v3, v0;
	_ =	sdelay $0x1  }
0xae: {  	v4 =	vadd.s32 v1, v4;
	_ =	sdelay $0x1  }
0xaf: {  	v3 =	vperm.xlane v3, v2;
	_ =	sdelay $0x1  }
0xb0: {  	s6 =	rddreg [dreg:$0x1b];
	v3 =	vadd.s32 v1, v3  }
0xb1: {  	[tilespmem:s6], [sflag:$0x1] =	stream.indirect_vreg.gather [hbm4b:s3+s2], $0x80, v4, vm0, $0xb8;
	[tilespmem:$0x18A00] =	vst v63  }
0xb2: {  	s7 =	rddreg [dreg:$0x1c]  }
0xb3: {  	[tilespmem:s7], [sflag:$0x1] =	stream.indirect_vreg.gather [hbm4b:s5+s2], $0x80, v4, vm1, $0xb8;
	[tilespmem:$0x18A00] =	vst v63  }
0xb4: {  	s6 =	rddreg [dreg:$0x1d]  }
0xb5: {  	[tilespmem:s6], [sflag:$0x1] =	stream.indirect_vreg.gather [hbm4b:s3+s2], $0x80, v3, vm0, $0xb8;
	[tilespmem:$0x18A00] =	vst v63  }
0xb6: {  	s7 =	rddreg [dreg:$0x1e]  }
0xb7: {  	[tilespmem:s7], [sflag:$0x1] =	stream.indirect_vreg.gather [hbm4b:s5+s2], $0x80, v3, vm1, $0xb8;
	[tilespmem:$0x18A00] =	vst v63  }
0xb8: {  	v3 =	vld [tilespmem:s0+$0xFFFFFFF0];
	_ =	sdelay $0x4  }
0xb9: {  	v55 =	vshrl.u32 v3, $0x3  }
0xba: {  	v4 =	vmul.u32 $0x18, v55  }
0xbb: {  	v3 =	vand.u32 $0x7, v3  }
0xbc: {  	v3 =	vor.u32 v3, v4  }
0xbd: {  	v4 =	vperm.xlane v3, v0;
	_ =	sdelay $0x1  }
0xbe: {  	v4 =	vadd.s32 v1, v4;
	_ =	sdelay $0x1  }
0xbf: {  	v3 =	vperm.xlane v3, v2  }
0xc0: {  	s6 =	rddreg [dreg:$0x1f]  }
0xc1: {  	s7 =	sld [smem:$0x7EB];
	v3 =	vadd.s32 v1, v3  }
0xc2: {  	[tilespmem:s6], [sflag:$0x1] =	stream.indirect_vreg.gather [hbm4b:s3+s2], $0x80, v4, vm0, $0xb8;
	[tilespmem:$0x18A00] =	vst v63  }
0xc3: {  	s6 =	sld [smem:$0x7EC]  }
0xc4: {  	[tilespmem:s7], [sflag:$0x1] =	stream.indirect_vreg.gather [hbm4b:s5+s2], $0x80, v4, vm1, $0xb8;
	[tilespmem:$0x18A00] =	vst v63  }
0xc5: {  	s7 =	sld [smem:$0x7ED]  }
0xc6: {  	[tilespmem:s6], [sflag:$0x1] =	stream.indirect_vreg.gather [hbm4b:s3+s2], $0x80, v3, vm0, $0xb8;
	[tilespmem:$0x18A00] =	vst v63  }
0xc7: {  	s6 =	simm.s32 @!p0 $0x4  }
0xc8: {  	[tilespmem:s7], [sflag:$0x1] =	stream.indirect_vreg.gather [hbm4b:s5+s2], $0x80, v3, vm1, $0xb8;
	[tilespmem:$0x18A00] =	vst v63  }
0xc9: {  	_ =	swait.ge @!p0 [sflag:s6], $0xC000  }
0xca: {  	[sflag:s6] =	ssyncset.done @!p0 $0x0  }
0xcb: {  	[sflag:s6] =	ssyncadd.s32 @!p0 $0xFFFF4000  }
0xcc: {  	v3 =	vld [tilespmem:s0+$0x0];
	_ =	sdelay $0x4  }
0xcd: {  	v56 =	vshrl.u32 v3, $0x3  }
0xce: {  	v4 =	vmul.u32 $0x18, v56  }
0xcf: {  	v3 =	vand.u32 $0x7, v3  }
0xd0: {  	v3 =	vor.u32 v3, v4  }
0xd1: {  	v4 =	vperm.xlane v3, v0;
	_ =	sdelay $0x1  }
0xd2: {  	v4 =	vadd.s32 v1, v4;
	_ =	sdelay $0x1  }
0xd3: {  	v3 =	vperm.xlane v3, v2;
	_ =	sdelay $0x1  }
0xd4: {  	s6 =	sld [smem:$0x7EE];
	v3 =	vadd.s32 v1, v3  }
0xd5: {  	[tilespmem:s9], [sflag:$0x2] =	stream.indirect_vreg.gather [hbm4b:s3+s2], $0x80, v4, vm0, $0xb8;
	[tilespmem:$0x18A00] =	vst v63  }
0xd6: {  	s7 =	sld [smem:$0x7EF]  }
0xd7: {  	[tilespmem:s6], [sflag:$0x2] =	stream.indirect_vreg.gather [hbm4b:s5+s2], $0x80, v4, vm1, $0xb8;
	[tilespmem:$0x18A00] =	vst v63  }
0xd8: {  	s6 =	sld [smem:$0x7F0]  }
0xd9: {  	[tilespmem:s7], [sflag:$0x2] =	stream.indirect_vreg.gather [hbm4b:s3+s2], $0x80, v3, vm0, $0xb8;
	[tilespmem:$0x18A00] =	vst v63  }
0xda: {  	_ = 	snop  }
0xdb: {  	[tilespmem:s6], [sflag:$0x2] =	stream.indirect_vreg.gather [hbm4b:s5+s2], $0x80, v3, vm1, $0xb8;
	[tilespmem:$0x18A00] =	vst v63  }
0xdc: {  	v3 =	vld [tilespmem:s0+$0x10];
	_ =	sdelay $0x4  }
0xdd: {  	v57 =	vshrl.u32 v3, $0x3  }
0xde: {  	v4 =	vmul.u32 $0x18, v57  }
0xdf: {  	v3 =	vand.u32 $0x7, v3  }
0xe0: {  	v3 =	vor.u32 v3, v4  }
0xe1: {  	v4 =	vperm.xlane v3, v0;
	_ =	sdelay $0x1  }
0xe2: {  	v4 =	vadd.s32 v1, v4;
	_ =	sdelay $0x1  }
0xe3: {  	s6 =	sld [smem:$0x7F1];
	v3 =	vperm.xlane v3, v2;
	_ =	sdelay $0x1  }
0xe4: {  	s7 =	sld [smem:$0x7F2];
	v3 =	vadd.s32 v1, v3  }
0xe5: {  	[tilespmem:s6], [sflag:$0x2] =	stream.indirect_vreg.gather [hbm4b:s3+s2], $0x80, v4, vm0, $0xb8;
	[tilespmem:$0x18A00] =	vst v63  }
0xe6: {  	s6 =	sld [smem:$0x7F3]  }
0xe7: {  	[tilespmem:s7], [sflag:$0x2] =	stream.indirect_vreg.gather [hbm4b:s5+s2], $0x80, v4, vm1, $0xb8;
	[tilespmem:$0x18A00] =	vst v63  }
0xe8: {  	s7 =	sld [smem:$0x7F4]  }
0xe9: {  	[tilespmem:s6], [sflag:$0x2] =	stream.indirect_vreg.gather [hbm4b:s3+s2], $0x80, v3, vm0, $0xb8;
	[tilespmem:$0x18A00] =	vst v63  }
0xea: {  	_ = 	snop  }
0xeb: {  	[tilespmem:s7], [sflag:$0x2] =	stream.indirect_vreg.gather [hbm4b:s5+s2], $0x80, v3, vm1, $0xb8;
	[tilespmem:$0x18A00] =	vst v63  }
0xec: {  	v3 =	vld [tilespmem:s0+$0x20];
	_ =	sdelay $0x4  }
0xed: {  	v58 =	vshrl.u32 v3, $0x3  }
0xee: {  	v4 =	vmul.u32 $0x18, v58  }
0xef: {  	v3 =	vand.u32 $0x7, v3  }
0xf0: {  	v3 =	vor.u32 v3, v4  }
0xf1: {  	v4 =	vperm.xlane v3, v0;
	_ =	sdelay $0x1  }
0xf2: {  	v4 =	vadd.s32 v1, v4;
	_ =	sdelay $0x1  }
0xf3: {  	s6 =	sld [smem:$0x7F5];
	v3 =	vperm.xlane v3, v2;
	_ =	sdelay $0x1  }
0xf4: {  	s7 =	sld [smem:$0x7F7];
	v3 =	vadd.s32 v1, v3  }
0xf5: {  	[tilespmem:s6], [sflag:$0x2] =	stream.indirect_vreg.gather [hbm4b:s3+s2], $0x80, v4, vm0, $0xb8;
	[tilespmem:$0x18A00] =	vst v63  }
0xf6: {  	s6 =	sld [smem:$0x7F8]  }
0xf7: {  	[tilespmem:s7], [sflag:$0x2] =	stream.indirect_vreg.gather [hbm4b:s5+s2], $0x80, v4, vm1, $0xb8;
	[tilespmem:$0x18A00] =	vst v63  }
0xf8: {  	s7 =	sld [smem:$0x7FA]  }
0xf9: {  	[tilespmem:s6], [sflag:$0x2] =	stream.indirect_vreg.gather [hbm4b:s3+s2], $0x80, v3, vm0, $0xb8;
	[tilespmem:$0x18A00] =	vst v63  }
0xfa: {  	_ = 	snop  }
0xfb: {  	[tilespmem:s7], [sflag:$0x2] =	stream.indirect_vreg.gather [hbm4b:s5+s2], $0x80, v3, vm1, $0xb8;
	[tilespmem:$0x18A00] =	vst v63  }
0xfc: {  	v3 =	vld [tilespmem:s0+$0x30];
	_ =	sdelay $0x4  }
0xfd: {  	v59 =	vshrl.u32 v3, $0x3  }
0xfe: {  	v4 =	vmul.u32 $0x18, v59  }
0xff: {  	v3 =	vand.u32 $0x7, v3  }
0x100: {  	v3 =	vor.u32 v3, v4  }
0x101: {  	v4 =	vperm.xlane v3, v0;
	_ =	sdelay $0x1  }
0x102: {  	v4 =	vadd.s32 v1, v4;
	_ =	sdelay $0x1  }
0x103: {  	s6 =	sld [smem:$0x7FB];
	v3 =	vperm.xlane v3, v2;
	_ =	sdelay $0x1  }
0x104: {  	s7 =	sld [smem:$0x7FC];
	v3 =	vadd.s32 v1, v3  }
0x105: {  	[tilespmem:s6], [sflag:$0x2] =	stream.indirect_vreg.gather [hbm4b:s3+s2], $0x80, v4, vm0, $0xb8;
	[tilespmem:$0x18A00] =	vst v63  }
0x106: {  	s6 =	sld [smem:$0x7FD]  }
0x107: {  	[tilespmem:s7], [sflag:$0x2] =	stream.indirect_vreg.gather [hbm4b:s5+s2], $0x80, v4, vm1, $0xb8;
	[tilespmem:$0x18A00] =	vst v63  }
0x108: {  	_ = 	snop  }
0x109: {  	[tilespmem:s6], [sflag:$0x2] =	stream.indirect_vreg.gather [hbm4b:s3+s2], $0x80, v3, vm0, $0xb8;
	[tilespmem:$0x18A00] =	vst v63  }
0x10a: {  	_ = 	snop  }
0x10b: {  	[tilespmem:s10], [sflag:$0x2] =	stream.indirect_vreg.gather [hbm4b:s5+s2], $0x80, v3, vm1, $0xb8;
	[tilespmem:$0x18A00] =	vst v63  }
0x10c: {  	v3 =	vld [tilespmem:s0+$0x40];
	_ =	sdelay $0x4  }
0x10d: {  	v60 =	vshrl.u32 v3, $0x3  }
0x10e: {  	v4 =	vmul.u32 $0x18, v60  }
0x10f: {  	v3 =	vand.u32 $0x7, v3  }
0x110: {  	v3 =	vor.u32 v3, v4  }
0x111: {  	v4 =	vperm.xlane v3, v0;
	_ =	sdelay $0x1  }
0x112: {  	v4 =	vadd.s32 v1, v4;
	_ =	sdelay $0x1  }
0x113: {  	v3 =	vperm.xlane v3, v2;
	_ =	sdelay $0x1  }
0x114: {  	v3 =	vadd.s32 v1, v3  }
0x115: {  	[tilespmem:s11], [sflag:$0x2] =	stream.indirect_vreg.gather [hbm4b:s3+s2], $0x80, v4, vm0, $0xb8;
	[tilespmem:$0x18A00] =	vst v63  }
0x116: {  	_ = 	snop  }
0x117: {  	[tilespmem:s12], [sflag:$0x2] =	stream.indirect_vreg.gather [hbm4b:s5+s2], $0x80, v4, vm1, $0xb8;
	[tilespmem:$0x18A00] =	vst v63  }
0x118: {  	_ = 	snop  }
0x119: {  	[tilespmem:s13], [sflag:$0x2] =	stream.indirect_vreg.gather [hbm4b:s3+s2], $0x80, v3, vm0, $0xb8;
	[tilespmem:$0x18A00] =	vst v63  }
0x11a: {  	_ = 	snop  }
0x11b: {  	[tilespmem:s14], [sflag:$0x2] =	stream.indirect_vreg.gather [hbm4b:s5+s2], $0x80, v3, vm1, $0xb8;
	[tilespmem:$0x18A00] =	vst v63  }
0x11c: {  	v3 =	vld [tilespmem:s0+$0x50];
	_ =	sdelay $0x4  }
0x11d: {  	v61 =	vshrl.u32 v3, $0x3  }
0x11e: {  	v4 =	vmul.u32 $0x18, v61  }
0x11f: {  	v3 =	vand.u32 $0x7, v3  }
0x120: {  	v3 =	vor.u32 v3, v4  }
0x121: {  	v4 =	vperm.xlane v3, v0;
	_ =	sdelay $0x1  }
0x122: {  	v4 =	vadd.s32 v1, v4;
	_ =	sdelay $0x1  }
0x123: {  	v3 =	vperm.xlane v3, v2;
	_ =	sdelay $0x1  }
0x124: {  	v3 =	vadd.s32 v1, v3  }
0x125: {  	[tilespmem:s15], [sflag:$0x2] =	stream.indirect_vreg.gather [hbm4b:s3+s2], $0x80, v4, vm0, $0xb8;
	[tilespmem:$0x18A00] =	vst v63  }
0x126: {  	_ = 	snop  }
0x127: {  	[tilespmem:s16], [sflag:$0x2] =	stream.indirect_vreg.gather [hbm4b:s5+s2], $0x80, v4, vm1, $0xb8;
	[tilespmem:$0x18A00] =	vst v63  }
0x128: {  	_ = 	snop  }
0x129: {  	[tilespmem:s17], [sflag:$0x2] =	stream.indirect_vreg.gather [hbm4b:s3+s2], $0x80, v3, vm0, $0xb8;
	[tilespmem:$0x18A00] =	vst v63  }
0x12a: {  	_ = 	snop  }
0x12b: {  	[tilespmem:s18], [sflag:$0x2] =	stream.indirect_vreg.gather [hbm4b:s5+s2], $0x80, v3, vm1, $0xb8;
	[tilespmem:$0x18A00] =	vst v63  }
0x12c: {  	v3 =	vld [tilespmem:s0+$0x60];
	_ =	sdelay $0x4  }
0x12d: {  	v62 =	vshrl.u32 v3, $0x3  }
0x12e: {  	v4 =	vmul.u32 $0x18, v62  }
0x12f: {  	v3 =	vand.u32 $0x7, v3  }
0x130: {  	v3 =	vor.u32 v3, v4  }
0x131: {  	v4 =	vperm.xlane v3, v0;
	_ =	sdelay $0x1  }
0x132: {  	v4 =	vadd.s32 v1, v4;
	_ =	sdelay $0x1  }
0x133: {  	v3 =	vperm.xlane v3, v2;
	_ =	sdelay $0x1  }
0x134: {  	v3 =	vadd.s32 v1, v3  }
0x135: {  	[tilespmem:s19], [sflag:$0x2] =	stream.indirect_vreg.gather [hbm4b:s3+s2], $0x80, v4, vm0, $0xb8;
	[tilespmem:$0x18A00] =	vst v63  }
0x136: {  	_ = 	snop  }
0x137: {  	[tilespmem:s20], [sflag:$0x2] =	stream.indirect_vreg.gather [hbm4b:s5+s2], $0x80, v4, vm1, $0xb8;
	[tilespmem:$0x18A00] =	vst v63  }
0x138: {  	_ = 	snop  }
0x139: {  	[tilespmem:s21], [sflag:$0x2] =	stream.indirect_vreg.gather [hbm4b:s3+s2], $0x80, v3, vm0, $0xb8;
	[tilespmem:$0x18A00] =	vst v63  }
0x13a: {  	_ = 	snop  }
0x13b: {  	[tilespmem:s22], [sflag:$0x2] =	stream.indirect_vreg.gather [hbm4b:s5+s2], $0x80, v3, vm1, $0xb8;
	[tilespmem:$0x18A00] =	vst v63  }
0x13c: {  	v3 =	vld [tilespmem:s0+$0x70];
	_ =	sdelay $0x4  }
0x13d: {  	v63 =	vshrl.u32 v3, $0x3  }
0x13e: {  	v4 =	vmul.u32 $0x18, v63  }
0x13f: {  	v3 =	vand.u32 $0x7, v3  }
0x140: {  	v3 =	vor.u32 v3, v4  }
0x141: {  	v4 =	vperm.xlane v3, v0;
	_ =	sdelay $0x1  }
0x142: {  	v4 =	vadd.s32 v1, v4;
	_ =	sdelay $0x1  }
0x143: {  	v3 =	vperm.xlane v3, v2;
	_ =	sdelay $0x1  }
0x144: {  	v3 =	vadd.s32 v1, v3  }
0x145: {  	[tilespmem:s23], [sflag:$0x2] =	stream.indirect_vreg.gather [hbm4b:s3+s2], $0x80, v4, vm0, $0xb8;
	[tilespmem:$0x18A00] =	vst v63  }
0x146: {  	_ = 	snop  }
0x147: {  	[tilespmem:s24], [sflag:$0x2] =	stream.indirect_vreg.gather [hbm4b:s5+s2], $0x80, v4, vm1, $0xb8;
	[tilespmem:$0x18A00] =	vst v63  }
0x148: {  	_ = 	snop  }
0x149: {  	[tilespmem:s25], [sflag:$0x2] =	stream.indirect_vreg.gather [hbm4b:s3+s2], $0x80, v3, vm0, $0xb8;
	[tilespmem:$0x18A00] =	vst v63  }
0x14a: {  	_ = 	snop  }
0x14b: {  	[tilespmem:s26], [sflag:$0x2] =	stream.indirect_vreg.gather [hbm4b:s5+s2], $0x80, v3, vm1, $0xb8;
	[tilespmem:$0x18A00] =	vst v63  }
0x14c: {  	_ =	swait.ge [sflag:s28], $0xC000  }
0x14d: {  	s7 =	rddreg [dreg:$0x2];
	[sflag:s28] =	ssyncset.done $0x0  }
0x14e: {  	[sflag:s28] =	ssyncadd.s32 $0xFFFF4000;
	s6 =	sadd.s32 s4, s7  }
0x14f: {  	[hbm4b:s6+s2] =	stream.linear.scatter [tilespmem:s8], [sflag:$0x3], $0xC000, $0x38;
	[tilespmem:$0x18A00] =	vst v63  }
0x150: {  	_ =	swait.ge [sflag:s29], $0xC000  }
0x151: {  	s7 =	rddreg [dreg:$0x3]  }
0x152: {  	s6 =	sadd.s32 s4, s7;
	s4 =	sadd.s32 $0x3000, s4  }
0x153: {  	p0 =	sne.s32 s4, $0x1E000  }
.Ltmp0:
0x154: {  	_ = 	snop;
	(pc) =	sbr.rel @p0 .LBB2_2-.Ltmp0, $4  }
0x155: {  	_ = 	snop  }
0x156: {  	[sflag:s29] =	ssyncset.done $0x0  }
0x157: {  	s0 =	sadd.s32 $0x100, s0;
	[sflag:s29] =	ssyncadd.s32 $0xFFFF4000  }
0x158: {  	[hbm4b:s6+s2] =	stream.linear.scatter [tilespmem:s9], [sflag:$0x4], $0xC000, $0x38;
	[tilespmem:$0x18A00] =	vst v63  }
0x159: {  	_ =	swait.ge [sflag:s30], $0xC000  }
0x15a: {  	[sflag:s30] =	ssyncset.done $0x0  }
0x15b: {  	[sflag:s30] =	ssyncadd.s32 $0xFFFF4000  }
0x15c: {  	_ =	swait.ge [sflag:s31], $0xC000  }
0x15d: {  	s0 =	sld [smem:$0x7F9];
	_ =	sdelay $0x1  }
0x15e: {  	s1 =	sadd.s32 $0x1, s1  }
0x15f: {  	p0 =	sne.s32 s1, s0  }
.Ltmp1:
0x160: {  	_ = 	snop;
	(pc) =	sbr.rel @p0 .LBB2_1-.Ltmp1, $3  }
0x161: {  	_ =	sdelay $0x1  }
0x162: {  	[sflag:s31] =	ssyncset.done $0x0  }
0x163: {  	[sflag:s31] =	ssyncadd.s32 $0xFFFF4000  }
0x164: {  	_ =	sfence.sel $0x180000  }
0x165: {  	[bflag:$0x0] =	sbarrier.arrive $0xFFFF  }
0x166: {  	_ =	strace $0x90000047  }
0x167: {  	s0 =	stileid.u32;
	[bflag:$0x2] =	sbarrier.arrive $0xFFFF  }
0x168: {  	p0 =	sne.s32 s0, $0x0;
	s0 =	rddreg [dreg:$0x1]  }
0x169: {  	s0 =	sadd.s32 @!p0 $0x100000, s0  }
0x16a: {  	[sflag:s0] =	ssyncadd.tile.s32 @!p0 $0x1;
	_ =	shalt  }
.Lfunc_end2:
_tile_overlayer_lowered:
.L_overlay_start_2:
0x16b: {  	(tag) =	ssettag $0x2  }
0x16c: {  	s0 =	rddreg [dreg:$0x0];
	s2 =	stileid.u32  }
0x16d: {  	s1 =	rddreg [dreg:$0x1];
	p0 =	sne.s32 s2, $0x0  }
0x16e: {  	s3 =	rddreg [dreg:$0x2];
	[bflag:$0x3] =	sbarrier.arrive $0xFFFF;
	s2 =	simm.s32 @!p0 $0x1C05  }
0x16f: {  	[timem:s3], [sflag:s2] =	dma.local @!p0 [hbm:s0], s1  }
0x170: {  	s0 =	simm.s32 @!p0 $0x5  }
0x171: {  	_ =	swait.ge @!p0 [sflag:s0], s1  }
0x172: {  	s1 =	ssub.s32 @!p0 $0x0, s1;
	[sflag:s0] =	ssyncset.done @!p0 $0x0  }
0x173: {  	[sflag:s0] =	ssyncadd.s32 @!p0 s1  }
0x174: {  	[bflag:$0x3] =	sbarrier.arrive $0xFFFF  }
0x175: {  	_ =	shalt  }

// kernel: kernel.9.cloned.1.call-start
scs
__scs_entry_jumppad:
0x0: {  	(pc) =	sbr.rel $0x88, $3  }
0x1: {  	(tag) =	ssettag $0x0;
	lr =	simm.s32 $0x1  }
0x2: {  	[smem:$0x3F8B] =	sst lr;
	_ =	strace $0xD0000000  }
0x3: {  	_ = 	snop  }
0x4: {  	_ = 	snop  }
0x5: {  	_ = 	snop  }
0x6: {  	_ = 	snop  }
0x7: {  	_ = 	snop  }
__scs_overlays_trampoline_lowered:
0x8: {  	[smem:$0x3F9A] =	sst s0  }
0x9: {  	[smem:$0x3F9B] =	sst s1  }
0xa: {  	[smem:$0x3F9C] =	sst s2  }
0xb: {  	[smem:$0x3F9D] =	sst s3  }
0xc: {  	[smem:$0x3F9E] =	sst s4  }
0xd: {  	[smem:$0x3F9F] =	sst s5  }
0xe: {  	[smem:$0x3FA0] =	sst s6  }
0xf: {  	[smem:$0x3FA1] =	sst s7  }
0x10: {  	[smem:$0x3FA2] =	sst s8  }
0x11: {  	[smem:$0x3FA3] =	sst s9;
	s0 =	simm.s32 @!p0 $0x0  }
0x12: {  	s1 =	sld [smem:$0x3F89];
	s0 =	simm.s32 @p0 $0x1  }
0x13: {  	[smem:$0x3FA4] =	sst s0;
	s0 =	simm.s32 @!p1 $0x0  }
0x14: {  	s2 =	sld [smem:$0x3F88];
	s0 =	simm.s32 @p1 $0x1  }
0x15: {  	[smem:$0x3FA5] =	sst s0;
	s0 =	simm.s32 @!p2 $0x0  }
0x16: {  	s3 =	sld [smem:$0x3FDB];
	s0 =	simm.s32 @p2 $0x1  }
0x17: {  	s4 =	simm.s32 $0x1BF5;
	[smem:$0x3FA7] =	sst s0  }
0x18: {  	s0 =	sld [smem:$0x3F8A];
	_ =	swait.ge [sflag:s4], $0x0  }
0x19: {  	s7 =	sld [smem:$0x3F8B]  }
0x1a: {  	s8 =	sadd.s32 $0xFFFFE003, lr  }
0x1b: {  	s9 =	sadd.s32 $0xFFFFFEF7, lr;
	s5 =	simm.s32 $0xFFFFFFFF;
	p2 =	slt.u32 s8, $0xFFFFF086  }
0x1c: {  	p1 =	slt.u32 s9, $0xF7A;
	s5 =	simm.s32 @!p2 $0x0  }
0x1d: {  	s5 =	simm.s32 @p1 $0x1;
	p0 =	seq.s32 s7, s2  }
0x1e: {  	s7 =	smul.u32 @!p0 $0xF7A, s2;
	p2 =	seq.s32 @!p0 s5, $0x0  }
0x1f: {  	s9 =	smul.u32 $0xF7A, s1;
	s8 =	simm.s32 @!p0 $0x1BF5;
	p2 =	por !p2, p0  }
0x20: {  	[sflag:s8] =	ssyncset.s32 @!p0 $0xFFFFF086;
	s6 =	sadd.s32 @!p0 s3, s7;
	s7 =	simm.s32 @!p0 $0x108  }
0x21: {  	s3 =	sadd.s32 s3, s9;
	s6 =	sadd.s32 @!p0 $0x88, s6;
	s7 =	simm.s32 @p2 $0x1082  }
0x22: {  	[simem:s7], [sflag:s8] =	dma.local @!p0 [hbm:s6], $0xF7A  }
0x23: {  	s9 =	sor.u32 $0xD0000000, s2;
	s6 =	simm.s32 $0x108;
	_ =	swait.ge @!p0 [sflag:s8], $0x0  }
0x24: {  	s3 =	sadd.s32 $0x88, s3;
	s6 =	simm.s32 @!p1 $0x1082;
	[sflag:s4] =	ssyncset.s32 $0xFFFFF086  }
0x25: {  	[simem:s6], [sflag:s4] =	dma.local [hbm:s3], $0xF7A  }
0x26: {  	[smem:$0x3F8B] =	sst s1;
	(tag) =	ssettag s2;
	_ =	strace s9  }
0x27: {  	s1 =	sld [smem:$0x3F9B]  }
0x28: {  	s2 =	sld [smem:$0x3F9C]  }
0x29: {  	s4 =	sld [smem:$0x3F9E]  }
0x2a: {  	p0 =	seq.s32 s5, $0x0;
	s5 =	sld [smem:$0x3F9F]  }
0x2b: {  	s6 =	sld [smem:$0x3FA0]  }
0x2c: {  	s7 =	sld [smem:$0x3FA1]  }
0x2d: {  	s3 =	simm.s32 $0x108;
	s8 =	sld [smem:$0x3FA2]  }
0x2e: {  	s3 =	simm.s32 @!p0 $0x1082;
	s9 =	sld [smem:$0x3FA3]  }
0x2f: {  	lr =	sadd.s32 s0, s3;
	s0 =	sld [smem:$0x3F9A]  }
0x30: {  	s3 =	sld [smem:$0x3F9D]  }
0x31: {  	[smem:$0x3FA6] =	sst s10  }
0x32: {  	s10 =	sld [smem:$0x3FA4];
	_ =	sdelay $0x3  }
0x33: {  	p0 =	seq.s32 s10, $0x1;
	s10 =	sld [smem:$0x3FA6];
	_ =	sdelay $0x3  }
0x34: {  	[smem:$0x3FA6] =	sst s10  }
0x35: {  	s10 =	sld [smem:$0x3FA5];
	_ =	sdelay $0x3  }
0x36: {  	p1 =	seq.s32 s10, $0x1;
	s10 =	sld [smem:$0x3FA6];
	_ =	sdelay $0x3  }
0x37: {  	[smem:$0x3FA6] =	sst s10  }
0x38: {  	s10 =	sld [smem:$0x3FA7]  }
0x39: {  	_ = 	snop;
	(pc) =	sbr.ind lr, $3  }
0x3a: {  	_ = 	snop  }
0x3b: {  	_ = 	snop  }
0x3c: {  	p2 =	seq.s32 s10, $0x1;
	s10 =	sld [smem:$0x3FA6]  }
0x3d: {  	_ =	shalt  }
0x3e: {  	_ =	shalt  }
0x3f: {  	_ =	shalt  }
0x40: {  	_ =	shalt  }
0x41: {  	_ =	shalt  }
0x42: {  	_ =	shalt  }
0x43: {  	_ =	shalt  }
0x44: {  	_ =	shalt  }
0x45: {  	_ =	shalt  }
0x46: {  	_ =	shalt  }
0x47: {  	_ =	shalt  }
0x48: {  	_ =	shalt  }
0x49: {  	_ =	shalt  }
0x4a: {  	_ =	shalt  }
0x4b: {  	_ =	shalt  }
0x4c: {  	_ =	shalt  }
0x4d: {  	_ =	shalt  }
0x4e: {  	_ =	shalt  }
0x4f: {  	_ =	shalt  }
0x50: {  	_ =	shalt  }
0x51: {  	_ =	shalt  }
0x52: {  	_ =	shalt  }
0x53: {  	_ =	shalt  }
0x54: {  	_ =	shalt  }
0x55: {  	_ =	shalt  }
0x56: {  	_ =	shalt  }
0x57: {  	_ =	shalt  }
0x58: {  	_ =	shalt  }
0x59: {  	_ =	shalt  }
0x5a: {  	_ =	shalt  }
0x5b: {  	_ =	shalt  }
0x5c: {  	_ =	shalt  }
0x5d: {  	_ =	shalt  }
0x5e: {  	_ =	shalt  }
0x5f: {  	_ =	shalt  }
0x60: {  	_ =	shalt  }
0x61: {  	_ =	shalt  }
0x62: {  	_ =	shalt  }
0x63: {  	_ =	shalt  }
0x64: {  	_ =	shalt  }
0x65: {  	_ =	shalt  }
0x66: {  	_ =	shalt  }
0x67: {  	_ =	shalt  }
0x68: {  	_ =	shalt  }
0x69: {  	_ =	shalt  }
0x6a: {  	_ =	shalt  }
0x6b: {  	_ =	shalt  }
0x6c: {  	_ =	shalt  }
0x6d: {  	_ =	shalt  }
0x6e: {  	_ =	shalt  }
0x6f: {  	_ =	shalt  }
0x70: {  	_ =	shalt  }
0x71: {  	_ =	shalt  }
0x72: {  	_ =	shalt  }
0x73: {  	_ =	shalt  }
0x74: {  	_ =	shalt  }
0x75: {  	_ =	shalt  }
0x76: {  	_ =	shalt  }
0x77: {  	_ =	shalt  }
0x78: {  	_ =	shalt  }
0x79: {  	_ =	shalt  }
0x7a: {  	_ =	shalt  }
0x7b: {  	_ =	shalt  }
0x7c: {  	_ =	shalt  }
0x7d: {  	_ =	shalt  }
0x7e: {  	_ =	shalt  }
0x7f: {  	_ =	shalt  }
0x80: {  	_ =	shalt  }
0x81: {  	_ =	shalt  }
0x82: {  	_ =	shalt  }
0x83: {  	_ =	shalt  }
0x84: {  	_ =	shalt  }
0x85: {  	_ =	shalt  }
0x86: {  	_ =	shalt  }
0x87: {  	_ =	shalt  }
.Lfunc_end0:
.L_simem_size_0:
called_computation_lowered:
.L_overlay_start_0:
0x88: {  	s2 =	sld [smem:$0x3FD9]  }
0x89: {  	s3 =	sld [smem:$0x3FFE];
	_ =	sdelay $0x1  }
0x8a: {  	s1 =	srdreg.scid  }
0x8b: {  	s0 =	sand.u32 $0x1, s1  }
0x8c: {  	s17 =	sshll.u32 s0, $0xA;
	s2 =	sadd.s32 s3, s2  }
0x8d: {  	s2 =	sadd.s32 s2, s17  }
0x8e: {  	[smem:$0x3FB2] =	sst s2  }
0x8f: {  	_ = 	snop  }
0x90: {  	(tm) =	ssettm $0x1  }
0x91: {  	s18 =	sld [smem:$0x3FFB];
	_ =	sdelay $0x3  }
0x92: {  	_ =	strace s18  }
0x93: {  	s2 =	sld [smem:$0x3FFC];
	_ =	sdelay $0x3  }
0x94: {  	_ =	strace s2  }
0x95: {  	s2 =	sld [smem:$0x3FFD];
	_ =	sdelay $0x3  }
0x96: {  	_ =	strace s2  }
0x97: {  	_ =	strace $0x8FFFFFFF  }
0x98: {  	s19 =	sld [smem:$0x3FDB];
	_ =	sdelay $0x1  }
0x99: {  	s20 =	simm.s32 $_scs_section_size  }
0x9a: {  	s4 =	simm.s32 $_size__tile_overlayer_lowered;
	s5 =	simm.s32 $_tile_overlayer_lowered  }
0x9b: {  	s6 =	simm.s32 $0x1BFF;
	s21 =	sshll.u32 s5, $0x1;
	s3 =	sadd.s32 s20, s19  }
0x9c: {  	s22 =	simm.s32 $0x0;
	s4 =	sshll.u32 s4, $0x1;
	s5 =	sadd.s32 s21, s3  }
0x9d: {  	[timem:s22], [sflag:s6] =	dma.local [hbm:s5], s4  }
0x9e: {  	_ =	swait.ge [sflag:s6], s4  }
0x9f: {  	s4 =	ssub.s32 $0x0, s4;
	[sflag:s6] =	ssyncset.done $0x0  }
0xa0: {  	[sflag:s6] =	ssyncadd.s32 s4;
	_ =	sdelay $0x1  }
0xa1: {  	s23 =	simm.s32 $0x1B8B  }
0xa2: {  	_ =	swait.ge [sflag:s23], $0x1  }
0xa3: {  	[sflag:s23] =	ssyncset.done $0x0  }
0xa4: {  	[sflag:s23] =	ssyncadd.s32 $0xFFFFFFFF  }
0xa5: {  	s4 =	sld [smem:$0x0]  }
0xa6: {  	s5 =	sand.u32 $0xFFFFFFFE, s1  }
0xa7: {  	p0 =	sne.s32 s1, s5  }
0xa8: {  	s5 =	sshll.u32 @p0 s5, $0xE  }
0xa9: {  	s5 =	sadd.s32 @p0 $0x11B8D, s5;
	s6 =	sshll.u32 @p0 s4, $0x11  }
0xaa: {  	s5 =	sor.u32 @p0 s6, s5  }
0xab: {  	[sflag:s5] =	ssyncadd.remote.s32 @p0 $0x1;
	_ =	sdelay $0x1  }
0xac: {  	s5 =	simm.s32 @p0 $0x1B8D  }
0xad: {  	_ =	swait.eq @p0 [sflag:s5], $0x1  }
0xae: {  	[sflag:s5] =	ssyncadd.s32 @p0 $0xFFFFFFFF  }
0xaf: {  	s6 =	sshll.u32 @!p0 s1, $0xE  }
0xb0: {  	s6 =	sor.u32 @!p0 $0x4000, s6;
	s5 =	simm.s32 @!p0 $0x1B8D  }
0xb1: {  	s4 =	sshll.u32 @!p0 s4, $0x11;
	s6 =	sadd.s32 @!p0 $0x11B8D, s6;
	_ =	swait.eq @!p0 [sflag:s5], $0x1  }
0xb2: {  	s4 =	sor.u32 @!p0 s4, s6;
	[sflag:s5] =	ssyncadd.s32 @!p0 $0xFFFFFFFF  }
0xb3: {  	s25 =	simm.s32 $0x1B8E;
	s24 =	sld [smem:$0x3FFE];
	[sflag:s4] =	ssyncadd.remote.s32 @!p0 $0x1  }
0xb4: {  	s26 =	simm.s32 $execute0_lowered;
	[smem:$0x3FD2] =	sst s25  }
0xb5: {  	s5 =	sshll.u32 s26, $0x1;
	_ =	strace $0x80000049;
	[dreg:$0x1] =	wrdreg $0xFFFFFFFF  }
0xb6: {  	s28 =	simm.s32 $_size_execute0_lowered;
	s3 =	sadd.s32 s3, s5;
	[dreg:$0x0] =	wrdreg $0x0  }
0xb7: {  	s5 =	sshll.u32 s28, $0x1;
	[dreg:$0x2] =	wrdreg s3  }
0xb8: {  	[dreg:$0x3] =	wrdreg s5  }
0xb9: {  	[dreg:$0x4] =	wrdreg $0xC0  }
0xba: {  	_ =	task [dreg:s22], $0x5FFFF  }
0xbb: {  	[dreg:$0x1] =	wrdreg $0xFFFFFFFF  }
0xbc: {  	[dreg:$0x0] =	wrdreg $0x60  }
0xbd: {  	[dreg:$0x2] =	wrdreg s24  }
0xbe: {  	[dreg:$0x3] =	wrdreg $0x9  }
0xbf: {  	_ =	task.clear_ibuf [dreg:s22], $0x4FFFF;
	_ =	strace $0x90000049  }
0xc0: {  	s29 =	simm.s32 $0x9;
	_ =	strace $0x8000004B  }
0xc1: {  	_ =	swait.ge [sflag:s29], $0x1  }
0xc2: {  	[sflag:s29] =	ssyncadd.s32 $0xFFFFFFFF  }
0xc3: {  	_ =	strace $0x9000004B  }
0xc4: {  	_ =	sfence  }
0xc5: {  	s30 =	sld [smem:$0x0];
	_ =	sdelay $0x2  }
0xc6: {  	s31 =	sshll.u32 s1, $0xD;
	s1 =	sshrl.u32 s1, $0x2  }
0xc7: {  	s4 =	sand.u32 $0x4000, s31;
	s1 =	sadd.s32 s1, s30  }
0xc8: {  	s0 =	sor.u32 s4, s0;
	s1 =	sshll.u32 s1, $0x11  }
0xc9: {  	s0 =	sor.u32 s1, s0  }
0xca: {  	s0 =	sadd.s32 $0x8F2B, s0  }
0xcb: {  	[sflag:s0] =	ssyncadd.remote.s32 $0x1  }
0xcc: {  	_ =	sfence.sel $0xFFFF  }
0xcd: {  	[dreg:$0x0] =	wrdreg $0xFFFFFFFF;
	(pc) =	sbr.abs _section_cstart, $3  }
0xce: {  	[dreg:$0x1] =	wrdreg $0xFFFFFFFF  }
0xcf: {  	_ =	task.clear_ibuf [dreg:s22], $0x2FFFF;
	_ =	strace $0x9FFFFFFF  }
0xd0: {  	(tm) =	ssettm $0x7FFFFFFF  }
0xd1: {  	_ =	shalt  }
tec
execute0_lowered:
.L_overlay_start_1:
0x0: {  	(tag) =	ssettag $0x1  }
0x1: {  	s0 =	srdreg.scid;
	s6 =	stileid.u32  }
0x2: {  	s1 =	sand.u32 $0x1, s0;
	s2 =	smul.u32 $0x1400, s6  }
0x3: {  	s3 =	smul.u32 $0xA00, s1;
	_ =	sdelay $0x1  }
0x4: {  	s0 =	rddreg [dreg:$0x0];
	s2 =	sadd.s32 s3, s2  }
0x5: {  	s3 =	sshrl.u32 s2, $0x3;
	s4 =	sor.u32 $0x80, s2;
	s2 =	simm.s32 $0x0  }
0x6: {  	s24 =	simm.s32 $0x1200;
	[smem:$0x7FF] =	sst s2  }
0x7: {  	s25 =	simm.s32 $0x1600;
	_ =	strace $0x8000004A;
	[dreg:$0x4] =	wrdreg s24  }
0x8: {  	s26 =	simm.s32 $0x1E00;
	[dreg:$0x5] =	wrdreg s25  }
0x9: {  	s7 =	simm.s32 $0x2E00;
	[dreg:$0x6] =	wrdreg s26  }
0xa: {  	s8 =	simm.s32 $0x3600;
	[dreg:$0x9] =	wrdreg s7  }
0xb: {  	s9 =	simm.s32 $0x3A00;
	[dreg:$0xa] =	wrdreg s8  }
0xc: {  	s10 =	simm.s32 $0x4200;
	[dreg:$0xb] =	wrdreg s9  }
0xd: {  	s11 =	simm.s32 $0x4600;
	[dreg:$0xc] =	wrdreg s10  }
0xe: {  	s12 =	simm.s32 $0x4E00;
	[dreg:$0xd] =	wrdreg s11  }
0xf: {  	s13 =	simm.s32 $0x5200;
	[dreg:$0xe] =	wrdreg s12  }
0x10: {  	s14 =	simm.s32 $0x5A00;
	[dreg:$0xf] =	wrdreg s13  }
0x11: {  	s15 =	simm.s32 $0x5E00;
	[dreg:$0x10] =	wrdreg s14  }
0x12: {  	s16 =	simm.s32 $0x6600;
	[dreg:$0x11] =	wrdreg s15  }
0x13: {  	s17 =	simm.s32 $0x6A00;
	[dreg:$0x12] =	wrdreg s16  }
0x14: {  	s18 =	simm.s32 $0x7200;
	[dreg:$0x13] =	wrdreg s17  }
0x15: {  	s19 =	simm.s32 $0x7600;
	[dreg:$0x14] =	wrdreg s18  }
0x16: {  	s20 =	simm.s32 $0x7E00;
	[dreg:$0x15] =	wrdreg s19  }
0x17: {  	s21 =	simm.s32 $0x8200;
	[dreg:$0x16] =	wrdreg s20  }
0x18: {  	s22 =	simm.s32 $0x8A00;
	[dreg:$0x17] =	wrdreg s21  }
0x19: {  	[dreg:$0x18] =	wrdreg s22;
	s24 =	simm.s32 $0x9600  }
0x1a: {  	s25 =	simm.s32 $0x9A00;
	[dreg:$0x1a] =	wrdreg s24  }
0x1b: {  	s26 =	simm.s32 $0xA200;
	[dreg:$0x1b] =	wrdreg s25  }
0x1c: {  	s7 =	simm.s32 $0xB200;
	[dreg:$0x1c] =	wrdreg s26  }
0x1d: {  	s8 =	simm.s32 $0xBA00;
	[dreg:$0x1f] =	wrdreg s7  }
0x1e: {  	s9 =	simm.s32 $0xBE00;
	[smem:$0x7EB] =	sst s8  }
0x1f: {  	s10 =	simm.s32 $0xC600;
	[smem:$0x7EC] =	sst s9  }
0x20: {  	s12 =	simm.s32 $0xD200;
	[smem:$0x7ED] =	sst s10  }
0x21: {  	s13 =	simm.s32 $0xD600;
	[smem:$0x7EE] =	sst s12  }
0x22: {  	s28 =	simm.s32 $0x1;
	s14 =	simm.s32 $0xDE00;
	[smem:$0x7EF] =	sst s13  }
0x23: {  	s29 =	simm.s32 $0x2;
	s15 =	simm.s32 $0xE200;
	[smem:$0x7F0] =	sst s14  }
0x24: {  	s30 =	simm.s32 $0x3;
	s16 =	simm.s32 $0xEA00;
	[smem:$0x7F1] =	sst s15  }
0x25: {  	s31 =	simm.s32 $0x4;
	s17 =	simm.s32 $0xEE00;
	[smem:$0x7F2] =	sst s16  }
0x26: {  	s5 =	sadd.s32 $0x466600, s0;
	s18 =	simm.s32 $0xF600;
	[smem:$0x7F3] =	sst s17  }
0x27: {  	s3 =	smul.u32 $0x180, s3;
	s20 =	simm.s32 $0xFA00;
	[smem:$0x7F4] =	sst s18  }
0x28: {  	s4 =	sshrl.u32 s4, $0x3;
	s21 =	simm.s32 $0x10200;
	[smem:$0x7F5] =	sst s20  }
0x29: {  	s4 =	smul.u32 $0x180, s4;
	s22 =	simm.s32 $0x10600;
	[smem:$0x7F7] =	sst s21  }
0x2a: {  	s11 =	sshll.u32 s6, $0x1;
	s3 =	sadd.s32 s3, s5;
	[smem:$0x7F8] =	sst s22  }
0x2b: {  	s24 =	simm.s32 $0x11200;
	s25 =	simm.s32 $0x11A00;
	s8 =	simm.s32 $0xA00  }
0x2c: {  	s26 =	simm.s32 $0x11E00;
	s9 =	simm.s32 $0xCA00;
	s10 =	simm.s32 $0x12600  }
0x2d: {  	s12 =	simm.s32 $0x13200;
	s13 =	simm.s32 $0x13600;
	s14 =	simm.s32 $0x13E00  }
0x2e: {  	s15 =	simm.s32 $0x14200;
	s16 =	simm.s32 $0x14A00;
	[dreg:$0x2] =	wrdreg s3  }
0x2f: {  	s17 =	simm.s32 $0x14E00;
	s18 =	simm.s32 $0x15600;
	[smem:$0x7FB] =	sst s24  }
0x30: {  	s20 =	simm.s32 $0x16200;
	s21 =	simm.s32 $0x16600;
	[smem:$0x7FC] =	sst s25  }
0x31: {  	s22 =	simm.s32 $0x16E00;
	s23 =	sadd.s32 s4, s5;
	[smem:$0x7FD] =	sst s26  }
0x32: {  	s4 =	simm.s32 $0x2200;
	s5 =	simm.s32 $0x2A00;
	[dreg:$0x3] =	wrdreg s23  }
0x33: {  	s3 =	sadd.s32 $0xA000, s0;
	s24 =	simm.s32 $0x17A00;
	[dreg:$0x7] =	wrdreg s4  }
0x34: {  	s25 =	simm.s32 $0x17E00;
	[dreg:$0x8] =	wrdreg s5;
	s23 =	simm.s32 $0x8E00  }
0x35: {  	s26 =	simm.s32 $0x18600;
	s4 =	simm.s32 $0xA600;
	[dreg:$0x19] =	wrdreg s23  }
0x36: {  	s5 =	simm.s32 $0xAE00;
	[dreg:$0x1d] =	wrdreg s4;
	s4 =	sor.u32 s1, s11  }
0x37: {  	[dreg:$0x1e] =	wrdreg s5;
	s1 =	ssub.s32 $0x2, s1;
	s4 =	smul.u32 $0xA00, s4  }
0x38: {  	s5 =	sadd.s32 $0xA100, s0;
	s23 =	simm.s32 $0x10E00;
	s19 =	sshrl.u32 s1, $0x1  }
0x39: {  	s11 =	simm.s32 $0x12A00;
	s1 =	ssub.s32 s1, s19;
	s4 =	sshrl.u32 s4, $0x3  }
0x3a: {  	v2 =	vlaneseq.u32;
	[smem:$0x7FA] =	sst s23;
	s1 =	smax.u32 s1, $0x1;
	s4 =	sadd.s32 s4, s0  }
0x3b: {  	vm0 =	vmmov $0xffff;
	vm1 =	vmmov $0xff;
	v1 =	vshrl.u32 v2, $0x3;
	s23 =	simm.s32 $0x17200;
	[smem:$0x7F9] =	sst s1;
	s4 =	sadd.s32 $0x5000, s4  }
0x3c: {  	v0 =	vand.u32 $0x7, v2;
	v2 =	vor.u32 $0x8, v2;
	v1 =	vmul.u32 $0x8, v1;
	s19 =	simm.s32 $0x15A00;
	s1 =	simm.s32 $0x0;
	[smem:$0x7F6] =	sst s4  }
.LBB2_1:
0x3d: {  	s0 =	sld [smem:$0x7F6];
	_ =	sdelay $0x1  }
0x3e: {  	s7 =	simm.s32 $0x5  }
0x3f: {  	[tilespmem:s2], [sflag:$0x5] =	stream.linear.gather [hbm4b:s0+s2], $0xA00, $0x38;
	[tilespmem:$0x18A00] =	vst v63  }
0x40: {  	_ =	swait.ge [sflag:s7], $0xA00  }
0x41: {  	[sflag:s7] =	ssyncset.done $0x0  }
0x42: {  	s4 =	simm.s32 $0x0;
	s0 =	simm.s32 $0x80;
	[sflag:s7] =	ssyncadd.s32 $0xFFFFF600  }
.LBB2_2:
0x43: {  	p0 =	seq.s32 s4, $0x0  }
0x44: {  	s6 =	simm.s32 @!p0 $0x3  }
0x45: {  	_ =	swait.ge @!p0 [sflag:s6], $0xC000  }
0x46: {  	[sflag:s6] =	ssyncset.done @!p0 $0x0  }
0x47: {  	[sflag:s6] =	ssyncadd.s32 @!p0 $0xFFFF4000  }
0x48: {  	v3 =	vld [tilespmem:s0+$0xFFFFFF80];
	_ =	sdelay $0x4  }
0x49: {  	v4 =	vshrl.u32 v3, $0x3  }
0x4a: {  	v4 =	vmul.u32 $0x18, v4  }
0x4b: {  	v3 =	vand.u32 $0x7, v3  }
0x4c: {  	v3 =	vor.u32 v3, v4  }
0x4d: {  	v4 =	vperm.xlane v3, v0;
	_ =	sdelay $0x1  }
0x4e: {  	v4 =	vadd.s32 v1, v4;
	_ =	sdelay $0x1  }
0x4f: {  	v3 =	vperm.xlane v3, v2;
	_ =	sdelay $0x1  }
0x50: {  	v3 =	vadd.s32 v1, v3  }
0x51: {  	[tilespmem:s8], [sflag:$0x1] =	stream.indirect_vreg.gather [hbm4b:s3+s2], $0x80, v4, vm0, $0xb8;
	[tilespmem:$0x18A00] =	vst v63  }
0x52: {  	s6 =	rddreg [dreg:$0x4]  }
0x53: {  	[tilespmem:s6], [sflag:$0x1] =	stream.indirect_vreg.gather [hbm4b:s5+s2], $0x80, v4, vm1, $0xb8;
	[tilespmem:$0x18A00] =	vst v63  }
0x54: {  	s7 =	rddreg [dreg:$0x5]  }
0x55: {  	[tilespmem:s7], [sflag:$0x1] =	stream.indirect_vreg.gather [hbm4b:s3+s2], $0x80, v3, vm0, $0xb8;
	[tilespmem:$0x18A00] =	vst v63  }
0x56: {  	s6 =	rddreg [dreg:$0x6]  }
0x57: {  	[tilespmem:s6], [sflag:$0x1] =	stream.indirect_vreg.gather [hbm4b:s5+s2], $0x80, v3, vm1, $0xb8;
	[tilespmem:$0x18A00] =	vst v63  }
0x58: {  	v3 =	vld [tilespmem:s0+$0xFFFFFF90];
	_ =	sdelay $0x4  }
0x59: {  	v49 =	vshrl.u32 v3, $0x3  }
0x5a: {  	v4 =	vmul.u32 $0x18, v49  }
0x5b: {  	v3 =	vand.u32 $0x7, v3  }
0x5c: {  	v3 =	vor.u32 v3, v4  }
0x5d: {  	v4 =	vperm.xlane v3, v0;
	_ =	sdelay $0x1  }
0x5e: {  	v4 =	vadd.s32 v1, v4;
	_ =	sdelay $0x1  }
0x5f: {  	v3 =	vperm.xlane v3, v2;
	_ =	sdelay $0x1  }
0x60: {  	s6 =	rddreg [dreg:$0x7];
	v3 =	vadd.s32 v1, v3  }
0x61: {  	[tilespmem:s6], [sflag:$0x1] =	stream.indirect_vreg.gather [hbm4b:s3+s2], $0x80, v4, vm0, $0xb8;
	[tilespmem:$0x18A00] =	vst v63  }
0x62: {  	s7 =	rddreg [dreg:$0x8]  }
0x63: {  	[tilespmem:s7], [sflag:$0x1] =	stream.indirect_vreg.gather [hbm4b:s5+s2], $0x80, v4, vm1, $0xb8;
	[tilespmem:$0x18A00] =	vst v63  }
0x64: {  	s6 =	rddreg [dreg:$0x9]  }
0x65: {  	[tilespmem:s6], [sflag:$0x1] =	stream.indirect_vreg.gather [hbm4b:s3+s2], $0x80, v3, vm0, $0xb8;
	[tilespmem:$0x18A00] =	vst v63  }
0x66: {  	s7 =	rddreg [dreg:$0xa]  }
0x67: {  	[tilespmem:s7], [sflag:$0x1] =	stream.indirect_vreg.gather [hbm4b:s5+s2], $0x80, v3, vm1, $0xb8;
	[tilespmem:$0x18A00] =	vst v63  }
0x68: {  	v3 =	vld [tilespmem:s0+$0xFFFFFFA0];
	_ =	sdelay $0x4  }
0x69: {  	v50 =	vshrl.u32 v3, $0x3  }
0x6a: {  	v4 =	vmul.u32 $0x18, v50  }
0x6b: {  	v3 =	vand.u32 $0x7, v3  }
0x6c: {  	v3 =	vor.u32 v3, v4  }
0x6d: {  	v4 =	vperm.xlane v3, v0;
	_ =	sdelay $0x1  }
0x6e: {  	v4 =	vadd.s32 v1, v4;
	_ =	sdelay $0x1  }
0x6f: {  	v3 =	vperm.xlane v3, v2;
	_ =	sdelay $0x1  }
0x70: {  	s6 =	rddreg [dreg:$0xb];
	v3 =	vadd.s32 v1, v3  }
0x71: {  	[tilespmem:s6], [sflag:$0x1] =	stream.indirect_vreg.gather [hbm4b:s3+s2], $0x80, v4, vm0, $0xb8;
	[tilespmem:$0x18A00] =	vst v63  }
0x72: {  	s7 =	rddreg [dreg:$0xc]  }
0x73: {  	[tilespmem:s7], [sflag:$0x1] =	stream.indirect_vreg.gather [hbm4b:s5+s2], $0x80, v4, vm1, $0xb8;
	[tilespmem:$0x18A00] =	vst v63  }
0x74: {  	s6 =	rddreg [dreg:$0xd]  }
0x75: {  	[tilespmem:s6], [sflag:$0x1] =	stream.indirect_vreg.gather [hbm4b:s3+s2], $0x80, v3, vm0, $0xb8;
	[tilespmem:$0x18A00] =	vst v63  }
0x76: {  	s7 =	rddreg [dreg:$0xe]  }
0x77: {  	[tilespmem:s7], [sflag:$0x1] =	stream.indirect_vreg.gather [hbm4b:s5+s2], $0x80, v3, vm1, $0xb8;
	[tilespmem:$0x18A00] =	vst v63  }
0x78: {  	v3 =	vld [tilespmem:s0+$0xFFFFFFB0];
	_ =	sdelay $0x4  }
0x79: {  	v51 =	vshrl.u32 v3, $0x3  }
0x7a: {  	v4 =	vmul.u32 $0x18, v51  }
0x7b: {  	v3 =	vand.u32 $0x7, v3  }
0x7c: {  	v3 =	vor.u32 v3, v4  }
0x7d: {  	v4 =	vperm.xlane v3, v0;
	_ =	sdelay $0x1  }
0x7e: {  	v4 =	vadd.s32 v1, v4;
	_ =	sdelay $0x1  }
0x7f: {  	v3 =	vperm.xlane v3, v2;
	_ =	sdelay $0x1  }
0x80: {  	s6 =	rddreg [dreg:$0xf];
	v3 =	vadd.s32 v1, v3  }
0x81: {  	[tilespmem:s6], [sflag:$0x1] =	stream.indirect_vreg.gather [hbm4b:s3+s2], $0x80, v4, vm0, $0xb8;
	[tilespmem:$0x18A00] =	vst v63  }
0x82: {  	s7 =	rddreg [dreg:$0x10]  }
0x83: {  	[tilespmem:s7], [sflag:$0x1] =	stream.indirect_vreg.gather [hbm4b:s5+s2], $0x80, v4, vm1, $0xb8;
	[tilespmem:$0x18A00] =	vst v63  }
0x84: {  	s6 =	rddreg [dreg:$0x11]  }
0x85: {  	[tilespmem:s6], [sflag:$0x1] =	stream.indirect_vreg.gather [hbm4b:s3+s2], $0x80, v3, vm0, $0xb8;
	[tilespmem:$0x18A00] =	vst v63  }
0x86: {  	s7 =	rddreg [dreg:$0x12]  }
0x87: {  	[tilespmem:s7], [sflag:$0x1] =	stream.indirect_vreg.gather [hbm4b:s5+s2], $0x80, v3, vm1, $0xb8;
	[tilespmem:$0x18A00] =	vst v63  }
0x88: {  	v3 =	vld [tilespmem:s0+$0xFFFFFFC0];
	_ =	sdelay $0x4  }
0x89: {  	v52 =	vshrl.u32 v3, $0x3  }
0x8a: {  	v4 =	vmul.u32 $0x18, v52  }
0x8b: {  	v3 =	vand.u32 $0x7, v3  }
0x8c: {  	v3 =	vor.u32 v3, v4  }
0x8d: {  	v4 =	vperm.xlane v3, v0;
	_ =	sdelay $0x1  }
0x8e: {  	v4 =	vadd.s32 v1, v4;
	_ =	sdelay $0x1  }
0x8f: {  	v3 =	vperm.xlane v3, v2;
	_ =	sdelay $0x1  }
0x90: {  	s6 =	rddreg [dreg:$0x13];
	v3 =	vadd.s32 v1, v3  }
0x91: {  	[tilespmem:s6], [sflag:$0x1] =	stream.indirect_vreg.gather [hbm4b:s3+s2], $0x80, v4, vm0, $0xb8;
	[tilespmem:$0x18A00] =	vst v63  }
0x92: {  	s7 =	rddreg [dreg:$0x14]  }
0x93: {  	[tilespmem:s7], [sflag:$0x1] =	stream.indirect_vreg.gather [hbm4b:s5+s2], $0x80, v4, vm1, $0xb8;
	[tilespmem:$0x18A00] =	vst v63  }
0x94: {  	s6 =	rddreg [dreg:$0x15]  }
0x95: {  	[tilespmem:s6], [sflag:$0x1] =	stream.indirect_vreg.gather [hbm4b:s3+s2], $0x80, v3, vm0, $0xb8;
	[tilespmem:$0x18A00] =	vst v63  }
0x96: {  	s7 =	rddreg [dreg:$0x16]  }
0x97: {  	[tilespmem:s7], [sflag:$0x1] =	stream.indirect_vreg.gather [hbm4b:s5+s2], $0x80, v3, vm1, $0xb8;
	[tilespmem:$0x18A00] =	vst v63  }
0x98: {  	v3 =	vld [tilespmem:s0+$0xFFFFFFD0];
	_ =	sdelay $0x4  }
0x99: {  	v53 =	vshrl.u32 v3, $0x3  }
0x9a: {  	v4 =	vmul.u32 $0x18, v53  }
0x9b: {  	v3 =	vand.u32 $0x7, v3  }
0x9c: {  	v3 =	vor.u32 v3, v4  }
0x9d: {  	v4 =	vperm.xlane v3, v0;
	_ =	sdelay $0x1  }
0x9e: {  	v4 =	vadd.s32 v1, v4;
	_ =	sdelay $0x1  }
0x9f: {  	v3 =	vperm.xlane v3, v2;
	_ =	sdelay $0x1  }
0xa0: {  	s6 =	rddreg [dreg:$0x17];
	v3 =	vadd.s32 v1, v3  }
0xa1: {  	[tilespmem:s6], [sflag:$0x1] =	stream.indirect_vreg.gather [hbm4b:s3+s2], $0x80, v4, vm0, $0xb8;
	[tilespmem:$0x18A00] =	vst v63  }
0xa2: {  	s7 =	rddreg [dreg:$0x18]  }
0xa3: {  	[tilespmem:s7], [sflag:$0x1] =	stream.indirect_vreg.gather [hbm4b:s5+s2], $0x80, v4, vm1, $0xb8;
	[tilespmem:$0x18A00] =	vst v63  }
0xa4: {  	s6 =	rddreg [dreg:$0x19]  }
0xa5: {  	[tilespmem:s6], [sflag:$0x1] =	stream.indirect_vreg.gather [hbm4b:s3+s2], $0x80, v3, vm0, $0xb8;
	[tilespmem:$0x18A00] =	vst v63  }
0xa6: {  	s7 =	rddreg [dreg:$0x1a]  }
0xa7: {  	[tilespmem:s7], [sflag:$0x1] =	stream.indirect_vreg.gather [hbm4b:s5+s2], $0x80, v3, vm1, $0xb8;
	[tilespmem:$0x18A00] =	vst v63  }
0xa8: {  	v3 =	vld [tilespmem:s0+$0xFFFFFFE0];
	_ =	sdelay $0x4  }
0xa9: {  	v54 =	vshrl.u32 v3, $0x3  }
0xaa: {  	v4 =	vmul.u32 $0x18, v54  }
0xab: {  	v3 =	vand.u32 $0x7, v3  }
0xac: {  	v3 =	vor.u32 v3, v4  }
0xad: {  	v4 =	vperm.xlane v3, v0;
	_ =	sdelay $0x1  }
0xae: {  	v4 =	vadd.s32 v1, v4;
	_ =	sdelay $0x1  }
0xaf: {  	v3 =	vperm.xlane v3, v2;
	_ =	sdelay $0x1  }
0xb0: {  	s6 =	rddreg [dreg:$0x1b];
	v3 =	vadd.s32 v1, v3  }
0xb1: {  	[tilespmem:s6], [sflag:$0x1] =	stream.indirect_vreg.gather [hbm4b:s3+s2], $0x80, v4, vm0, $0xb8;
	[tilespmem:$0x18A00] =	vst v63  }
0xb2: {  	s7 =	rddreg [dreg:$0x1c]  }
0xb3: {  	[tilespmem:s7], [sflag:$0x1] =	stream.indirect_vreg.gather [hbm4b:s5+s2], $0x80, v4, vm1, $0xb8;
	[tilespmem:$0x18A00] =	vst v63  }
0xb4: {  	s6 =	rddreg [dreg:$0x1d]  }
0xb5: {  	[tilespmem:s6], [sflag:$0x1] =	stream.indirect_vreg.gather [hbm4b:s3+s2], $0x80, v3, vm0, $0xb8;
	[tilespmem:$0x18A00] =	vst v63  }
0xb6: {  	s7 =	rddreg [dreg:$0x1e]  }
0xb7: {  	[tilespmem:s7], [sflag:$0x1] =	stream.indirect_vreg.gather [hbm4b:s5+s2], $0x80, v3, vm1, $0xb8;
	[tilespmem:$0x18A00] =	vst v63  }
0xb8: {  	v3 =	vld [tilespmem:s0+$0xFFFFFFF0];
	_ =	sdelay $0x4  }
0xb9: {  	v55 =	vshrl.u32 v3, $0x3  }
0xba: {  	v4 =	vmul.u32 $0x18, v55  }
0xbb: {  	v3 =	vand.u32 $0x7, v3  }
0xbc: {  	v3 =	vor.u32 v3, v4  }
0xbd: {  	v4 =	vperm.xlane v3, v0;
	_ =	sdelay $0x1  }
0xbe: {  	v4 =	vadd.s32 v1, v4;
	_ =	sdelay $0x1  }
0xbf: {  	v3 =	vperm.xlane v3, v2  }
0xc0: {  	s6 =	rddreg [dreg:$0x1f]  }
0xc1: {  	s7 =	sld [smem:$0x7EB];
	v3 =	vadd.s32 v1, v3  }
0xc2: {  	[tilespmem:s6], [sflag:$0x1] =	stream.indirect_vreg.gather [hbm4b:s3+s2], $0x80, v4, vm0, $0xb8;
	[tilespmem:$0x18A00] =	vst v63  }
0xc3: {  	s6 =	sld [smem:$0x7EC]  }
0xc4: {  	[tilespmem:s7], [sflag:$0x1] =	stream.indirect_vreg.gather [hbm4b:s5+s2], $0x80, v4, vm1, $0xb8;
	[tilespmem:$0x18A00] =	vst v63  }
0xc5: {  	s7 =	sld [smem:$0x7ED]  }
0xc6: {  	[tilespmem:s6], [sflag:$0x1] =	stream.indirect_vreg.gather [hbm4b:s3+s2], $0x80, v3, vm0, $0xb8;
	[tilespmem:$0x18A00] =	vst v63  }
0xc7: {  	s6 =	simm.s32 @!p0 $0x4  }
0xc8: {  	[tilespmem:s7], [sflag:$0x1] =	stream.indirect_vreg.gather [hbm4b:s5+s2], $0x80, v3, vm1, $0xb8;
	[tilespmem:$0x18A00] =	vst v63  }
0xc9: {  	_ =	swait.ge @!p0 [sflag:s6], $0xC000  }
0xca: {  	[sflag:s6] =	ssyncset.done @!p0 $0x0  }
0xcb: {  	[sflag:s6] =	ssyncadd.s32 @!p0 $0xFFFF4000  }
0xcc: {  	v3 =	vld [tilespmem:s0+$0x0];
	_ =	sdelay $0x4  }
0xcd: {  	v56 =	vshrl.u32 v3, $0x3  }
0xce: {  	v4 =	vmul.u32 $0x18, v56  }
0xcf: {  	v3 =	vand.u32 $0x7, v3  }
0xd0: {  	v3 =	vor.u32 v3, v4  }
0xd1: {  	v4 =	vperm.xlane v3, v0;
	_ =	sdelay $0x1  }
0xd2: {  	v4 =	vadd.s32 v1, v4;
	_ =	sdelay $0x1  }
0xd3: {  	v3 =	vperm.xlane v3, v2;
	_ =	sdelay $0x1  }
0xd4: {  	s6 =	sld [smem:$0x7EE];
	v3 =	vadd.s32 v1, v3  }
0xd5: {  	[tilespmem:s9], [sflag:$0x2] =	stream.indirect_vreg.gather [hbm4b:s3+s2], $0x80, v4, vm0, $0xb8;
	[tilespmem:$0x18A00] =	vst v63  }
0xd6: {  	s7 =	sld [smem:$0x7EF]  }
0xd7: {  	[tilespmem:s6], [sflag:$0x2] =	stream.indirect_vreg.gather [hbm4b:s5+s2], $0x80, v4, vm1, $0xb8;
	[tilespmem:$0x18A00] =	vst v63  }
0xd8: {  	s6 =	sld [smem:$0x7F0]  }
0xd9: {  	[tilespmem:s7], [sflag:$0x2] =	stream.indirect_vreg.gather [hbm4b:s3+s2], $0x80, v3, vm0, $0xb8;
	[tilespmem:$0x18A00] =	vst v63  }
0xda: {  	_ = 	snop  }
0xdb: {  	[tilespmem:s6], [sflag:$0x2] =	stream.indirect_vreg.gather [hbm4b:s5+s2], $0x80, v3, vm1, $0xb8;
	[tilespmem:$0x18A00] =	vst v63  }
0xdc: {  	v3 =	vld [tilespmem:s0+$0x10];
	_ =	sdelay $0x4  }
0xdd: {  	v57 =	vshrl.u32 v3, $0x3  }
0xde: {  	v4 =	vmul.u32 $0x18, v57  }
0xdf: {  	v3 =	vand.u32 $0x7, v3  }
0xe0: {  	v3 =	vor.u32 v3, v4  }
0xe1: {  	v4 =	vperm.xlane v3, v0;
	_ =	sdelay $0x1  }
0xe2: {  	v4 =	vadd.s32 v1, v4;
	_ =	sdelay $0x1  }
0xe3: {  	s6 =	sld [smem:$0x7F1];
	v3 =	vperm.xlane v3, v2;
	_ =	sdelay $0x1  }
0xe4: {  	s7 =	sld [smem:$0x7F2];
	v3 =	vadd.s32 v1, v3  }
0xe5: {  	[tilespmem:s6], [sflag:$0x2] =	stream.indirect_vreg.gather [hbm4b:s3+s2], $0x80, v4, vm0, $0xb8;
	[tilespmem:$0x18A00] =	vst v63  }
0xe6: {  	s6 =	sld [smem:$0x7F3]  }
0xe7: {  	[tilespmem:s7], [sflag:$0x2] =	stream.indirect_vreg.gather [hbm4b:s5+s2], $0x80, v4, vm1, $0xb8;
	[tilespmem:$0x18A00] =	vst v63  }
0xe8: {  	s7 =	sld [smem:$0x7F4]  }
0xe9: {  	[tilespmem:s6], [sflag:$0x2] =	stream.indirect_vreg.gather [hbm4b:s3+s2], $0x80, v3, vm0, $0xb8;
	[tilespmem:$0x18A00] =	vst v63  }
0xea: {  	_ = 	snop  }
0xeb: {  	[tilespmem:s7], [sflag:$0x2] =	stream.indirect_vreg.gather [hbm4b:s5+s2], $0x80, v3, vm1, $0xb8;
	[tilespmem:$0x18A00] =	vst v63  }
0xec: {  	v3 =	vld [tilespmem:s0+$0x20];
	_ =	sdelay $0x4  }
0xed: {  	v58 =	vshrl.u32 v3, $0x3  }
0xee: {  	v4 =	vmul.u32 $0x18, v58  }
0xef: {  	v3 =	vand.u32 $0x7, v3  }
0xf0: {  	v3 =	vor.u32 v3, v4  }
0xf1: {  	v4 =	vperm.xlane v3, v0;
	_ =	sdelay $0x1  }
0xf2: {  	v4 =	vadd.s32 v1, v4;
	_ =	sdelay $0x1  }
0xf3: {  	s6 =	sld [smem:$0x7F5];
	v3 =	vperm.xlane v3, v2;
	_ =	sdelay $0x1  }
0xf4: {  	s7 =	sld [smem:$0x7F7];
	v3 =	vadd.s32 v1, v3  }
0xf5: {  	[tilespmem:s6], [sflag:$0x2] =	stream.indirect_vreg.gather [hbm4b:s3+s2], $0x80, v4, vm0, $0xb8;
	[tilespmem:$0x18A00] =	vst v63  }
0xf6: {  	s6 =	sld [smem:$0x7F8]  }
0xf7: {  	[tilespmem:s7], [sflag:$0x2] =	stream.indirect_vreg.gather [hbm4b:s5+s2], $0x80, v4, vm1, $0xb8;
	[tilespmem:$0x18A00] =	vst v63  }
0xf8: {  	s7 =	sld [smem:$0x7FA]  }
0xf9: {  	[tilespmem:s6], [sflag:$0x2] =	stream.indirect_vreg.gather [hbm4b:s3+s2], $0x80, v3, vm0, $0xb8;
	[tilespmem:$0x18A00] =	vst v63  }
0xfa: {  	_ = 	snop  }
0xfb: {  	[tilespmem:s7], [sflag:$0x2] =	stream.indirect_vreg.gather [hbm4b:s5+s2], $0x80, v3, vm1, $0xb8;
	[tilespmem:$0x18A00] =	vst v63  }
0xfc: {  	v3 =	vld [tilespmem:s0+$0x30];
	_ =	sdelay $0x4  }
0xfd: {  	v59 =	vshrl.u32 v3, $0x3  }
0xfe: {  	v4 =	vmul.u32 $0x18, v59  }
0xff: {  	v3 =	vand.u32 $0x7, v3  }
0x100: {  	v3 =	vor.u32 v3, v4  }
0x101: {  	v4 =	vperm.xlane v3, v0;
	_ =	sdelay $0x1  }
0x102: {  	v4 =	vadd.s32 v1, v4;
	_ =	sdelay $0x1  }
0x103: {  	s6 =	sld [smem:$0x7FB];
	v3 =	vperm.xlane v3, v2;
	_ =	sdelay $0x1  }
0x104: {  	s7 =	sld [smem:$0x7FC];
	v3 =	vadd.s32 v1, v3  }
0x105: {  	[tilespmem:s6], [sflag:$0x2] =	stream.indirect_vreg.gather [hbm4b:s3+s2], $0x80, v4, vm0, $0xb8;
	[tilespmem:$0x18A00] =	vst v63  }
0x106: {  	s6 =	sld [smem:$0x7FD]  }
0x107: {  	[tilespmem:s7], [sflag:$0x2] =	stream.indirect_vreg.gather [hbm4b:s5+s2], $0x80, v4, vm1, $0xb8;
	[tilespmem:$0x18A00] =	vst v63  }
0x108: {  	_ = 	snop  }
0x109: {  	[tilespmem:s6], [sflag:$0x2] =	stream.indirect_vreg.gather [hbm4b:s3+s2], $0x80, v3, vm0, $0xb8;
	[tilespmem:$0x18A00] =	vst v63  }
0x10a: {  	_ = 	snop  }
0x10b: {  	[tilespmem:s10], [sflag:$0x2] =	stream.indirect_vreg.gather [hbm4b:s5+s2], $0x80, v3, vm1, $0xb8;
	[tilespmem:$0x18A00] =	vst v63  }
0x10c: {  	v3 =	vld [tilespmem:s0+$0x40];
	_ =	sdelay $0x4  }
0x10d: {  	v60 =	vshrl.u32 v3, $0x3  }
0x10e: {  	v4 =	vmul.u32 $0x18, v60  }
0x10f: {  	v3 =	vand.u32 $0x7, v3  }
0x110: {  	v3 =	vor.u32 v3, v4  }
0x111: {  	v4 =	vperm.xlane v3, v0;
	_ =	sdelay $0x1  }
0x112: {  	v4 =	vadd.s32 v1, v4;
	_ =	sdelay $0x1  }
0x113: {  	v3 =	vperm.xlane v3, v2;
	_ =	sdelay $0x1  }
0x114: {  	v3 =	vadd.s32 v1, v3  }
0x115: {  	[tilespmem:s11], [sflag:$0x2] =	stream.indirect_vreg.gather [hbm4b:s3+s2], $0x80, v4, vm0, $0xb8;
	[tilespmem:$0x18A00] =	vst v63  }
0x116: {  	_ = 	snop  }
0x117: {  	[tilespmem:s12], [sflag:$0x2] =	stream.indirect_vreg.gather [hbm4b:s5+s2], $0x80, v4, vm1, $0xb8;
	[tilespmem:$0x18A00] =	vst v63  }
0x118: {  	_ = 	snop  }
0x119: {  	[tilespmem:s13], [sflag:$0x2] =	stream.indirect_vreg.gather [hbm4b:s3+s2], $0x80, v3, vm0, $0xb8;
	[tilespmem:$0x18A00] =	vst v63  }
0x11a: {  	_ = 	snop  }
0x11b: {  	[tilespmem:s14], [sflag:$0x2] =	stream.indirect_vreg.gather [hbm4b:s5+s2], $0x80, v3, vm1, $0xb8;
	[tilespmem:$0x18A00] =	vst v63  }
0x11c: {  	v3 =	vld [tilespmem:s0+$0x50];
	_ =	sdelay $0x4  }
0x11d: {  	v61 =	vshrl.u32 v3, $0x3  }
0x11e: {  	v4 =	vmul.u32 $0x18, v61  }
0x11f: {  	v3 =	vand.u32 $0x7, v3  }
0x120: {  	v3 =	vor.u32 v3, v4  }
0x121: {  	v4 =	vperm.xlane v3, v0;
	_ =	sdelay $0x1  }
0x122: {  	v4 =	vadd.s32 v1, v4;
	_ =	sdelay $0x1  }
0x123: {  	v3 =	vperm.xlane v3, v2;
	_ =	sdelay $0x1  }
0x124: {  	v3 =	vadd.s32 v1, v3  }
0x125: {  	[tilespmem:s15], [sflag:$0x2] =	stream.indirect_vreg.gather [hbm4b:s3+s2], $0x80, v4, vm0, $0xb8;
	[tilespmem:$0x18A00] =	vst v63  }
0x126: {  	_ = 	snop  }
0x127: {  	[tilespmem:s16], [sflag:$0x2] =	stream.indirect_vreg.gather [hbm4b:s5+s2], $0x80, v4, vm1, $0xb8;
	[tilespmem:$0x18A00] =	vst v63  }
0x128: {  	_ = 	snop  }
0x129: {  	[tilespmem:s17], [sflag:$0x2] =	stream.indirect_vreg.gather [hbm4b:s3+s2], $0x80, v3, vm0, $0xb8;
	[tilespmem:$0x18A00] =	vst v63  }
0x12a: {  	_ = 	snop  }
0x12b: {  	[tilespmem:s18], [sflag:$0x2] =	stream.indirect_vreg.gather [hbm4b:s5+s2], $0x80, v3, vm1, $0xb8;
	[tilespmem:$0x18A00] =	vst v63  }
0x12c: {  	v3 =	vld [tilespmem:s0+$0x60];
	_ =	sdelay $0x4  }
0x12d: {  	v62 =	vshrl.u32 v3, $0x3  }
0x12e: {  	v4 =	vmul.u32 $0x18, v62  }
0x12f: {  	v3 =	vand.u32 $0x7, v3  }
0x130: {  	v3 =	vor.u32 v3, v4  }
0x131: {  	v4 =	vperm.xlane v3, v0;
	_ =	sdelay $0x1  }
0x132: {  	v4 =	vadd.s32 v1, v4;
	_ =	sdelay $0x1  }
0x133: {  	v3 =	vperm.xlane v3, v2;
	_ =	sdelay $0x1  }
0x134: {  	v3 =	vadd.s32 v1, v3  }
0x135: {  	[tilespmem:s19], [sflag:$0x2] =	stream.indirect_vreg.gather [hbm4b:s3+s2], $0x80, v4, vm0, $0xb8;
	[tilespmem:$0x18A00] =	vst v63  }
0x136: {  	_ = 	snop  }
0x137: {  	[tilespmem:s20], [sflag:$0x2] =	stream.indirect_vreg.gather [hbm4b:s5+s2], $0x80, v4, vm1, $0xb8;
	[tilespmem:$0x18A00] =	vst v63  }
0x138: {  	_ = 	snop  }
0x139: {  	[tilespmem:s21], [sflag:$0x2] =	stream.indirect_vreg.gather [hbm4b:s3+s2], $0x80, v3, vm0, $0xb8;
	[tilespmem:$0x18A00] =	vst v63  }
0x13a: {  	_ = 	snop  }
0x13b: {  	[tilespmem:s22], [sflag:$0x2] =	stream.indirect_vreg.gather [hbm4b:s5+s2], $0x80, v3, vm1, $0xb8;
	[tilespmem:$0x18A00] =	vst v63  }
0x13c: {  	v3 =	vld [tilespmem:s0+$0x70];
	_ =	sdelay $0x4  }
0x13d: {  	v63 =	vshrl.u32 v3, $0x3  }
0x13e: {  	v4 =	vmul.u32 $0x18, v63  }
0x13f: {  	v3 =	vand.u32 $0x7, v3  }
0x140: {  	v3 =	vor.u32 v3, v4  }
0x141: {  	v4 =	vperm.xlane v3, v0;
	_ =	sdelay $0x1  }
0x142: {  	v4 =	vadd.s32 v1, v4;
	_ =	sdelay $0x1  }
0x143: {  	v3 =	vperm.xlane v3, v2;
	_ =	sdelay $0x1  }
0x144: {  	v3 =	vadd.s32 v1, v3  }
0x145: {  	[tilespmem:s23], [sflag:$0x2] =	stream.indirect_vreg.gather [hbm4b:s3+s2], $0x80, v4, vm0, $0xb8;
	[tilespmem:$0x18A00] =	vst v63  }
0x146: {  	_ = 	snop  }
0x147: {  	[tilespmem:s24], [sflag:$0x2] =	stream.indirect_vreg.gather [hbm4b:s5+s2], $0x80, v4, vm1, $0xb8;
	[tilespmem:$0x18A00] =	vst v63  }
0x148: {  	_ = 	snop  }
0x149: {  	[tilespmem:s25], [sflag:$0x2] =	stream.indirect_vreg.gather [hbm4b:s3+s2], $0x80, v3, vm0, $0xb8;
	[tilespmem:$0x18A00] =	vst v63  }
0x14a: {  	_ = 	snop  }
0x14b: {  	[tilespmem:s26], [sflag:$0x2] =	stream.indirect_vreg.gather [hbm4b:s5+s2], $0x80, v3, vm1, $0xb8;
	[tilespmem:$0x18A00] =	vst v63  }
0x14c: {  	_ =	swait.ge [sflag:s28], $0xC000  }
0x14d: {  	s7 =	rddreg [dreg:$0x2];
	[sflag:s28] =	ssyncset.done $0x0  }
0x14e: {  	[sflag:s28] =	ssyncadd.s32 $0xFFFF4000;
	s6 =	sadd.s32 s4, s7  }
0x14f: {  	[hbm4b:s6+s2] =	stream.linear.scatter [tilespmem:s8], [sflag:$0x3], $0xC000, $0x38;
	[tilespmem:$0x18A00] =	vst v63  }
0x150: {  	_ =	swait.ge [sflag:s29], $0xC000  }
0x151: {  	s7 =	rddreg [dreg:$0x3]  }
0x152: {  	s6 =	sadd.s32 s4, s7;
	s4 =	sadd.s32 $0x3000, s4  }
0x153: {  	p0 =	sne.s32 s4, $0x1E000  }
.Ltmp0:
0x154: {  	_ = 	snop;
	(pc) =	sbr.rel @p0 .LBB2_2-.Ltmp0, $4  }
0x155: {  	_ = 	snop  }
0x156: {  	[sflag:s29] =	ssyncset.done $0x0  }
0x157: {  	s0 =	sadd.s32 $0x100, s0;
	[sflag:s29] =	ssyncadd.s32 $0xFFFF4000  }
0x158: {  	[hbm4b:s6+s2] =	stream.linear.scatter [tilespmem:s9], [sflag:$0x4], $0xC000, $0x38;
	[tilespmem:$0x18A00] =	vst v63  }
0x159: {  	_ =	swait.ge [sflag:s30], $0xC000  }
0x15a: {  	[sflag:s30] =	ssyncset.done $0x0  }
0x15b: {  	[sflag:s30] =	ssyncadd.s32 $0xFFFF4000  }
0x15c: {  	_ =	swait.ge [sflag:s31], $0xC000  }
0x15d: {  	s0 =	sld [smem:$0x7F9];
	_ =	sdelay $0x1  }
0x15e: {  	s1 =	sadd.s32 $0x1, s1  }
0x15f: {  	p0 =	sne.s32 s1, s0  }
.Ltmp1:
0x160: {  	_ = 	snop;
	(pc) =	sbr.rel @p0 .LBB2_1-.Ltmp1, $3  }
0x161: {  	_ =	sdelay $0x1  }
0x162: {  	[sflag:s31] =	ssyncset.done $0x0  }
0x163: {  	[sflag:s31] =	ssyncadd.s32 $0xFFFF4000  }
0x164: {  	_ =	sfence.sel $0x180000  }
0x165: {  	[bflag:$0x0] =	sbarrier.arrive $0xFFFF  }
0x166: {  	_ =	strace $0x9000004A  }
0x167: {  	s0 =	stileid.u32;
	[bflag:$0x2] =	sbarrier.arrive $0xFFFF  }
0x168: {  	p0 =	sne.s32 s0, $0x0;
	s0 =	rddreg [dreg:$0x1]  }
0x169: {  	s0 =	sadd.s32 @!p0 $0x100000, s0  }
0x16a: {  	[sflag:s0] =	ssyncadd.tile.s32 @!p0 $0x1;
	_ =	shalt  }
.Lfunc_end2:
_tile_overlayer_lowered:
.L_overlay_start_2:
0x16b: {  	(tag) =	ssettag $0x2  }
0x16c: {  	s0 =	rddreg [dreg:$0x0];
	s2 =	stileid.u32  }
0x16d: {  	s1 =	rddreg [dreg:$0x1];
	p0 =	sne.s32 s2, $0x0  }
0x16e: {  	s3 =	rddreg [dreg:$0x2];
	[bflag:$0x3] =	sbarrier.arrive $0xFFFF;
	s2 =	simm.s32 @!p0 $0x1C05  }
0x16f: {  	[timem:s3], [sflag:s2] =	dma.local @!p0 [hbm:s0], s1  }
0x170: {  	s0 =	simm.s32 @!p0 $0x5  }
0x171: {  	_ =	swait.ge @!p0 [sflag:s0], s1  }
0x172: {  	s1 =	ssub.s32 @!p0 $0x0, s1;
	[sflag:s0] =	ssyncset.done @!p0 $0x0  }
0x173: {  	[sflag:s0] =	ssyncadd.s32 @!p0 s1  }
0x174: {  	[bflag:$0x3] =	sbarrier.arrive $0xFFFF  }
0x175: {  	_ =	shalt  }

</sc_bundles>
